<compile_context>
chip_gen: v7x
topology: tpu7x:2x2x1
jax: 0.10.2.dev20260603
libtpu: 0.0.44.dev20260713+nightly
codegen_flags: <defaults>
</compile_context>

<pallas_src>
import functools

import jax
import jax.numpy as jnp
from jax import lax
from jax.experimental import pallas as pl
from jax.experimental.pallas import tpu as pltpu
from jax.experimental.pallas import tpu_sc as plsc

N = 10000
H = 128
E = 640000
NC, NS = 2, 16
NW = NC * NS
K = 125
NCHUNK = 160
EPW = NCHUNK * K
NP = 10240
RPT = NP // NS

PASSES = 3
NH = 3360
AROW = 3456
APT = AROW // NS
TRASH = 3400

R = 2000
GRID = N // R

_sc_mesh = plsc.VectorSubcoreMesh(core_axis_name="c", subcore_axis_name="s")



@functools.partial(
    pl.kernel,
    out_type=jax.ShapeDtypeStruct((NC, NS, NP), jnp.float32),
    mesh=_sc_mesh,
    compiler_params=pltpu.CompilerParams(needs_layout_passes=False),
    scratch_types=[
        pltpu.VMEM((EPW,), jnp.int32),
        pltpu.VMEM((NP,), jnp.float32),
    ],
)
def _sc_degree(dst_hbm, out_hbm, dst_v, hist_v):
    c = lax.axis_index("c")
    s = lax.axis_index("s")
    wid = s * NC + c
    pltpu.sync_copy(dst_hbm.at[wid], dst_v)
    def zfill(i, _):
        hist_v[pl.ds(i * 16, 16)] = jnp.zeros((16,), jnp.float32)
        return 0
    lax.fori_loop(0, NP // 16, zfill, 0)
    ones = jnp.ones((16,), jnp.float32)

    def body(i, _):
        idx = dst_v[pl.ds(i * 16, 16)]
        plsc.addupdate_scatter(hist_v, [idx], ones)
        return 0
    lax.fori_loop(0, EPW // 16, body, 0)
    pltpu.sync_copy(hist_v, out_hbm.at[c, s])


@functools.partial(
    pl.kernel,
    out_type=jax.ShapeDtypeStruct((NC, PASSES, AROW, H), jnp.float32),
    mesh=_sc_mesh,
    scratch_types=[
        pltpu.VMEM((NCHUNK, K), jnp.int32),
        pltpu.VMEM((NCHUNK, K), jnp.int32),
        pltpu.VMEM((2, K, H), jnp.float32),
        pltpu.VMEM((64, H), jnp.float32),
        pltpu.SemaphoreType.DMA,
        pltpu.SemaphoreType.DMA,
        pltpu.SemaphoreType.DMA,
        pltpu.SemaphoreType.DMA,
        pltpu.VMEM_SHARED((AROW, H), jnp.float32),
    ],
)
def _sc_propagate(m_hbm, src_hbm, dstl_hbm, out_hbm,
                  src_v, dstl_v, rows_v, zrows_v, sem0, sem1, sem2, sem3,
                  acc):
    c = lax.axis_index("c")
    s = lax.axis_index("s")
    wid = s * NC + c
    pltpu.sync_copy(src_hbm.at[wid], src_v)

    def zrow(i, _):
        for j in range(H // 16):
            zrows_v[i, pl.ds(j * 16, 16)] = jnp.zeros((16,), jnp.float32)
        return 0
    lax.fori_loop(0, 64, zrow, 0)

    for half in range(PASSES):
        pltpu.sync_copy(dstl_hbm.at[half, wid], dstl_v)
        for t in range(3):
            pltpu.sync_copy(zrows_v, acc.at[pl.ds(s * APT + 64 * t, 64)])
        pltpu.sync_copy(zrows_v.at[pl.ds(0, APT - 192)],
                        acc.at[pl.ds(s * APT + 192, APT - 192)])
        plsc.subcore_barrier()

        def body(g2, _):
            d0 = pltpu.async_copy(m_hbm.at[src_v.at[2 * g2]], rows_v.at[0],
                                  sem0)
            d1 = pltpu.async_copy(m_hbm.at[src_v.at[2 * g2 + 1]],
                                  rows_v.at[1], sem1)
            d0.wait()
            e0 = pltpu.async_copy(rows_v.at[0], acc.at[dstl_v.at[2 * g2]],
                                  sem2, add=True)
            d1.wait()
            e1 = pltpu.async_copy(rows_v.at[1],
                                  acc.at[dstl_v.at[2 * g2 + 1]],
                                  sem3, add=True)
            e0.wait()
            e1.wait()
            return 0
        lax.fori_loop(0, NCHUNK // 2, body, 0)

        plsc.subcore_barrier()
        pltpu.sync_copy(acc.at[pl.ds(s * APT, APT)],
                        out_hbm.at[c, half, pl.ds(s * APT, APT)])



def _lrelu(v):
    return jnp.where(v >= 0, v, 0.01 * v)


def _prep_body(deg_ref, dst_ref, dinv_ref, *dl_refs):
    d = jnp.sum(deg_ref[...], axis=0, keepdims=True) + 1.0
    dinv_ref[...] = jnp.transpose(lax.rsqrt(d), (1, 0))
    dv = dst_ref[...]
    for p in range(PASSES):
        lp = dv - p * NH
        dl_refs[p][...] = jnp.where((lp < 0) | (lp >= NH), TRASH, lp)


def _prologue_body(x_ref, p0_ref, dinv_ref, w1_ref, b1_ref, w2_ref, b2_ref,
                   wih_ref, bih_ref, whh_ref, bhh_ref, wc1_ref,
                   emb0_ref, m1_ref):
    f32 = jnp.float32
    h1 = _lrelu(jnp.dot(x_ref[...], w1_ref[...], preferred_element_type=f32)
                + b1_ref[...])
    h2 = _lrelu(jnp.dot(h1, w2_ref[...], preferred_element_type=f32)
                + b2_ref[...])
    gi = jnp.dot(h2, wih_ref[...], preferred_element_type=f32) + bih_ref[...]
    p0 = p0_ref[...]
    gh = jnp.dot(p0, whh_ref[...], preferred_element_type=f32) + bhh_ref[...]
    r = jax.nn.sigmoid(gi[:, :H] + gh[:, :H])
    z = jax.nn.sigmoid(gi[:, H:2 * H] + gh[:, H:2 * H])
    n = jnp.tanh(gi[:, 2 * H:] + r * gh[:, 2 * H:])
    e0 = (1.0 - z) * n + z * p0
    emb0_ref[...] = e0
    m1_ref[...] = dinv_ref[...] * jnp.dot(e0, wc1_ref[...],
                                          preferred_element_type=f32)


def _combine_body(p_ref, m_ref, dinv_ref, b_ref, w_ref, emb_ref, nxt_ref):
    dinv = dinv_ref[...]
    conv = dinv * (p_ref[0] + p_ref[1] + m_ref[...]) + b_ref[...]
    e = _lrelu(conv)
    emb_ref[...] = e
    nxt_ref[...] = dinv * jnp.dot(e, w_ref[...],
                                  preferred_element_type=jnp.float32)


def _head_body(p_ref, m_ref, dinv_ref, b_ref, w_ref, bp_ref,
               emb_ref, out_ref):
    conv = dinv_ref[...] * (p_ref[0] + p_ref[1] + m_ref[...]) + b_ref[...]
    e = _lrelu(conv)
    emb_ref[...] = e
    out_ref[...] = (jnp.dot(e, w_ref[...], preferred_element_type=jnp.float32)
                    + bp_ref[...])


def _row_spec(cols):
    return pl.BlockSpec((R, cols), lambda i: (i, 0))


def _full_spec(shape):
    nd = len(shape)
    return pl.BlockSpec(shape, lambda i: (0,) * nd)


_PART_SPEC = pl.BlockSpec((NC, R, H), lambda i: (0, i, 0))
_DINV_SPEC = pl.BlockSpec((R, 1), lambda i: (i, 0))


def kernel(x, edge_index, W_pre1, b_pre1, W_pre2, b_pre2, W_ih, b_ih,
           W_hh, b_hh, prev0, W_conv1, b_conv1, W_conv2, b_conv2,
           W_post, b_post):
    ei = edge_index.astype(jnp.int32)
    src = ei[0].reshape(NW, NCHUNK, K)
    dst = ei[1].reshape(NW, NCHUNK, K)

    deg2 = _sc_degree(ei[1].reshape(NW, EPW)).reshape(NW, NP)

    prep = pl.pallas_call(
        _prep_body,
        out_shape=[jax.ShapeDtypeStruct((NP, 1), jnp.float32)]
        + [jax.ShapeDtypeStruct((NW, NCHUNK, K), jnp.int32)] * PASSES,
    )(deg2, dst)
    dinv = prep[0]
    dstl = jnp.stack(prep[1:], axis=0)

    row2 = lambda v: v.reshape(1, -1)
    emb0, m1 = pl.pallas_call(
        _prologue_body,
        grid=(GRID,),
        in_specs=[
            _row_spec(128), _row_spec(H), _DINV_SPEC,
            _full_spec((128, 256)), _full_spec((1, 256)),
            _full_spec((256, H)), _full_spec((1, H)),
            _full_spec((H, 3 * H)), _full_spec((1, 3 * H)),
            _full_spec((H, 3 * H)), _full_spec((1, 3 * H)),
            _full_spec((H, H)),
        ],
        out_specs=[_row_spec(H), _row_spec(H)],
        out_shape=[jax.ShapeDtypeStruct((N, H), jnp.float32),
                   jax.ShapeDtypeStruct((N, H), jnp.float32)],
    )(x, prev0, dinv, W_pre1, row2(b_pre1), W_pre2, row2(b_pre2),
      W_ih.T, row2(b_ih), W_hh.T, row2(b_hh), W_conv1)

    def propagate(m):
        p = _sc_propagate(m, src, dstl)
        parts = [p[:, i, :NH] for i in range(PASSES)]
        parts[-1] = parts[-1][:, :N - (PASSES - 1) * NH]
        return jnp.concatenate(parts, axis=1)

    p1 = propagate(m1)
    emb1, m2 = pl.pallas_call(
        _combine_body,
        grid=(GRID,),
        in_specs=[_PART_SPEC, _row_spec(H), _DINV_SPEC,
                  _full_spec((1, H)), _full_spec((H, H))],
        out_specs=[_row_spec(H), _row_spec(H)],
        out_shape=[jax.ShapeDtypeStruct((N, H), jnp.float32),
                   jax.ShapeDtypeStruct((N, H), jnp.float32)],
    )(p1, m1, dinv, row2(b_conv1), W_conv2)

    p2 = propagate(m2)
    emb2, out = pl.pallas_call(
        _head_body,
        grid=(GRID,),
        in_specs=[_PART_SPEC, _row_spec(H), _DINV_SPEC,
                  _full_spec((1, H)), _full_spec((H, 64)),
                  _full_spec((1, 64))],
        out_specs=[_row_spec(H), _row_spec(64)],
        out_shape=[jax.ShapeDtypeStruct((N, H), jnp.float32),
                   jax.ShapeDtypeStruct((N, 64), jnp.float32)],
    )(p2, m2, dinv, row2(b_conv2), W_post, row2(b_post))

    return (out, emb0, emb1, emb2)

# --- scband reference (transcript-rebuilt; emitter-appended) ---
"""Pipeline reference for scband-rolandgnn-7395933684286 (READ-ONLY COPY).

The authoritative reference and input builder live on the scoring server;
editing this copy changes nothing except your own understanding.
"""

import jax, jax.numpy as jnp
import numpy as np

N = 10000
E = 640000
D_IN = 128
H = 128
OUT = 64


def _glorot(key, shape):
    lim = float(np.sqrt(6.0 / (shape[0] + shape[1])))
    return jax.random.uniform(key, shape, minval=-lim, maxval=lim, dtype=jnp.float32)


def setup_inputs(seed: int = 0) -> dict:
    key = jax.random.key(seed)
    ks = jax.random.split(key, 20)
    x = jax.random.normal(ks[0], (N, D_IN), dtype=jnp.float32)
    edge_index = jax.random.randint(ks[1], (2, E), 0, N)
    # preprocess Linear layers (stored as [in, out] so y = x @ W + b)
    W_pre1 = _glorot(ks[2], (D_IN, 256)); b_pre1 = jnp.zeros((256,), jnp.float32)
    W_pre2 = _glorot(ks[3], (256, H)); b_pre2 = jnp.zeros((H,), jnp.float32)
    # GRUCell params (torch layout: [3*H, in])
    s = 1.0 / np.sqrt(H)
    W_ih = jax.random.uniform(ks[4], (3 * H, H), minval=-s, maxval=s, dtype=jnp.float32)
    b_ih = jax.random.uniform(ks[5], (3 * H,), minval=-s, maxval=s, dtype=jnp.float32)
    W_hh = jax.random.uniform(ks[6], (3 * H, H), minval=-s, maxval=s, dtype=jnp.float32)
    b_hh = jax.random.uniform(ks[7], (3 * H,), minval=-s, maxval=s, dtype=jnp.float32)
    prev0 = jnp.zeros((N, H), jnp.float32)  # self.previous_embeddings[0]
    # GCNConv weights
    W_conv1 = _glorot(ks[8], (H, H)); b_conv1 = jnp.zeros((H,), jnp.float32)
    W_conv2 = _glorot(ks[9], (H, H)); b_conv2 = jnp.zeros((H,), jnp.float32)
    # postprocess Linear
    W_post = _glorot(ks[10], (H, OUT)); b_post = jnp.zeros((OUT,), jnp.float32)
    return {"x": x, "edge_index": edge_index, "W_pre1": W_pre1, "b_pre1": b_pre1,
            "W_pre2": W_pre2, "b_pre2": b_pre2, "W_ih": W_ih, "b_ih": b_ih,
            "W_hh": W_hh, "b_hh": b_hh, "prev0": prev0,
            "W_conv1": W_conv1, "b_conv1": b_conv1, "W_conv2": W_conv2, "b_conv2": b_conv2,
            "W_post": W_post, "b_post": b_post}


def _lrelu(v):
    return jax.nn.leaky_relu(v, 0.01)


def _gru_cell(x, h, W_ih, b_ih, W_hh, b_hh):
    gi = x @ W_ih.T + b_ih
    gh = h @ W_hh.T + b_hh
    i_r, i_z, i_n = jnp.split(gi, 3, axis=1)
    h_r, h_z, h_n = jnp.split(gh, 3, axis=1)
    r = jax.nn.sigmoid(i_r + h_r)
    z = jax.nn.sigmoid(i_z + h_z)
    n = jnp.tanh(i_n + r * h_n)
    return (1.0 - z) * n + z * h


def _gcn_conv(h, edge_index, W, b, n_nodes):
    # PyG GCNConv: add self loops, symmetric normalization, x @ W then propagate
    src = edge_index[0]
    dst = edge_index[1]
    loop = jnp.arange(n_nodes, dtype=src.dtype)
    src2 = jnp.concatenate([src, loop])
    dst2 = jnp.concatenate([dst, loop])
    deg = jnp.zeros((n_nodes,), h.dtype).at[dst2].add(1.0)
    dinv = jax.lax.rsqrt(jnp.maximum(deg, 1e-12))
    norm = dinv[src2] * dinv[dst2]
    m = h @ W
    out = jnp.zeros((n_nodes, W.shape[1]), h.dtype).at[dst2].add(m[src2] * norm[:, None])
    return out + b


def reference(x, edge_index, W_pre1, b_pre1, W_pre2, b_pre2, W_ih, b_ih, W_hh, b_hh,
              prev0, W_conv1, b_conv1, W_conv2, b_conv2, W_post, b_post):
    # forward path with task_type='NC', previous_embeddings=None (train=False),
    # subnodes=None (reshape_to_fill is a no-op since shapes match), dropout=0
    h = _lrelu(x @ W_pre1 + b_pre1)
    h = _lrelu(h @ W_pre2 + b_pre2)
    h = jax.lax.stop_gradient(_gru_cell(h, prev0, W_ih, b_ih, W_hh, b_hh))  # .detach()
    emb0 = h
    h = _lrelu(_gcn_conv(h, edge_index, W_conv1, b_conv1, N))
    emb1 = h
    h = _lrelu(_gcn_conv(h, edge_index, W_conv2, b_conv2, N))
    emb2 = h
    out = h @ W_post + b_post  # NC head
    return (out, emb0, emb1, emb2)

if __name__ == "__main__":
    import jax
    _d = setup_inputs()
    print(jax.jit(kernel)(*tuple(_d.values())))

</pallas_src>

<mosaic_0001>
#map = affine_map<(d0, d1) -> (0, 0)>
#map1 = affine_map<(d0, d1) -> (0, 0, 0)>
#map2 = affine_map<(d0, d1) -> (0, 0, 0, 0)>
module attributes {stable_mosaic.version = 14 : i64} {
  func.func @_sc_propagate(%arg0: i32, %arg1: i32, %arg2: memref<10000x128xf32, #tpu.memory_space<hbm>>, %arg3: memref<32x160x125xi32, #tpu.memory_space<hbm>>, %arg4: memref<3x32x160x125xi32, #tpu.memory_space<hbm>>, %arg5: memref<2x3x3456x128xf32, #tpu.memory_space<hbm>>, %arg6: memref<160x125xi32, #tpu.memory_space<vmem>>, %arg7: memref<160x125xi32, #tpu.memory_space<vmem>>, %arg8: memref<2x125x128xf32, #tpu.memory_space<vmem>>, %arg9: memref<64x128xf32, #tpu.memory_space<vmem>>, %arg10: memref<!tpu.dma_semaphore, #tpu.memory_space<semaphore_mem>>, %arg11: memref<!tpu.dma_semaphore, #tpu.memory_space<semaphore_mem>>, %arg12: memref<!tpu.dma_semaphore, #tpu.memory_space<semaphore_mem>>, %arg13: memref<!tpu.dma_semaphore, #tpu.memory_space<semaphore_mem>>, %arg14: memref<3456x128xf32, #tpu.memory_space<vmem_shared>>) attributes {dimension_semantics = [#tpu.dimension_semantics<core_parallel>, #tpu.dimension_semantics<subcore_parallel>], iteration_bounds = array<i64: 2, 16>, scalar_prefetch = 0 : i64, scratch_operands = 9 : i64, tpu.core_type = #tpu.core_type<sc_vector_subcore>, window_params = [{transform_indices = #map}, {transform_indices = #map1}, {transform_indices = #map2}, {transform_indices = #map2}]} {
    %mul3A = arith.constant 2 : i32
    %mul3A_0 = arith.muli %arg1, %mul3A : i32
    %add3A = arith.addi %mul3A_0, %arg0 : i32
    "tpu.region"() ({
      %run_scoped3A_98 = tpu.sem_alloc : memref<!tpu.dma_semaphore, #tpu.memory_space<semaphore_mem>>
      %dma_start3A = arith.constant 0 : i32
      %dma_start3A_99 = arith.constant 0 : i32
      %dma_start3A_100 = tpu.memref_slice %arg3[%add3A, %dma_start3A, %dma_start3A_99] : memref<32x160x125xi32, #tpu.memory_space<hbm>> -> memref<1x160x125xi32, #tpu.memory_space<hbm>>
      %dma_start3A_101 = tpu.memref_squeeze %dma_start3A_100 : memref<1x160x125xi32, #tpu.memory_space<hbm>> -> memref<160x125xi32, #tpu.memory_space<hbm>>
      %dma_start3A_102 = arith.constant 0 : i32
      %dma_start3A_103 = arith.constant 0 : i32
      %dma_start3A_104 = tpu.memref_slice %arg3[%add3A, %dma_start3A_102, %dma_start3A_103] : memref<32x160x125xi32, #tpu.memory_space<hbm>> -> memref<1x160x125xi32, #tpu.memory_space<hbm>>
      %dma_start3A_105 = tpu.memref_squeeze %dma_start3A_104 : memref<1x160x125xi32, #tpu.memory_space<hbm>> -> memref<160x125xi32, #tpu.memory_space<hbm>>
      tpu.enqueue_dma source(%dma_start3A_105 : memref<160x125xi32, #tpu.memory_space<hbm>>) target(%arg6 : memref<160x125xi32, #tpu.memory_space<vmem>>) target_semaphore(%run_scoped3A_98 : memref<!tpu.dma_semaphore, #tpu.memory_space<semaphore_mem>>)
      %dma_wait3A = arith.constant 0 : i32
      %dma_wait3A_106 = arith.constant 0 : i32
      %dma_wait3A_107 = tpu.memref_slice %arg3[%add3A, %dma_wait3A, %dma_wait3A_106] : memref<32x160x125xi32, #tpu.memory_space<hbm>> -> memref<1x160x125xi32, #tpu.memory_space<hbm>>
      %dma_wait3A_108 = tpu.memref_squeeze %dma_wait3A_107 : memref<1x160x125xi32, #tpu.memory_space<hbm>> -> memref<160x125xi32, #tpu.memory_space<hbm>>
      %dma_wait3A_109 = arith.constant 0 : i32
      %dma_wait3A_110 = arith.constant 0 : i32
      %dma_wait3A_111 = tpu.memref_slice %arg3[%add3A, %dma_wait3A_109, %dma_wait3A_110] : memref<32x160x125xi32, #tpu.memory_space<hbm>> -> memref<1x160x125xi32, #tpu.memory_space<hbm>>
      %dma_wait3A_112 = tpu.memref_squeeze %dma_wait3A_111 : memref<1x160x125xi32, #tpu.memory_space<hbm>> -> memref<160x125xi32, #tpu.memory_space<hbm>>
      tpu.wait_dma2 semaphore(%run_scoped3A_98 : memref<!tpu.dma_semaphore, #tpu.memory_space<semaphore_mem>>) src(%dma_wait3A_112 : memref<160x125xi32, #tpu.memory_space<hbm>>) dst(%arg6 : memref<160x125xi32, #tpu.memory_space<vmem>>)
      tpu.yield
    }) : () -> ()
    %scan3A = arith.constant 0 : i32
    %scan3A_1 = arith.constant 0 : i32
    %scan3A_2 = arith.constant 64 : i32
    %scan3A_3 = arith.addi %scan3A_1, %scan3A_2 : i32
    %scan3A_4 = arith.constant 1 : i32
    %scan3A_5 = scf.for %scan3A_98 = %scan3A_1 to %scan3A_3 step %scan3A_4 iter_args(%scan3A_99 = %scan3A) -> (i32)  : i32 {
      %broadcast_in_dim3A = arith.constant 0.000000e+00 : f32
      %broadcast_in_dim3A_100 = vector.broadcast %broadcast_in_dim3A : f32 to vector<16xf32>
      %swap3A = arith.index_cast %scan3A_98 : i32 to index
      %swap3A_101 = arith.constant 0 : index
      %swap3A_102 = tpu.vector_load %arg9[%swap3A, %swap3A_101] {strides = array<i32>} : memref<64x128xf32, #tpu.memory_space<vmem>>, vector<1x16xf32>,
      %swap3A_103 = vector.shape_cast %swap3A_102 : vector<1x16xf32> to vector<16xf32>
      %swap3A_104 = vector.shape_cast %broadcast_in_dim3A_100 : vector<16xf32> to vector<1x16xf32>
      tpu.vector_store %arg9[%swap3A, %swap3A_101], %swap3A_104 {strides = array<i32>} : memref<64x128xf32, #tpu.memory_space<vmem>>, vector<1x16xf32>,
      %broadcast_in_dim3A_105 = arith.constant 0.000000e+00 : f32
      %broadcast_in_dim3A_106 = vector.broadcast %broadcast_in_dim3A_105 : f32 to vector<16xf32>
      %swap3A_107 = arith.index_cast %scan3A_98 : i32 to index
      %swap3A_108 = arith.constant 16 : index
      %swap3A_109 = tpu.vector_load %arg9[%swap3A_107, %swap3A_108] {strides = array<i32>} : memref<64x128xf32, #tpu.memory_space<vmem>>, vector<1x16xf32>,
      %swap3A_110 = vector.shape_cast %swap3A_109 : vector<1x16xf32> to vector<16xf32>
      %swap3A_111 = vector.shape_cast %broadcast_in_dim3A_106 : vector<16xf32> to vector<1x16xf32>
      tpu.vector_store %arg9[%swap3A_107, %swap3A_108], %swap3A_111 {strides = array<i32>} : memref<64x128xf32, #tpu.memory_space<vmem>>, vector<1x16xf32>,
      %broadcast_in_dim3A_112 = arith.constant 0.000000e+00 : f32
      %broadcast_in_dim3A_113 = vector.broadcast %broadcast_in_dim3A_112 : f32 to vector<16xf32>
      %swap3A_114 = arith.index_cast %scan3A_98 : i32 to index
      %swap3A_115 = arith.constant 32 : index
      %swap3A_116 = tpu.vector_load %arg9[%swap3A_114, %swap3A_115] {strides = array<i32>} : memref<64x128xf32, #tpu.memory_space<vmem>>, vector<1x16xf32>,
      %swap3A_117 = vector.shape_cast %swap3A_116 : vector<1x16xf32> to vector<16xf32>
      %swap3A_118 = vector.shape_cast %broadcast_in_dim3A_113 : vector<16xf32> to vector<1x16xf32>
      tpu.vector_store %arg9[%swap3A_114, %swap3A_115], %swap3A_118 {strides = array<i32>} : memref<64x128xf32, #tpu.memory_space<vmem>>, vector<1x16xf32>,
      %broadcast_in_dim3A_119 = arith.constant 0.000000e+00 : f32
      %broadcast_in_dim3A_120 = vector.broadcast %broadcast_in_dim3A_119 : f32 to vector<16xf32>
      %swap3A_121 = arith.index_cast %scan3A_98 : i32 to index
      %swap3A_122 = arith.constant 48 : index
      %swap3A_123 = tpu.vector_load %arg9[%swap3A_121, %swap3A_122] {strides = array<i32>} : memref<64x128xf32, #tpu.memory_space<vmem>>, vector<1x16xf32>,
      %swap3A_124 = vector.shape_cast %swap3A_123 : vector<1x16xf32> to vector<16xf32>
      %swap3A_125 = vector.shape_cast %broadcast_in_dim3A_120 : vector<16xf32> to vector<1x16xf32>
      tpu.vector_store %arg9[%swap3A_121, %swap3A_122], %swap3A_125 {strides = array<i32>} : memref<64x128xf32, #tpu.memory_space<vmem>>, vector<1x16xf32>,
      %broadcast_in_dim3A_126 = arith.constant 0.000000e+00 : f32
      %broadcast_in_dim3A_127 = vector.broadcast %broadcast_in_dim3A_126 : f32 to vector<16xf32>
      %swap3A_128 = arith.index_cast %scan3A_98 : i32 to index
      %swap3A_129 = arith.constant 64 : index
      %swap3A_130 = tpu.vector_load %arg9[%swap3A_128, %swap3A_129] {strides = array<i32>} : memref<64x128xf32, #tpu.memory_space<vmem>>, vector<1x16xf32>,
      %swap3A_131 = vector.shape_cast %swap3A_130 : vector<1x16xf32> to vector<16xf32>
      %swap3A_132 = vector.shape_cast %broadcast_in_dim3A_127 : vector<16xf32> to vector<1x16xf32>
      tpu.vector_store %arg9[%swap3A_128, %swap3A_129], %swap3A_132 {strides = array<i32>} : memref<64x128xf32, #tpu.memory_space<vmem>>, vector<1x16xf32>,
      %broadcast_in_dim3A_133 = arith.constant 0.000000e+00 : f32
      %broadcast_in_dim3A_134 = vector.broadcast %broadcast_in_dim3A_133 : f32 to vector<16xf32>
      %swap3A_135 = arith.index_cast %scan3A_98 : i32 to index
      %swap3A_136 = arith.constant 80 : index
      %swap3A_137 = tpu.vector_load %arg9[%swap3A_135, %swap3A_136] {strides = array<i32>} : memref<64x128xf32, #tpu.memory_space<vmem>>, vector<1x16xf32>,
      %swap3A_138 = vector.shape_cast %swap3A_137 : vector<1x16xf32> to vector<16xf32>
      %swap3A_139 = vector.shape_cast %broadcast_in_dim3A_134 : vector<16xf32> to vector<1x16xf32>
      tpu.vector_store %arg9[%swap3A_135, %swap3A_136], %swap3A_139 {strides = array<i32>} : memref<64x128xf32, #tpu.memory_space<vmem>>, vector<1x16xf32>,
      %broadcast_in_dim3A_140 = arith.constant 0.000000e+00 : f32
      %broadcast_in_dim3A_141 = vector.broadcast %broadcast_in_dim3A_140 : f32 to vector<16xf32>
      %swap3A_142 = arith.index_cast %scan3A_98 : i32 to index
      %swap3A_143 = arith.constant 96 : index
      %swap3A_144 = tpu.vector_load %arg9[%swap3A_142, %swap3A_143] {strides = array<i32>} : memref<64x128xf32, #tpu.memory_space<vmem>>, vector<1x16xf32>,
      %swap3A_145 = vector.shape_cast %swap3A_144 : vector<1x16xf32> to vector<16xf32>
      %swap3A_146 = vector.shape_cast %broadcast_in_dim3A_141 : vector<16xf32> to vector<1x16xf32>
      tpu.vector_store %arg9[%swap3A_142, %swap3A_143], %swap3A_146 {strides = array<i32>} : memref<64x128xf32, #tpu.memory_space<vmem>>, vector<1x16xf32>,
      %broadcast_in_dim3A_147 = arith.constant 0.000000e+00 : f32
      %broadcast_in_dim3A_148 = vector.broadcast %broadcast_in_dim3A_147 : f32 to vector<16xf32>
      %swap3A_149 = arith.index_cast %scan3A_98 : i32 to index
      %swap3A_150 = arith.constant 112 : index
      %swap3A_151 = tpu.vector_load %arg9[%swap3A_149, %swap3A_150] {strides = array<i32>} : memref<64x128xf32, #tpu.memory_space<vmem>>, vector<1x16xf32>,
      %swap3A_152 = vector.shape_cast %swap3A_151 : vector<1x16xf32> to vector<16xf32>
      %swap3A_153 = vector.shape_cast %broadcast_in_dim3A_148 : vector<16xf32> to vector<1x16xf32>
      tpu.vector_store %arg9[%swap3A_149, %swap3A_150], %swap3A_153 {strides = array<i32>} : memref<64x128xf32, #tpu.memory_space<vmem>>, vector<1x16xf32>,
      %scan3A_154 = arith.constant 0 : i32
      scf.yield %scan3A_154 : i32
    }
    %scan3A_6 = arith.constant 64 : i32
    %run_scoped3A = arith.constant 0 : i32
    "tpu.region"() ({
      %run_scoped3A_98 = tpu.sem_alloc : memref<!tpu.dma_semaphore, #tpu.memory_space<semaphore_mem>>
      %dma_start3A = arith.constant 0 : i32
      %dma_start3A_99 = arith.constant 0 : i32
      %dma_start3A_100 = tpu.memref_slice %arg4[%run_scoped3A, %add3A, %dma_start3A, %dma_start3A_99] : memref<3x32x160x125xi32, #tpu.memory_space<hbm>> -> memref<1x1x160x125xi32, #tpu.memory_space<hbm>>
      %dma_start3A_101 = tpu.memref_squeeze %dma_start3A_100 : memref<1x1x160x125xi32, #tpu.memory_space<hbm>> -> memref<160x125xi32, #tpu.memory_space<hbm>>
      %dma_start3A_102 = arith.constant 0 : i32
      %dma_start3A_103 = arith.constant 0 : i32
      %dma_start3A_104 = tpu.memref_slice %arg4[%run_scoped3A, %add3A, %dma_start3A_102, %dma_start3A_103] : memref<3x32x160x125xi32, #tpu.memory_space<hbm>> -> memref<1x1x160x125xi32, #tpu.memory_space<hbm>>
      %dma_start3A_105 = tpu.memref_squeeze %dma_start3A_104 : memref<1x1x160x125xi32, #tpu.memory_space<hbm>> -> memref<160x125xi32, #tpu.memory_space<hbm>>
      tpu.enqueue_dma source(%dma_start3A_105 : memref<160x125xi32, #tpu.memory_space<hbm>>) target(%arg7 : memref<160x125xi32, #tpu.memory_space<vmem>>) target_semaphore(%run_scoped3A_98 : memref<!tpu.dma_semaphore, #tpu.memory_space<semaphore_mem>>)
      %dma_wait3A = arith.constant 0 : i32
      %dma_wait3A_106 = arith.constant 0 : i32
      %dma_wait3A_107 = tpu.memref_slice %arg4[%run_scoped3A, %add3A, %dma_wait3A, %dma_wait3A_106] : memref<3x32x160x125xi32, #tpu.memory_space<hbm>> -> memref<1x1x160x125xi32, #tpu.memory_space<hbm>>
      %dma_wait3A_108 = tpu.memref_squeeze %dma_wait3A_107 : memref<1x1x160x125xi32, #tpu.memory_space<hbm>> -> memref<160x125xi32, #tpu.memory_space<hbm>>
      %dma_wait3A_109 = arith.constant 0 : i32
      %dma_wait3A_110 = arith.constant 0 : i32
      %dma_wait3A_111 = tpu.memref_slice %arg4[%run_scoped3A, %add3A, %dma_wait3A_109, %dma_wait3A_110] : memref<3x32x160x125xi32, #tpu.memory_space<hbm>> -> memref<1x1x160x125xi32, #tpu.memory_space<hbm>>
      %dma_wait3A_112 = tpu.memref_squeeze %dma_wait3A_111 : memref<1x1x160x125xi32, #tpu.memory_space<hbm>> -> memref<160x125xi32, #tpu.memory_space<hbm>>
      tpu.wait_dma2 semaphore(%run_scoped3A_98 : memref<!tpu.dma_semaphore, #tpu.memory_space<semaphore_mem>>) src(%dma_wait3A_112 : memref<160x125xi32, #tpu.memory_space<hbm>>) dst(%arg7 : memref<160x125xi32, #tpu.memory_space<vmem>>)
      tpu.yield
    }) : () -> ()
    %mul3A_7 = arith.constant 216 : i32
    %mul3A_8 = arith.muli %arg1, %mul3A_7 : i32
    %add3A_9 = arith.constant 0 : i32
    %add3A_10 = arith.addi %mul3A_8, %add3A_9 : i32
    "tpu.region"() ({
      %run_scoped3A_98 = tpu.sem_alloc : memref<!tpu.dma_semaphore, #tpu.memory_space<semaphore_mem>>
      %dma_start3A = arith.constant 0 : i32
      %dma_start3A_99 = tpu.memref_slice %arg14[%add3A_10, %dma_start3A] : memref<3456x128xf32, #tpu.memory_space<vmem_shared>> -> memref<64x128xf32, #tpu.memory_space<vmem_shared>>
      %dma_start3A_100 = arith.constant 0 : i32
      %dma_start3A_101 = tpu.memref_slice %arg14[%add3A_10, %dma_start3A_100] : memref<3456x128xf32, #tpu.memory_space<vmem_shared>> -> memref<64x128xf32, #tpu.memory_space<vmem_shared>>
      tpu.enqueue_dma source(%arg9 : memref<64x128xf32, #tpu.memory_space<vmem>>) target(%dma_start3A_101 : memref<64x128xf32, #tpu.memory_space<vmem_shared>>) target_semaphore(%run_scoped3A_98 : memref<!tpu.dma_semaphore, #tpu.memory_space<semaphore_mem>>)
      %dma_wait3A = arith.constant 0 : i32
      %dma_wait3A_102 = tpu.memref_slice %arg14[%add3A_10, %dma_wait3A] : memref<3456x128xf32, #tpu.memory_space<vmem_shared>> -> memref<64x128xf32, #tpu.memory_space<vmem_shared>>
      %dma_wait3A_103 = arith.constant 0 : i32
      %dma_wait3A_104 = tpu.memref_slice %arg14[%add3A_10, %dma_wait3A_103] : memref<3456x128xf32, #tpu.memory_space<vmem_shared>> -> memref<64x128xf32, #tpu.memory_space<vmem_shared>>
      tpu.wait_dma2 semaphore(%run_scoped3A_98 : memref<!tpu.dma_semaphore, #tpu.memory_space<semaphore_mem>>) src(%arg9 : memref<64x128xf32, #tpu.memory_space<vmem>>) dst(%dma_wait3A_104 : memref<64x128xf32, #tpu.memory_space<vmem_shared>>)
      tpu.yield
    }) : () -> ()
    %mul3A_11 = arith.constant 216 : i32
    %mul3A_12 = arith.muli %arg1, %mul3A_11 : i32
    %add3A_13 = arith.constant 64 : i32
    %add3A_14 = arith.addi %mul3A_12, %add3A_13 : i32
    "tpu.region"() ({
      %run_scoped3A_98 = tpu.sem_alloc : memref<!tpu.dma_semaphore, #tpu.memory_space<semaphore_mem>>
      %dma_start3A = arith.constant 0 : i32
      %dma_start3A_99 = tpu.memref_slice %arg14[%add3A_14, %dma_start3A] : memref<3456x128xf32, #tpu.memory_space<vmem_shared>> -> memref<64x128xf32, #tpu.memory_space<vmem_shared>>
      %dma_start3A_100 = arith.constant 0 : i32
      %dma_start3A_101 = tpu.memref_slice %arg14[%add3A_14, %dma_start3A_100] : memref<3456x128xf32, #tpu.memory_space<vmem_shared>> -> memref<64x128xf32, #tpu.memory_space<vmem_shared>>
      tpu.enqueue_dma source(%arg9 : memref<64x128xf32, #tpu.memory_space<vmem>>) target(%dma_start3A_101 : memref<64x128xf32, #tpu.memory_space<vmem_shared>>) target_semaphore(%run_scoped3A_98 : memref<!tpu.dma_semaphore, #tpu.memory_space<semaphore_mem>>)
      %dma_wait3A = arith.constant 0 : i32
      %dma_wait3A_102 = tpu.memref_slice %arg14[%add3A_14, %dma_wait3A] : memref<3456x128xf32, #tpu.memory_space<vmem_shared>> -> memref<64x128xf32, #tpu.memory_space<vmem_shared>>
      %dma_wait3A_103 = arith.constant 0 : i32
      %dma_wait3A_104 = tpu.memref_slice %arg14[%add3A_14, %dma_wait3A_103] : memref<3456x128xf32, #tpu.memory_space<vmem_shared>> -> memref<64x128xf32, #tpu.memory_space<vmem_shared>>
      tpu.wait_dma2 semaphore(%run_scoped3A_98 : memref<!tpu.dma_semaphore, #tpu.memory_space<semaphore_mem>>) src(%arg9 : memref<64x128xf32, #tpu.memory_space<vmem>>) dst(%dma_wait3A_104 : memref<64x128xf32, #tpu.memory_space<vmem_shared>>)
      tpu.yield
    }) : () -> ()
    %mul3A_15 = arith.constant 216 : i32
    %mul3A_16 = arith.muli %arg1, %mul3A_15 : i32
    %add3A_17 = arith.constant 128 : i32
    %add3A_18 = arith.addi %mul3A_16, %add3A_17 : i32
    "tpu.region"() ({
      %run_scoped3A_98 = tpu.sem_alloc : memref<!tpu.dma_semaphore, #tpu.memory_space<semaphore_mem>>
      %dma_start3A = arith.constant 0 : i32
      %dma_start3A_99 = tpu.memref_slice %arg14[%add3A_18, %dma_start3A] : memref<3456x128xf32, #tpu.memory_space<vmem_shared>> -> memref<64x128xf32, #tpu.memory_space<vmem_shared>>
      %dma_start3A_100 = arith.constant 0 : i32
      %dma_start3A_101 = tpu.memref_slice %arg14[%add3A_18, %dma_start3A_100] : memref<3456x128xf32, #tpu.memory_space<vmem_shared>> -> memref<64x128xf32, #tpu.memory_space<vmem_shared>>
      tpu.enqueue_dma source(%arg9 : memref<64x128xf32, #tpu.memory_space<vmem>>) target(%dma_start3A_101 : memref<64x128xf32, #tpu.memory_space<vmem_shared>>) target_semaphore(%run_scoped3A_98 : memref<!tpu.dma_semaphore, #tpu.memory_space<semaphore_mem>>)
      %dma_wait3A = arith.constant 0 : i32
      %dma_wait3A_102 = tpu.memref_slice %arg14[%add3A_18, %dma_wait3A] : memref<3456x128xf32, #tpu.memory_space<vmem_shared>> -> memref<64x128xf32, #tpu.memory_space<vmem_shared>>
      %dma_wait3A_103 = arith.constant 0 : i32
      %dma_wait3A_104 = tpu.memref_slice %arg14[%add3A_18, %dma_wait3A_103] : memref<3456x128xf32, #tpu.memory_space<vmem_shared>> -> memref<64x128xf32, #tpu.memory_space<vmem_shared>>
      tpu.wait_dma2 semaphore(%run_scoped3A_98 : memref<!tpu.dma_semaphore, #tpu.memory_space<semaphore_mem>>) src(%arg9 : memref<64x128xf32, #tpu.memory_space<vmem>>) dst(%dma_wait3A_104 : memref<64x128xf32, #tpu.memory_space<vmem_shared>>)
      tpu.yield
    }) : () -> ()
    %mul3A_19 = arith.constant 216 : i32
    %mul3A_20 = arith.muli %arg1, %mul3A_19 : i32
    %add3A_21 = arith.constant 192 : i32
    %add3A_22 = arith.addi %mul3A_20, %add3A_21 : i32
    "tpu.region"() ({
      %run_scoped3A_98 = tpu.sem_alloc : memref<!tpu.dma_semaphore, #tpu.memory_space<semaphore_mem>>
      %dma_start3A = arith.constant 0 : i32
      %dma_start3A_99 = arith.constant 0 : i32
      %dma_start3A_100 = tpu.memref_slice %arg9[%dma_start3A, %dma_start3A_99] : memref<64x128xf32, #tpu.memory_space<vmem>> -> memref<24x128xf32, #tpu.memory_space<vmem>>
      %dma_start3A_101 = arith.constant 0 : i32
      %dma_start3A_102 = tpu.memref_slice %arg14[%add3A_22, %dma_start3A_101] : memref<3456x128xf32, #tpu.memory_space<vmem_shared>> -> memref<24x128xf32, #tpu.memory_space<vmem_shared>>
      %dma_start3A_103 = arith.constant 0 : i32
      %dma_start3A_104 = tpu.memref_slice %arg14[%add3A_22, %dma_start3A_103] : memref<3456x128xf32, #tpu.memory_space<vmem_shared>> -> memref<24x128xf32, #tpu.memory_space<vmem_shared>>
      %dma_start3A_105 = arith.constant 0 : i32
      %dma_start3A_106 = arith.constant 0 : i32
      %dma_start3A_107 = tpu.memref_slice %arg9[%dma_start3A_105, %dma_start3A_106] : memref<64x128xf32, #tpu.memory_space<vmem>> -> memref<24x128xf32, #tpu.memory_space<vmem>>
      tpu.enqueue_dma source(%dma_start3A_107 : memref<24x128xf32, #tpu.memory_space<vmem>>) target(%dma_start3A_104 : memref<24x128xf32, #tpu.memory_space<vmem_shared>>) target_semaphore(%run_scoped3A_98 : memref<!tpu.dma_semaphore, #tpu.memory_space<semaphore_mem>>)
      %dma_wait3A = arith.constant 0 : i32
      %dma_wait3A_108 = arith.constant 0 : i32
      %dma_wait3A_109 = tpu.memref_slice %arg9[%dma_wait3A, %dma_wait3A_108] : memref<64x128xf32, #tpu.memory_space<vmem>> -> memref<24x128xf32, #tpu.memory_space<vmem>>
      %dma_wait3A_110 = arith.constant 0 : i32
      %dma_wait3A_111 = tpu.memref_slice %arg14[%add3A_22, %dma_wait3A_110] : memref<3456x128xf32, #tpu.memory_space<vmem_shared>> -> memref<24x128xf32, #tpu.memory_space<vmem_shared>>
      %dma_wait3A_112 = arith.constant 0 : i32
      %dma_wait3A_113 = tpu.memref_slice %arg14[%add3A_22, %dma_wait3A_112] : memref<3456x128xf32, #tpu.memory_space<vmem_shared>> -> memref<24x128xf32, #tpu.memory_space<vmem_shared>>
      %dma_wait3A_114 = arith.constant 0 : i32
      %dma_wait3A_115 = arith.constant 0 : i32
      %dma_wait3A_116 = tpu.memref_slice %arg9[%dma_wait3A_114, %dma_wait3A_115] : memref<64x128xf32, #tpu.memory_space<vmem>> -> memref<24x128xf32, #tpu.memory_space<vmem>>
      tpu.wait_dma2 semaphore(%run_scoped3A_98 : memref<!tpu.dma_semaphore, #tpu.memory_space<semaphore_mem>>) src(%dma_wait3A_116 : memref<24x128xf32, #tpu.memory_space<vmem>>) dst(%dma_wait3A_113 : memref<24x128xf32, #tpu.memory_space<vmem_shared>>)
      tpu.yield
    }) : () -> ()
    %barrier3A = arith.constant 0 : index
    tpu.barrier barrier_id(%barrier3A)
    %scan3A_23 = arith.constant 0 : i32
    %scan3A_24 = arith.constant 0 : i32
    %scan3A_25 = arith.constant 80 : i32
    %scan3A_26 = arith.addi %scan3A_24, %scan3A_25 : i32
    %scan3A_27 = arith.constant 1 : i32
    %scan3A_28 = scf.for %scan3A_98 = %scan3A_24 to %scan3A_26 step %scan3A_27 iter_args(%scan3A_99 = %scan3A_23) -> (i32)  : i32 {
      %mul3A_100 = arith.constant 2 : i32
      %mul3A_101 = arith.muli %mul3A_100, %scan3A_98 : i32
      %dma_start3A = arith.constant 0 : i32
      %dma_start3A_102 = arith.constant 0 : i32
      %dma_start3A_103 = arith.constant 0 : i32
      %dma_start3A_104 = tpu.memref_slice %arg8[%dma_start3A, %dma_start3A_102, %dma_start3A_103] : memref<2x125x128xf32, #tpu.memory_space<vmem>> -> memref<1x125x128xf32, #tpu.memory_space<vmem>>
      %dma_start3A_105 = tpu.memref_squeeze %dma_start3A_104 : memref<1x125x128xf32, #tpu.memory_space<vmem>> -> memref<125x128xf32, #tpu.memory_space<vmem>>
      %dma_start3A_106 = arith.constant 0 : i32
      %dma_start3A_107 = tpu.memref_slice %arg6[%mul3A_101, %dma_start3A_106] : memref<160x125xi32, #tpu.memory_space<vmem>> -> memref<1x125xi32, #tpu.memory_space<vmem>>
      %dma_start3A_108 = tpu.memref_squeeze %dma_start3A_107 : memref<1x125xi32, #tpu.memory_space<vmem>> -> memref<125xi32, #tpu.memory_space<vmem>>
      %dma_start3A_109 = arith.constant 0 : i32
      %dma_start3A_110 = arith.constant 0 : i32
      %dma_start3A_111 = tpu.memref_slice %arg2[%dma_start3A_109, %dma_start3A_110] : memref<10000x128xf32, #tpu.memory_space<hbm>> -> memref<10000x128xf32, #tpu.memory_space<hbm>>
      tpu.enqueue_indirect_dma source(%dma_start3A_111 : memref<10000x128xf32, #tpu.memory_space<hbm>>) target(%dma_start3A_105 : memref<125x128xf32, #tpu.memory_space<vmem>>) offsets(%dma_start3A_108 : memref<125xi32, #tpu.memory_space<vmem>>) semaphore(%arg10 : memref<!tpu.dma_semaphore, #tpu.memory_space<semaphore_mem>>)
      %mul3A_112 = arith.constant 2 : i32
      %mul3A_113 = arith.muli %mul3A_112, %scan3A_98 : i32
      %add3A_114 = arith.constant 1 : i32
      %add3A_115 = arith.addi %mul3A_113, %add3A_114 : i32
      %dma_start3A_116 = arith.constant 1 : i32
      %dma_start3A_117 = arith.constant 0 : i32
      %dma_start3A_118 = arith.constant 0 : i32
      %dma_start3A_119 = tpu.memref_slice %arg8[%dma_start3A_116, %dma_start3A_117, %dma_start3A_118] : memref<2x125x128xf32, #tpu.memory_space<vmem>> -> memref<1x125x128xf32, #tpu.memory_space<vmem>>
      %dma_start3A_120 = tpu.memref_squeeze %dma_start3A_119 : memref<1x125x128xf32, #tpu.memory_space<vmem>> -> memref<125x128xf32, #tpu.memory_space<vmem>>
      %dma_start3A_121 = arith.constant 0 : i32
      %dma_start3A_122 = tpu.memref_slice %arg6[%add3A_115, %dma_start3A_121] : memref<160x125xi32, #tpu.memory_space<vmem>> -> memref<1x125xi32, #tpu.memory_space<vmem>>
      %dma_start3A_123 = tpu.memref_squeeze %dma_start3A_122 : memref<1x125xi32, #tpu.memory_space<vmem>> -> memref<125xi32, #tpu.memory_space<vmem>>
      %dma_start3A_124 = arith.constant 0 : i32
      %dma_start3A_125 = arith.constant 0 : i32
      %dma_start3A_126 = tpu.memref_slice %arg2[%dma_start3A_124, %dma_start3A_125] : memref<10000x128xf32, #tpu.memory_space<hbm>> -> memref<10000x128xf32, #tpu.memory_space<hbm>>
      tpu.enqueue_indirect_dma source(%dma_start3A_126 : memref<10000x128xf32, #tpu.memory_space<hbm>>) target(%dma_start3A_120 : memref<125x128xf32, #tpu.memory_space<vmem>>) offsets(%dma_start3A_123 : memref<125xi32, #tpu.memory_space<vmem>>) semaphore(%arg11 : memref<!tpu.dma_semaphore, #tpu.memory_space<semaphore_mem>>)
      %dma_wait3A = arith.constant 0 : i32
      %dma_wait3A_127 = arith.constant 0 : i32
      %dma_wait3A_128 = arith.constant 0 : i32
      %dma_wait3A_129 = tpu.memref_slice %arg8[%dma_wait3A, %dma_wait3A_127, %dma_wait3A_128] : memref<2x125x128xf32, #tpu.memory_space<vmem>> -> memref<1x125x128xf32, #tpu.memory_space<vmem>>
      %dma_wait3A_130 = tpu.memref_squeeze %dma_wait3A_129 : memref<1x125x128xf32, #tpu.memory_space<vmem>> -> memref<125x128xf32, #tpu.memory_space<vmem>>
      %dma_wait3A_131 = arith.constant 0 : i32
      %dma_wait3A_132 = tpu.memref_slice %arg6[%mul3A_101, %dma_wait3A_131] : memref<160x125xi32, #tpu.memory_space<vmem>> -> memref<1x125xi32, #tpu.memory_space<vmem>>
      %dma_wait3A_133 = tpu.memref_squeeze %dma_wait3A_132 : memref<1x125xi32, #tpu.memory_space<vmem>> -> memref<125xi32, #tpu.memory_space<vmem>>
      %dma_wait3A_134 = arith.constant 0 : i32
      %dma_wait3A_135 = arith.constant 0 : i32
      %dma_wait3A_136 = tpu.memref_slice %arg2[%dma_wait3A_134, %dma_wait3A_135] : memref<10000x128xf32, #tpu.memory_space<hbm>> -> memref<10000x128xf32, #tpu.memory_space<hbm>>
      tpu.wait_indirect_dma semaphore(%arg10 : memref<!tpu.dma_semaphore, #tpu.memory_space<semaphore_mem>>) src(%dma_wait3A_136 : memref<10000x128xf32, #tpu.memory_space<hbm>>) dst(%dma_wait3A_130 : memref<125x128xf32, #tpu.memory_space<vmem>>)
      %mul3A_137 = arith.constant 2 : i32
      %mul3A_138 = arith.muli %mul3A_137, %scan3A_98 : i32
      %dma_start3A_139 = arith.constant 0 : i32
      %dma_start3A_140 = arith.constant 0 : i32
      %dma_start3A_141 = arith.constant 0 : i32
      %dma_start3A_142 = tpu.memref_slice %arg8[%dma_start3A_139, %dma_start3A_140, %dma_start3A_141] : memref<2x125x128xf32, #tpu.memory_space<vmem>> -> memref<1x125x128xf32, #tpu.memory_space<vmem>>
      %dma_start3A_143 = tpu.memref_squeeze %dma_start3A_142 : memref<1x125x128xf32, #tpu.memory_space<vmem>> -> memref<125x128xf32, #tpu.memory_space<vmem>>
      %dma_start3A_144 = arith.constant 0 : i32
      %dma_start3A_145 = tpu.memref_slice %arg7[%mul3A_138, %dma_start3A_144] : memref<160x125xi32, #tpu.memory_space<vmem>> -> memref<1x125xi32, #tpu.memory_space<vmem>>
      %dma_start3A_146 = tpu.memref_squeeze %dma_start3A_145 : memref<1x125xi32, #tpu.memory_space<vmem>> -> memref<125xi32, #tpu.memory_space<vmem>>
      %dma_start3A_147 = arith.constant 0 : i32
      %dma_start3A_148 = arith.constant 0 : i32
      %dma_start3A_149 = tpu.memref_slice %arg14[%dma_start3A_147, %dma_start3A_148] : memref<3456x128xf32, #tpu.memory_space<vmem_shared>> -> memref<3456x128xf32, #tpu.memory_space<vmem_shared>>
      tpu.enqueue_indirect_dma source(%dma_start3A_143 : memref<125x128xf32, #tpu.memory_space<vmem>>) target(%dma_start3A_149 : memref<3456x128xf32, #tpu.memory_space<vmem_shared>>) offsets(%dma_start3A_146 : memref<125xi32, #tpu.memory_space<vmem>>) semaphore(%arg12 : memref<!tpu.dma_semaphore, #tpu.memory_space<semaphore_mem>>) {add = true}
      %dma_wait3A_150 = arith.constant 1 : i32
      %dma_wait3A_151 = arith.constant 0 : i32
      %dma_wait3A_152 = arith.constant 0 : i32
      %dma_wait3A_153 = tpu.memref_slice %arg8[%dma_wait3A_150, %dma_wait3A_151, %dma_wait3A_152] : memref<2x125x128xf32, #tpu.memory_space<vmem>> -> memref<1x125x128xf32, #tpu.memory_space<vmem>>
      %dma_wait3A_154 = tpu.memref_squeeze %dma_wait3A_153 : memref<1x125x128xf32, #tpu.memory_space<vmem>> -> memref<125x128xf32, #tpu.memory_space<vmem>>
      %dma_wait3A_155 = arith.constant 0 : i32
      %dma_wait3A_156 = tpu.memref_slice %arg6[%add3A_115, %dma_wait3A_155] : memref<160x125xi32, #tpu.memory_space<vmem>> -> memref<1x125xi32, #tpu.memory_space<vmem>>
      %dma_wait3A_157 = tpu.memref_squeeze %dma_wait3A_156 : memref<1x125xi32, #tpu.memory_space<vmem>> -> memref<125xi32, #tpu.memory_space<vmem>>
      %dma_wait3A_158 = arith.constant 0 : i32
      %dma_wait3A_159 = arith.constant 0 : i32
      %dma_wait3A_160 = tpu.memref_slice %arg2[%dma_wait3A_158, %dma_wait3A_159] : memref<10000x128xf32, #tpu.memory_space<hbm>> -> memref<10000x128xf32, #tpu.memory_space<hbm>>
      tpu.wait_indirect_dma semaphore(%arg11 : memref<!tpu.dma_semaphore, #tpu.memory_space<semaphore_mem>>) src(%dma_wait3A_160 : memref<10000x128xf32, #tpu.memory_space<hbm>>) dst(%dma_wait3A_154 : memref<125x128xf32, #tpu.memory_space<vmem>>)
      %mul3A_161 = arith.constant 2 : i32
      %mul3A_162 = arith.muli %mul3A_161, %scan3A_98 : i32
      %add3A_163 = arith.constant 1 : i32
      %add3A_164 = arith.addi %mul3A_162, %add3A_163 : i32
      %dma_start3A_165 = arith.constant 1 : i32
      %dma_start3A_166 = arith.constant 0 : i32
      %dma_start3A_167 = arith.constant 0 : i32
      %dma_start3A_168 = tpu.memref_slice %arg8[%dma_start3A_165, %dma_start3A_166, %dma_start3A_167] : memref<2x125x128xf32, #tpu.memory_space<vmem>> -> memref<1x125x128xf32, #tpu.memory_space<vmem>>
      %dma_start3A_169 = tpu.memref_squeeze %dma_start3A_168 : memref<1x125x128xf32, #tpu.memory_space<vmem>> -> memref<125x128xf32, #tpu.memory_space<vmem>>
      %dma_start3A_170 = arith.constant 0 : i32
      %dma_start3A_171 = tpu.memref_slice %arg7[%add3A_164, %dma_start3A_170] : memref<160x125xi32, #tpu.memory_space<vmem>> -> memref<1x125xi32, #tpu.memory_space<vmem>>
      %dma_start3A_172 = tpu.memref_squeeze %dma_start3A_171 : memref<1x125xi32, #tpu.memory_space<vmem>> -> memref<125xi32, #tpu.memory_space<vmem>>
      %dma_start3A_173 = arith.constant 0 : i32
      %dma_start3A_174 = arith.constant 0 : i32
      %dma_start3A_175 = tpu.memref_slice %arg14[%dma_start3A_173, %dma_start3A_174] : memref<3456x128xf32, #tpu.memory_space<vmem_shared>> -> memref<3456x128xf32, #tpu.memory_space<vmem_shared>>
      tpu.enqueue_indirect_dma source(%dma_start3A_169 : memref<125x128xf32, #tpu.memory_space<vmem>>) target(%dma_start3A_175 : memref<3456x128xf32, #tpu.memory_space<vmem_shared>>) offsets(%dma_start3A_172 : memref<125xi32, #tpu.memory_space<vmem>>) semaphore(%arg13 : memref<!tpu.dma_semaphore, #tpu.memory_space<semaphore_mem>>) {add = true}
      %dma_wait3A_176 = arith.constant 0 : i32
      %dma_wait3A_177 = arith.constant 0 : i32
      %dma_wait3A_178 = arith.constant 0 : i32
      %dma_wait3A_179 = tpu.memref_slice %arg8[%dma_wait3A_176, %dma_wait3A_177, %dma_wait3A_178] : memref<2x125x128xf32, #tpu.memory_space<vmem>> -> memref<1x125x128xf32, #tpu.memory_space<vmem>>
      %dma_wait3A_180 = tpu.memref_squeeze %dma_wait3A_179 : memref<1x125x128xf32, #tpu.memory_space<vmem>> -> memref<125x128xf32, #tpu.memory_space<vmem>>
      %dma_wait3A_181 = arith.constant 0 : i32
      %dma_wait3A_182 = tpu.memref_slice %arg7[%mul3A_138, %dma_wait3A_181] : memref<160x125xi32, #tpu.memory_space<vmem>> -> memref<1x125xi32, #tpu.memory_space<vmem>>
      %dma_wait3A_183 = tpu.memref_squeeze %dma_wait3A_182 : memref<1x125xi32, #tpu.memory_space<vmem>> -> memref<125xi32, #tpu.memory_space<vmem>>
      %dma_wait3A_184 = arith.constant 0 : i32
      %dma_wait3A_185 = arith.constant 0 : i32
      %dma_wait3A_186 = tpu.memref_slice %arg14[%dma_wait3A_184, %dma_wait3A_185] : memref<3456x128xf32, #tpu.memory_space<vmem_shared>> -> memref<3456x128xf32, #tpu.memory_space<vmem_shared>>
      tpu.wait_indirect_dma semaphore(%arg12 : memref<!tpu.dma_semaphore, #tpu.memory_space<semaphore_mem>>) src(%dma_wait3A_180 : memref<125x128xf32, #tpu.memory_space<vmem>>) dst(%dma_wait3A_186 : memref<3456x128xf32, #tpu.memory_space<vmem_shared>>)
      %dma_wait3A_187 = arith.constant 1 : i32
      %dma_wait3A_188 = arith.constant 0 : i32
      %dma_wait3A_189 = arith.constant 0 : i32
      %dma_wait3A_190 = tpu.memref_slice %arg8[%dma_wait3A_187, %dma_wait3A_188, %dma_wait3A_189] : memref<2x125x128xf32, #tpu.memory_space<vmem>> -> memref<1x125x128xf32, #tpu.memory_space<vmem>>
      %dma_wait3A_191 = tpu.memref_squeeze %dma_wait3A_190 : memref<1x125x128xf32, #tpu.memory_space<vmem>> -> memref<125x128xf32, #tpu.memory_space<vmem>>
      %dma_wait3A_192 = arith.constant 0 : i32
      %dma_wait3A_193 = tpu.memref_slice %arg7[%add3A_164, %dma_wait3A_192] : memref<160x125xi32, #tpu.memory_space<vmem>> -> memref<1x125xi32, #tpu.memory_space<vmem>>
      %dma_wait3A_194 = tpu.memref_squeeze %dma_wait3A_193 : memref<1x125xi32, #tpu.memory_space<vmem>> -> memref<125xi32, #tpu.memory_space<vmem>>
      %dma_wait3A_195 = arith.constant 0 : i32
      %dma_wait3A_196 = arith.constant 0 : i32
      %dma_wait3A_197 = tpu.memref_slice %arg14[%dma_wait3A_195, %dma_wait3A_196] : memref<3456x128xf32, #tpu.memory_space<vmem_shared>> -> memref<3456x128xf32, #tpu.memory_space<vmem_shared>>
      tpu.wait_indirect_dma semaphore(%arg13 : memref<!tpu.dma_semaphore, #tpu.memory_space<semaphore_mem>>) src(%dma_wait3A_191 : memref<125x128xf32, #tpu.memory_space<vmem>>) dst(%dma_wait3A_197 : memref<3456x128xf32, #tpu.memory_space<vmem_shared>>)
      %scan3A_198 = arith.constant 0 : i32
      scf.yield %scan3A_198 : i32
    }
    %scan3A_29 = arith.constant 80 : i32
    %barrier3A_30 = arith.constant 0 : index
    tpu.barrier barrier_id(%barrier3A_30)
    %mul3A_31 = arith.constant 216 : i32
    %mul3A_32 = arith.muli %arg1, %mul3A_31 : i32
    %mul3A_33 = arith.constant 216 : i32
    %mul3A_34 = arith.muli %arg1, %mul3A_33 : i32
    %run_scoped3A_35 = arith.constant 0 : i32
    "tpu.region"() ({
      %run_scoped3A_98 = tpu.sem_alloc : memref<!tpu.dma_semaphore, #tpu.memory_space<semaphore_mem>>
      %dma_start3A = arith.constant 0 : i32
      %dma_start3A_99 = tpu.memref_slice %arg5[%arg0, %run_scoped3A_35, %mul3A_34, %dma_start3A] : memref<2x3x3456x128xf32, #tpu.memory_space<hbm>> -> memref<1x1x216x128xf32, #tpu.memory_space<hbm>>
      %dma_start3A_100 = tpu.memref_squeeze %dma_start3A_99 : memref<1x1x216x128xf32, #tpu.memory_space<hbm>> -> memref<216x128xf32, #tpu.memory_space<hbm>>
      %dma_start3A_101 = arith.constant 0 : i32
      %dma_start3A_102 = tpu.memref_slice %arg14[%mul3A_32, %dma_start3A_101] : memref<3456x128xf32, #tpu.memory_space<vmem_shared>> -> memref<216x128xf32, #tpu.memory_space<vmem_shared>>
      tpu.enqueue_dma source(%dma_start3A_102 : memref<216x128xf32, #tpu.memory_space<vmem_shared>>) target(%dma_start3A_100 : memref<216x128xf32, #tpu.memory_space<hbm>>) target_semaphore(%run_scoped3A_98 : memref<!tpu.dma_semaphore, #tpu.memory_space<semaphore_mem>>)
      %dma_wait3A = arith.constant 0 : i32
      %dma_wait3A_103 = tpu.memref_slice %arg5[%arg0, %run_scoped3A_35, %mul3A_34, %dma_wait3A] : memref<2x3x3456x128xf32, #tpu.memory_space<hbm>> -> memref<1x1x216x128xf32, #tpu.memory_space<hbm>>
      %dma_wait3A_104 = tpu.memref_squeeze %dma_wait3A_103 : memref<1x1x216x128xf32, #tpu.memory_space<hbm>> -> memref<216x128xf32, #tpu.memory_space<hbm>>
      %dma_wait3A_105 = arith.constant 0 : i32
      %dma_wait3A_106 = tpu.memref_slice %arg14[%mul3A_32, %dma_wait3A_105] : memref<3456x128xf32, #tpu.memory_space<vmem_shared>> -> memref<216x128xf32, #tpu.memory_space<vmem_shared>>
      tpu.wait_dma2 semaphore(%run_scoped3A_98 : memref<!tpu.dma_semaphore, #tpu.memory_space<semaphore_mem>>) src(%dma_wait3A_106 : memref<216x128xf32, #tpu.memory_space<vmem_shared>>) dst(%dma_wait3A_104 : memref<216x128xf32, #tpu.memory_space<hbm>>)
      tpu.yield
    }) : () -> ()
    %run_scoped3A_36 = arith.constant 1 : i32
    "tpu.region"() ({
      %run_scoped3A_98 = tpu.sem_alloc : memref<!tpu.dma_semaphore, #tpu.memory_space<semaphore_mem>>
      %dma_start3A = arith.constant 0 : i32
      %dma_start3A_99 = arith.constant 0 : i32
      %dma_start3A_100 = tpu.memref_slice %arg4[%run_scoped3A_36, %add3A, %dma_start3A, %dma_start3A_99] : memref<3x32x160x125xi32, #tpu.memory_space<hbm>> -> memref<1x1x160x125xi32, #tpu.memory_space<hbm>>
      %dma_start3A_101 = tpu.memref_squeeze %dma_start3A_100 : memref<1x1x160x125xi32, #tpu.memory_space<hbm>> -> memref<160x125xi32, #tpu.memory_space<hbm>>
      %dma_start3A_102 = arith.constant 0 : i32
      %dma_start3A_103 = arith.constant 0 : i32
      %dma_start3A_104 = tpu.memref_slice %arg4[%run_scoped3A_36, %add3A, %dma_start3A_102, %dma_start3A_103] : memref<3x32x160x125xi32, #tpu.memory_space<hbm>> -> memref<1x1x160x125xi32, #tpu.memory_space<hbm>>
      %dma_start3A_105 = tpu.memref_squeeze %dma_start3A_104 : memref<1x1x160x125xi32, #tpu.memory_space<hbm>> -> memref<160x125xi32, #tpu.memory_space<hbm>>
      tpu.enqueue_dma source(%dma_start3A_105 : memref<160x125xi32, #tpu.memory_space<hbm>>) target(%arg7 : memref<160x125xi32, #tpu.memory_space<vmem>>) target_semaphore(%run_scoped3A_98 : memref<!tpu.dma_semaphore, #tpu.memory_space<semaphore_mem>>)
      %dma_wait3A = arith.constant 0 : i32
      %dma_wait3A_106 = arith.constant 0 : i32
      %dma_wait3A_107 = tpu.memref_slice %arg4[%run_scoped3A_36, %add3A, %dma_wait3A, %dma_wait3A_106] : memref<3x32x160x125xi32, #tpu.memory_space<hbm>> -> memref<1x1x160x125xi32, #tpu.memory_space<hbm>>
      %dma_wait3A_108 = tpu.memref_squeeze %dma_wait3A_107 : memref<1x1x160x125xi32, #tpu.memory_space<hbm>> -> memref<160x125xi32, #tpu.memory_space<hbm>>
      %dma_wait3A_109 = arith.constant 0 : i32
      %dma_wait3A_110 = arith.constant 0 : i32
      %dma_wait3A_111 = tpu.memref_slice %arg4[%run_scoped3A_36, %add3A, %dma_wait3A_109, %dma_wait3A_110] : memref<3x32x160x125xi32, #tpu.memory_space<hbm>> -> memref<1x1x160x125xi32, #tpu.memory_space<hbm>>
      %dma_wait3A_112 = tpu.memref_squeeze %dma_wait3A_111 : memref<1x1x160x125xi32, #tpu.memory_space<hbm>> -> memref<160x125xi32, #tpu.memory_space<hbm>>
      tpu.wait_dma2 semaphore(%run_scoped3A_98 : memref<!tpu.dma_semaphore, #tpu.memory_space<semaphore_mem>>) src(%dma_wait3A_112 : memref<160x125xi32, #tpu.memory_space<hbm>>) dst(%arg7 : memref<160x125xi32, #tpu.memory_space<vmem>>)
      tpu.yield
    }) : () -> ()
    %mul3A_37 = arith.constant 216 : i32
    %mul3A_38 = arith.muli %arg1, %mul3A_37 : i32
    %add3A_39 = arith.constant 0 : i32
    %add3A_40 = arith.addi %mul3A_38, %add3A_39 : i32
    "tpu.region"() ({
      %run_scoped3A_98 = tpu.sem_alloc : memref<!tpu.dma_semaphore, #tpu.memory_space<semaphore_mem>>
      %dma_start3A = arith.constant 0 : i32
      %dma_start3A_99 = tpu.memref_slice %arg14[%add3A_40, %dma_start3A] : memref<3456x128xf32, #tpu.memory_space<vmem_shared>> -> memref<64x128xf32, #tpu.memory_space<vmem_shared>>
      %dma_start3A_100 = arith.constant 0 : i32
      %dma_start3A_101 = tpu.memref_slice %arg14[%add3A_40, %dma_start3A_100] : memref<3456x128xf32, #tpu.memory_space<vmem_shared>> -> memref<64x128xf32, #tpu.memory_space<vmem_shared>>
      tpu.enqueue_dma source(%arg9 : memref<64x128xf32, #tpu.memory_space<vmem>>) target(%dma_start3A_101 : memref<64x128xf32, #tpu.memory_space<vmem_shared>>) target_semaphore(%run_scoped3A_98 : memref<!tpu.dma_semaphore, #tpu.memory_space<semaphore_mem>>)
      %dma_wait3A = arith.constant 0 : i32
      %dma_wait3A_102 = tpu.memref_slice %arg14[%add3A_40, %dma_wait3A] : memref<3456x128xf32, #tpu.memory_space<vmem_shared>> -> memref<64x128xf32, #tpu.memory_space<vmem_shared>>
      %dma_wait3A_103 = arith.constant 0 : i32
      %dma_wait3A_104 = tpu.memref_slice %arg14[%add3A_40, %dma_wait3A_103] : memref<3456x128xf32, #tpu.memory_space<vmem_shared>> -> memref<64x128xf32, #tpu.memory_space<vmem_shared>>
      tpu.wait_dma2 semaphore(%run_scoped3A_98 : memref<!tpu.dma_semaphore, #tpu.memory_space<semaphore_mem>>) src(%arg9 : memref<64x128xf32, #tpu.memory_space<vmem>>) dst(%dma_wait3A_104 : memref<64x128xf32, #tpu.memory_space<vmem_shared>>)
      tpu.yield
    }) : () -> ()
    %mul3A_41 = arith.constant 216 : i32
    %mul3A_42 = arith.muli %arg1, %mul3A_41 : i32
    %add3A_43 = arith.constant 64 : i32
    %add3A_44 = arith.addi %mul3A_42, %add3A_43 : i32
    "tpu.region"() ({
      %run_scoped3A_98 = tpu.sem_alloc : memref<!tpu.dma_semaphore, #tpu.memory_space<semaphore_mem>>
      %dma_start3A = arith.constant 0 : i32
      %dma_start3A_99 = tpu.memref_slice %arg14[%add3A_44, %dma_start3A] : memref<3456x128xf32, #tpu.memory_space<vmem_shared>> -> memref<64x128xf32, #tpu.memory_space<vmem_shared>>
      %dma_start3A_100 = arith.constant 0 : i32
      %dma_start3A_101 = tpu.memref_slice %arg14[%add3A_44, %dma_start3A_100] : memref<3456x128xf32, #tpu.memory_space<vmem_shared>> -> memref<64x128xf32, #tpu.memory_space<vmem_shared>>
      tpu.enqueue_dma source(%arg9 : memref<64x128xf32, #tpu.memory_space<vmem>>) target(%dma_start3A_101 : memref<64x128xf32, #tpu.memory_space<vmem_shared>>) target_semaphore(%run_scoped3A_98 : memref<!tpu.dma_semaphore, #tpu.memory_space<semaphore_mem>>)
      %dma_wait3A = arith.constant 0 : i32
      %dma_wait3A_102 = tpu.memref_slice %arg14[%add3A_44, %dma_wait3A] : memref<3456x128xf32, #tpu.memory_space<vmem_shared>> -> memref<64x128xf32, #tpu.memory_space<vmem_shared>>
      %dma_wait3A_103 = arith.constant 0 : i32
      %dma_wait3A_104 = tpu.memref_slice %arg14[%add3A_44, %dma_wait3A_103] : memref<3456x128xf32, #tpu.memory_space<vmem_shared>> -> memref<64x128xf32, #tpu.memory_space<vmem_shared>>
      tpu.wait_dma2 semaphore(%run_scoped3A_98 : memref<!tpu.dma_semaphore, #tpu.memory_space<semaphore_mem>>) src(%arg9 : memref<64x128xf32, #tpu.memory_space<vmem>>) dst(%dma_wait3A_104 : memref<64x128xf32, #tpu.memory_space<vmem_shared>>)
      tpu.yield
    }) : () -> ()
    %mul3A_45 = arith.constant 216 : i32
    %mul3A_46 = arith.muli %arg1, %mul3A_45 : i32
    %add3A_47 = arith.constant 128 : i32
    %add3A_48 = arith.addi %mul3A_46, %add3A_47 : i32
    "tpu.region"() ({
      %run_scoped3A_98 = tpu.sem_alloc : memref<!tpu.dma_semaphore, #tpu.memory_space<semaphore_mem>>
      %dma_start3A = arith.constant 0 : i32
      %dma_start3A_99 = tpu.memref_slice %arg14[%add3A_48, %dma_start3A] : memref<3456x128xf32, #tpu.memory_space<vmem_shared>> -> memref<64x128xf32, #tpu.memory_space<vmem_shared>>
      %dma_start3A_100 = arith.constant 0 : i32
      %dma_start3A_101 = tpu.memref_slice %arg14[%add3A_48, %dma_start3A_100] : memref<3456x128xf32, #tpu.memory_space<vmem_shared>> -> memref<64x128xf32, #tpu.memory_space<vmem_shared>>
      tpu.enqueue_dma source(%arg9 : memref<64x128xf32, #tpu.memory_space<vmem>>) target(%dma_start3A_101 : memref<64x128xf32, #tpu.memory_space<vmem_shared>>) target_semaphore(%run_scoped3A_98 : memref<!tpu.dma_semaphore, #tpu.memory_space<semaphore_mem>>)
      %dma_wait3A = arith.constant 0 : i32
      %dma_wait3A_102 = tpu.memref_slice %arg14[%add3A_48, %dma_wait3A] : memref<3456x128xf32, #tpu.memory_space<vmem_shared>> -> memref<64x128xf32, #tpu.memory_space<vmem_shared>>
      %dma_wait3A_103 = arith.constant 0 : i32
      %dma_wait3A_104 = tpu.memref_slice %arg14[%add3A_48, %dma_wait3A_103] : memref<3456x128xf32, #tpu.memory_space<vmem_shared>> -> memref<64x128xf32, #tpu.memory_space<vmem_shared>>
      tpu.wait_dma2 semaphore(%run_scoped3A_98 : memref<!tpu.dma_semaphore, #tpu.memory_space<semaphore_mem>>) src(%arg9 : memref<64x128xf32, #tpu.memory_space<vmem>>) dst(%dma_wait3A_104 : memref<64x128xf32, #tpu.memory_space<vmem_shared>>)
      tpu.yield
    }) : () -> ()
    %mul3A_49 = arith.constant 216 : i32
    %mul3A_50 = arith.muli %arg1, %mul3A_49 : i32
    %add3A_51 = arith.constant 192 : i32
    %add3A_52 = arith.addi %mul3A_50, %add3A_51 : i32
    "tpu.region"() ({
      %run_scoped3A_98 = tpu.sem_alloc : memref<!tpu.dma_semaphore, #tpu.memory_space<semaphore_mem>>
      %dma_start3A = arith.constant 0 : i32
      %dma_start3A_99 = arith.constant 0 : i32
      %dma_start3A_100 = tpu.memref_slice %arg9[%dma_start3A, %dma_start3A_99] : memref<64x128xf32, #tpu.memory_space<vmem>> -> memref<24x128xf32, #tpu.memory_space<vmem>>
      %dma_start3A_101 = arith.constant 0 : i32
      %dma_start3A_102 = tpu.memref_slice %arg14[%add3A_52, %dma_start3A_101] : memref<3456x128xf32, #tpu.memory_space<vmem_shared>> -> memref<24x128xf32, #tpu.memory_space<vmem_shared>>
      %dma_start3A_103 = arith.constant 0 : i32
      %dma_start3A_104 = tpu.memref_slice %arg14[%add3A_52, %dma_start3A_103] : memref<3456x128xf32, #tpu.memory_space<vmem_shared>> -> memref<24x128xf32, #tpu.memory_space<vmem_shared>>
      %dma_start3A_105 = arith.constant 0 : i32
      %dma_start3A_106 = arith.constant 0 : i32
      %dma_start3A_107 = tpu.memref_slice %arg9[%dma_start3A_105, %dma_start3A_106] : memref<64x128xf32, #tpu.memory_space<vmem>> -> memref<24x128xf32, #tpu.memory_space<vmem>>
      tpu.enqueue_dma source(%dma_start3A_107 : memref<24x128xf32, #tpu.memory_space<vmem>>) target(%dma_start3A_104 : memref<24x128xf32, #tpu.memory_space<vmem_shared>>) target_semaphore(%run_scoped3A_98 : memref<!tpu.dma_semaphore, #tpu.memory_space<semaphore_mem>>)
      %dma_wait3A = arith.constant 0 : i32
      %dma_wait3A_108 = arith.constant 0 : i32
      %dma_wait3A_109 = tpu.memref_slice %arg9[%dma_wait3A, %dma_wait3A_108] : memref<64x128xf32, #tpu.memory_space<vmem>> -> memref<24x128xf32, #tpu.memory_space<vmem>>
      %dma_wait3A_110 = arith.constant 0 : i32
      %dma_wait3A_111 = tpu.memref_slice %arg14[%add3A_52, %dma_wait3A_110] : memref<3456x128xf32, #tpu.memory_space<vmem_shared>> -> memref<24x128xf32, #tpu.memory_space<vmem_shared>>
      %dma_wait3A_112 = arith.constant 0 : i32
      %dma_wait3A_113 = tpu.memref_slice %arg14[%add3A_52, %dma_wait3A_112] : memref<3456x128xf32, #tpu.memory_space<vmem_shared>> -> memref<24x128xf32, #tpu.memory_space<vmem_shared>>
      %dma_wait3A_114 = arith.constant 0 : i32
      %dma_wait3A_115 = arith.constant 0 : i32
      %dma_wait3A_116 = tpu.memref_slice %arg9[%dma_wait3A_114, %dma_wait3A_115] : memref<64x128xf32, #tpu.memory_space<vmem>> -> memref<24x128xf32, #tpu.memory_space<vmem>>
      tpu.wait_dma2 semaphore(%run_scoped3A_98 : memref<!tpu.dma_semaphore, #tpu.memory_space<semaphore_mem>>) src(%dma_wait3A_116 : memref<24x128xf32, #tpu.memory_space<vmem>>) dst(%dma_wait3A_113 : memref<24x128xf32, #tpu.memory_space<vmem_shared>>)
      tpu.yield
    }) : () -> ()
    %barrier3A_53 = arith.constant 0 : index
    tpu.barrier barrier_id(%barrier3A_53)
    %scan3A_54 = arith.constant 0 : i32
    %scan3A_55 = arith.constant 0 : i32
    %scan3A_56 = arith.constant 80 : i32
    %scan3A_57 = arith.addi %scan3A_55, %scan3A_56 : i32
    %scan3A_58 = arith.constant 1 : i32
    %scan3A_59 = scf.for %scan3A_98 = %scan3A_55 to %scan3A_57 step %scan3A_58 iter_args(%scan3A_99 = %scan3A_54) -> (i32)  : i32 {
      %mul3A_100 = arith.constant 2 : i32
      %mul3A_101 = arith.muli %mul3A_100, %scan3A_98 : i32
      %dma_start3A = arith.constant 0 : i32
      %dma_start3A_102 = arith.constant 0 : i32
      %dma_start3A_103 = arith.constant 0 : i32
      %dma_start3A_104 = tpu.memref_slice %arg8[%dma_start3A, %dma_start3A_102, %dma_start3A_103] : memref<2x125x128xf32, #tpu.memory_space<vmem>> -> memref<1x125x128xf32, #tpu.memory_space<vmem>>
      %dma_start3A_105 = tpu.memref_squeeze %dma_start3A_104 : memref<1x125x128xf32, #tpu.memory_space<vmem>> -> memref<125x128xf32, #tpu.memory_space<vmem>>
      %dma_start3A_106 = arith.constant 0 : i32
      %dma_start3A_107 = tpu.memref_slice %arg6[%mul3A_101, %dma_start3A_106] : memref<160x125xi32, #tpu.memory_space<vmem>> -> memref<1x125xi32, #tpu.memory_space<vmem>>
      %dma_start3A_108 = tpu.memref_squeeze %dma_start3A_107 : memref<1x125xi32, #tpu.memory_space<vmem>> -> memref<125xi32, #tpu.memory_space<vmem>>
      %dma_start3A_109 = arith.constant 0 : i32
      %dma_start3A_110 = arith.constant 0 : i32
      %dma_start3A_111 = tpu.memref_slice %arg2[%dma_start3A_109, %dma_start3A_110] : memref<10000x128xf32, #tpu.memory_space<hbm>> -> memref<10000x128xf32, #tpu.memory_space<hbm>>
      tpu.enqueue_indirect_dma source(%dma_start3A_111 : memref<10000x128xf32, #tpu.memory_space<hbm>>) target(%dma_start3A_105 : memref<125x128xf32, #tpu.memory_space<vmem>>) offsets(%dma_start3A_108 : memref<125xi32, #tpu.memory_space<vmem>>) semaphore(%arg10 : memref<!tpu.dma_semaphore, #tpu.memory_space<semaphore_mem>>)
      %mul3A_112 = arith.constant 2 : i32
      %mul3A_113 = arith.muli %mul3A_112, %scan3A_98 : i32
      %add3A_114 = arith.constant 1 : i32
      %add3A_115 = arith.addi %mul3A_113, %add3A_114 : i32
      %dma_start3A_116 = arith.constant 1 : i32
      %dma_start3A_117 = arith.constant 0 : i32
      %dma_start3A_118 = arith.constant 0 : i32
      %dma_start3A_119 = tpu.memref_slice %arg8[%dma_start3A_116, %dma_start3A_117, %dma_start3A_118] : memref<2x125x128xf32, #tpu.memory_space<vmem>> -> memref<1x125x128xf32, #tpu.memory_space<vmem>>
      %dma_start3A_120 = tpu.memref_squeeze %dma_start3A_119 : memref<1x125x128xf32, #tpu.memory_space<vmem>> -> memref<125x128xf32, #tpu.memory_space<vmem>>
      %dma_start3A_121 = arith.constant 0 : i32
      %dma_start3A_122 = tpu.memref_slice %arg6[%add3A_115, %dma_start3A_121] : memref<160x125xi32, #tpu.memory_space<vmem>> -> memref<1x125xi32, #tpu.memory_space<vmem>>
      %dma_start3A_123 = tpu.memref_squeeze %dma_start3A_122 : memref<1x125xi32, #tpu.memory_space<vmem>> -> memref<125xi32, #tpu.memory_space<vmem>>
      %dma_start3A_124 = arith.constant 0 : i32
      %dma_start3A_125 = arith.constant 0 : i32
      %dma_start3A_126 = tpu.memref_slice %arg2[%dma_start3A_124, %dma_start3A_125] : memref<10000x128xf32, #tpu.memory_space<hbm>> -> memref<10000x128xf32, #tpu.memory_space<hbm>>
      tpu.enqueue_indirect_dma source(%dma_start3A_126 : memref<10000x128xf32, #tpu.memory_space<hbm>>) target(%dma_start3A_120 : memref<125x128xf32, #tpu.memory_space<vmem>>) offsets(%dma_start3A_123 : memref<125xi32, #tpu.memory_space<vmem>>) semaphore(%arg11 : memref<!tpu.dma_semaphore, #tpu.memory_space<semaphore_mem>>)
      %dma_wait3A = arith.constant 0 : i32
      %dma_wait3A_127 = arith.constant 0 : i32
      %dma_wait3A_128 = arith.constant 0 : i32
      %dma_wait3A_129 = tpu.memref_slice %arg8[%dma_wait3A, %dma_wait3A_127, %dma_wait3A_128] : memref<2x125x128xf32, #tpu.memory_space<vmem>> -> memref<1x125x128xf32, #tpu.memory_space<vmem>>
      %dma_wait3A_130 = tpu.memref_squeeze %dma_wait3A_129 : memref<1x125x128xf32, #tpu.memory_space<vmem>> -> memref<125x128xf32, #tpu.memory_space<vmem>>
      %dma_wait3A_131 = arith.constant 0 : i32
      %dma_wait3A_132 = tpu.memref_slice %arg6[%mul3A_101, %dma_wait3A_131] : memref<160x125xi32, #tpu.memory_space<vmem>> -> memref<1x125xi32, #tpu.memory_space<vmem>>
      %dma_wait3A_133 = tpu.memref_squeeze %dma_wait3A_132 : memref<1x125xi32, #tpu.memory_space<vmem>> -> memref<125xi32, #tpu.memory_space<vmem>>
      %dma_wait3A_134 = arith.constant 0 : i32
      %dma_wait3A_135 = arith.constant 0 : i32
      %dma_wait3A_136 = tpu.memref_slice %arg2[%dma_wait3A_134, %dma_wait3A_135] : memref<10000x128xf32, #tpu.memory_space<hbm>> -> memref<10000x128xf32, #tpu.memory_space<hbm>>
      tpu.wait_indirect_dma semaphore(%arg10 : memref<!tpu.dma_semaphore, #tpu.memory_space<semaphore_mem>>) src(%dma_wait3A_136 : memref<10000x128xf32, #tpu.memory_space<hbm>>) dst(%dma_wait3A_130 : memref<125x128xf32, #tpu.memory_space<vmem>>)
      %mul3A_137 = arith.constant 2 : i32
      %mul3A_138 = arith.muli %mul3A_137, %scan3A_98 : i32
      %dma_start3A_139 = arith.constant 0 : i32
      %dma_start3A_140 = arith.constant 0 : i32
      %dma_start3A_141 = arith.constant 0 : i32
      %dma_start3A_142 = tpu.memref_slice %arg8[%dma_start3A_139, %dma_start3A_140, %dma_start3A_141] : memref<2x125x128xf32, #tpu.memory_space<vmem>> -> memref<1x125x128xf32, #tpu.memory_space<vmem>>
      %dma_start3A_143 = tpu.memref_squeeze %dma_start3A_142 : memref<1x125x128xf32, #tpu.memory_space<vmem>> -> memref<125x128xf32, #tpu.memory_space<vmem>>
      %dma_start3A_144 = arith.constant 0 : i32
      %dma_start3A_145 = tpu.memref_slice %arg7[%mul3A_138, %dma_start3A_144] : memref<160x125xi32, #tpu.memory_space<vmem>> -> memref<1x125xi32, #tpu.memory_space<vmem>>
      %dma_start3A_146 = tpu.memref_squeeze %dma_start3A_145 : memref<1x125xi32, #tpu.memory_space<vmem>> -> memref<125xi32, #tpu.memory_space<vmem>>
      %dma_start3A_147 = arith.constant 0 : i32
      %dma_start3A_148 = arith.constant 0 : i32
      %dma_start3A_149 = tpu.memref_slice %arg14[%dma_start3A_147, %dma_start3A_148] : memref<3456x128xf32, #tpu.memory_space<vmem_shared>> -> memref<3456x128xf32, #tpu.memory_space<vmem_shared>>
      tpu.enqueue_indirect_dma source(%dma_start3A_143 : memref<125x128xf32, #tpu.memory_space<vmem>>) target(%dma_start3A_149 : memref<3456x128xf32, #tpu.memory_space<vmem_shared>>) offsets(%dma_start3A_146 : memref<125xi32, #tpu.memory_space<vmem>>) semaphore(%arg12 : memref<!tpu.dma_semaphore, #tpu.memory_space<semaphore_mem>>) {add = true}
      %dma_wait3A_150 = arith.constant 1 : i32
      %dma_wait3A_151 = arith.constant 0 : i32
      %dma_wait3A_152 = arith.constant 0 : i32
      %dma_wait3A_153 = tpu.memref_slice %arg8[%dma_wait3A_150, %dma_wait3A_151, %dma_wait3A_152] : memref<2x125x128xf32, #tpu.memory_space<vmem>> -> memref<1x125x128xf32, #tpu.memory_space<vmem>>
      %dma_wait3A_154 = tpu.memref_squeeze %dma_wait3A_153 : memref<1x125x128xf32, #tpu.memory_space<vmem>> -> memref<125x128xf32, #tpu.memory_space<vmem>>
      %dma_wait3A_155 = arith.constant 0 : i32
      %dma_wait3A_156 = tpu.memref_slice %arg6[%add3A_115, %dma_wait3A_155] : memref<160x125xi32, #tpu.memory_space<vmem>> -> memref<1x125xi32, #tpu.memory_space<vmem>>
      %dma_wait3A_157 = tpu.memref_squeeze %dma_wait3A_156 : memref<1x125xi32, #tpu.memory_space<vmem>> -> memref<125xi32, #tpu.memory_space<vmem>>
      %dma_wait3A_158 = arith.constant 0 : i32
      %dma_wait3A_159 = arith.constant 0 : i32
      %dma_wait3A_160 = tpu.memref_slice %arg2[%dma_wait3A_158, %dma_wait3A_159] : memref<10000x128xf32, #tpu.memory_space<hbm>> -> memref<10000x128xf32, #tpu.memory_space<hbm>>
      tpu.wait_indirect_dma semaphore(%arg11 : memref<!tpu.dma_semaphore, #tpu.memory_space<semaphore_mem>>) src(%dma_wait3A_160 : memref<10000x128xf32, #tpu.memory_space<hbm>>) dst(%dma_wait3A_154 : memref<125x128xf32, #tpu.memory_space<vmem>>)
      %mul3A_161 = arith.constant 2 : i32
      %mul3A_162 = arith.muli %mul3A_161, %scan3A_98 : i32
      %add3A_163 = arith.constant 1 : i32
      %add3A_164 = arith.addi %mul3A_162, %add3A_163 : i32
      %dma_start3A_165 = arith.constant 1 : i32
      %dma_start3A_166 = arith.constant 0 : i32
      %dma_start3A_167 = arith.constant 0 : i32
      %dma_start3A_168 = tpu.memref_slice %arg8[%dma_start3A_165, %dma_start3A_166, %dma_start3A_167] : memref<2x125x128xf32, #tpu.memory_space<vmem>> -> memref<1x125x128xf32, #tpu.memory_space<vmem>>
      %dma_start3A_169 = tpu.memref_squeeze %dma_start3A_168 : memref<1x125x128xf32, #tpu.memory_space<vmem>> -> memref<125x128xf32, #tpu.memory_space<vmem>>
      %dma_start3A_170 = arith.constant 0 : i32
      %dma_start3A_171 = tpu.memref_slice %arg7[%add3A_164, %dma_start3A_170] : memref<160x125xi32, #tpu.memory_space<vmem>> -> memref<1x125xi32, #tpu.memory_space<vmem>>
      %dma_start3A_172 = tpu.memref_squeeze %dma_start3A_171 : memref<1x125xi32, #tpu.memory_space<vmem>> -> memref<125xi32, #tpu.memory_space<vmem>>
      %dma_start3A_173 = arith.constant 0 : i32
      %dma_start3A_174 = arith.constant 0 : i32
      %dma_start3A_175 = tpu.memref_slice %arg14[%dma_start3A_173, %dma_start3A_174] : memref<3456x128xf32, #tpu.memory_space<vmem_shared>> -> memref<3456x128xf32, #tpu.memory_space<vmem_shared>>
      tpu.enqueue_indirect_dma source(%dma_start3A_169 : memref<125x128xf32, #tpu.memory_space<vmem>>) target(%dma_start3A_175 : memref<3456x128xf32, #tpu.memory_space<vmem_shared>>) offsets(%dma_start3A_172 : memref<125xi32, #tpu.memory_space<vmem>>) semaphore(%arg13 : memref<!tpu.dma_semaphore, #tpu.memory_space<semaphore_mem>>) {add = true}
      %dma_wait3A_176 = arith.constant 0 : i32
      %dma_wait3A_177 = arith.constant 0 : i32
      %dma_wait3A_178 = arith.constant 0 : i32
      %dma_wait3A_179 = tpu.memref_slice %arg8[%dma_wait3A_176, %dma_wait3A_177, %dma_wait3A_178] : memref<2x125x128xf32, #tpu.memory_space<vmem>> -> memref<1x125x128xf32, #tpu.memory_space<vmem>>
      %dma_wait3A_180 = tpu.memref_squeeze %dma_wait3A_179 : memref<1x125x128xf32, #tpu.memory_space<vmem>> -> memref<125x128xf32, #tpu.memory_space<vmem>>
      %dma_wait3A_181 = arith.constant 0 : i32
      %dma_wait3A_182 = tpu.memref_slice %arg7[%mul3A_138, %dma_wait3A_181] : memref<160x125xi32, #tpu.memory_space<vmem>> -> memref<1x125xi32, #tpu.memory_space<vmem>>
      %dma_wait3A_183 = tpu.memref_squeeze %dma_wait3A_182 : memref<1x125xi32, #tpu.memory_space<vmem>> -> memref<125xi32, #tpu.memory_space<vmem>>
      %dma_wait3A_184 = arith.constant 0 : i32
      %dma_wait3A_185 = arith.constant 0 : i32
      %dma_wait3A_186 = tpu.memref_slice %arg14[%dma_wait3A_184, %dma_wait3A_185] : memref<3456x128xf32, #tpu.memory_space<vmem_shared>> -> memref<3456x128xf32, #tpu.memory_space<vmem_shared>>
      tpu.wait_indirect_dma semaphore(%arg12 : memref<!tpu.dma_semaphore, #tpu.memory_space<semaphore_mem>>) src(%dma_wait3A_180 : memref<125x128xf32, #tpu.memory_space<vmem>>) dst(%dma_wait3A_186 : memref<3456x128xf32, #tpu.memory_space<vmem_shared>>)
      %dma_wait3A_187 = arith.constant 1 : i32
      %dma_wait3A_188 = arith.constant 0 : i32
      %dma_wait3A_189 = arith.constant 0 : i32
      %dma_wait3A_190 = tpu.memref_slice %arg8[%dma_wait3A_187, %dma_wait3A_188, %dma_wait3A_189] : memref<2x125x128xf32, #tpu.memory_space<vmem>> -> memref<1x125x128xf32, #tpu.memory_space<vmem>>
      %dma_wait3A_191 = tpu.memref_squeeze %dma_wait3A_190 : memref<1x125x128xf32, #tpu.memory_space<vmem>> -> memref<125x128xf32, #tpu.memory_space<vmem>>
      %dma_wait3A_192 = arith.constant 0 : i32
      %dma_wait3A_193 = tpu.memref_slice %arg7[%add3A_164, %dma_wait3A_192] : memref<160x125xi32, #tpu.memory_space<vmem>> -> memref<1x125xi32, #tpu.memory_space<vmem>>
      %dma_wait3A_194 = tpu.memref_squeeze %dma_wait3A_193 : memref<1x125xi32, #tpu.memory_space<vmem>> -> memref<125xi32, #tpu.memory_space<vmem>>
      %dma_wait3A_195 = arith.constant 0 : i32
      %dma_wait3A_196 = arith.constant 0 : i32
      %dma_wait3A_197 = tpu.memref_slice %arg14[%dma_wait3A_195, %dma_wait3A_196] : memref<3456x128xf32, #tpu.memory_space<vmem_shared>> -> memref<3456x128xf32, #tpu.memory_space<vmem_shared>>
      tpu.wait_indirect_dma semaphore(%arg13 : memref<!tpu.dma_semaphore, #tpu.memory_space<semaphore_mem>>) src(%dma_wait3A_191 : memref<125x128xf32, #tpu.memory_space<vmem>>) dst(%dma_wait3A_197 : memref<3456x128xf32, #tpu.memory_space<vmem_shared>>)
      %scan3A_198 = arith.constant 0 : i32
      scf.yield %scan3A_198 : i32
    }
    %scan3A_60 = arith.constant 80 : i32
    %barrier3A_61 = arith.constant 0 : index
    tpu.barrier barrier_id(%barrier3A_61)
    %mul3A_62 = arith.constant 216 : i32
    %mul3A_63 = arith.muli %arg1, %mul3A_62 : i32
    %mul3A_64 = arith.constant 216 : i32
    %mul3A_65 = arith.muli %arg1, %mul3A_64 : i32
    %run_scoped3A_66 = arith.constant 1 : i32
    "tpu.region"() ({
      %run_scoped3A_98 = tpu.sem_alloc : memref<!tpu.dma_semaphore, #tpu.memory_space<semaphore_mem>>
      %dma_start3A = arith.constant 0 : i32
      %dma_start3A_99 = tpu.memref_slice %arg5[%arg0, %run_scoped3A_66, %mul3A_65, %dma_start3A] : memref<2x3x3456x128xf32, #tpu.memory_space<hbm>> -> memref<1x1x216x128xf32, #tpu.memory_space<hbm>>
      %dma_start3A_100 = tpu.memref_squeeze %dma_start3A_99 : memref<1x1x216x128xf32, #tpu.memory_space<hbm>> -> memref<216x128xf32, #tpu.memory_space<hbm>>
      %dma_start3A_101 = arith.constant 0 : i32
      %dma_start3A_102 = tpu.memref_slice %arg14[%mul3A_63, %dma_start3A_101] : memref<3456x128xf32, #tpu.memory_space<vmem_shared>> -> memref<216x128xf32, #tpu.memory_space<vmem_shared>>
      tpu.enqueue_dma source(%dma_start3A_102 : memref<216x128xf32, #tpu.memory_space<vmem_shared>>) target(%dma_start3A_100 : memref<216x128xf32, #tpu.memory_space<hbm>>) target_semaphore(%run_scoped3A_98 : memref<!tpu.dma_semaphore, #tpu.memory_space<semaphore_mem>>)
      %dma_wait3A = arith.constant 0 : i32
      %dma_wait3A_103 = tpu.memref_slice %arg5[%arg0, %run_scoped3A_66, %mul3A_65, %dma_wait3A] : memref<2x3x3456x128xf32, #tpu.memory_space<hbm>> -> memref<1x1x216x128xf32, #tpu.memory_space<hbm>>
      %dma_wait3A_104 = tpu.memref_squeeze %dma_wait3A_103 : memref<1x1x216x128xf32, #tpu.memory_space<hbm>> -> memref<216x128xf32, #tpu.memory_space<hbm>>
      %dma_wait3A_105 = arith.constant 0 : i32
      %dma_wait3A_106 = tpu.memref_slice %arg14[%mul3A_63, %dma_wait3A_105] : memref<3456x128xf32, #tpu.memory_space<vmem_shared>> -> memref<216x128xf32, #tpu.memory_space<vmem_shared>>
      tpu.wait_dma2 semaphore(%run_scoped3A_98 : memref<!tpu.dma_semaphore, #tpu.memory_space<semaphore_mem>>) src(%dma_wait3A_106 : memref<216x128xf32, #tpu.memory_space<vmem_shared>>) dst(%dma_wait3A_104 : memref<216x128xf32, #tpu.memory_space<hbm>>)
      tpu.yield
    }) : () -> ()
    %run_scoped3A_67 = arith.constant 2 : i32
    "tpu.region"() ({
      %run_scoped3A_98 = tpu.sem_alloc : memref<!tpu.dma_semaphore, #tpu.memory_space<semaphore_mem>>
      %dma_start3A = arith.constant 0 : i32
      %dma_start3A_99 = arith.constant 0 : i32
      %dma_start3A_100 = tpu.memref_slice %arg4[%run_scoped3A_67, %add3A, %dma_start3A, %dma_start3A_99] : memref<3x32x160x125xi32, #tpu.memory_space<hbm>> -> memref<1x1x160x125xi32, #tpu.memory_space<hbm>>
      %dma_start3A_101 = tpu.memref_squeeze %dma_start3A_100 : memref<1x1x160x125xi32, #tpu.memory_space<hbm>> -> memref<160x125xi32, #tpu.memory_space<hbm>>
      %dma_start3A_102 = arith.constant 0 : i32
      %dma_start3A_103 = arith.constant 0 : i32
      %dma_start3A_104 = tpu.memref_slice %arg4[%run_scoped3A_67, %add3A, %dma_start3A_102, %dma_start3A_103] : memref<3x32x160x125xi32, #tpu.memory_space<hbm>> -> memref<1x1x160x125xi32, #tpu.memory_space<hbm>>
      %dma_start3A_105 = tpu.memref_squeeze %dma_start3A_104 : memref<1x1x160x125xi32, #tpu.memory_space<hbm>> -> memref<160x125xi32, #tpu.memory_space<hbm>>
      tpu.enqueue_dma source(%dma_start3A_105 : memref<160x125xi32, #tpu.memory_space<hbm>>) target(%arg7 : memref<160x125xi32, #tpu.memory_space<vmem>>) target_semaphore(%run_scoped3A_98 : memref<!tpu.dma_semaphore, #tpu.memory_space<semaphore_mem>>)
      %dma_wait3A = arith.constant 0 : i32
      %dma_wait3A_106 = arith.constant 0 : i32
      %dma_wait3A_107 = tpu.memref_slice %arg4[%run_scoped3A_67, %add3A, %dma_wait3A, %dma_wait3A_106] : memref<3x32x160x125xi32, #tpu.memory_space<hbm>> -> memref<1x1x160x125xi32, #tpu.memory_space<hbm>>
      %dma_wait3A_108 = tpu.memref_squeeze %dma_wait3A_107 : memref<1x1x160x125xi32, #tpu.memory_space<hbm>> -> memref<160x125xi32, #tpu.memory_space<hbm>>
      %dma_wait3A_109 = arith.constant 0 : i32
      %dma_wait3A_110 = arith.constant 0 : i32
      %dma_wait3A_111 = tpu.memref_slice %arg4[%run_scoped3A_67, %add3A, %dma_wait3A_109, %dma_wait3A_110] : memref<3x32x160x125xi32, #tpu.memory_space<hbm>> -> memref<1x1x160x125xi32, #tpu.memory_space<hbm>>
      %dma_wait3A_112 = tpu.memref_squeeze %dma_wait3A_111 : memref<1x1x160x125xi32, #tpu.memory_space<hbm>> -> memref<160x125xi32, #tpu.memory_space<hbm>>
      tpu.wait_dma2 semaphore(%run_scoped3A_98 : memref<!tpu.dma_semaphore, #tpu.memory_space<semaphore_mem>>) src(%dma_wait3A_112 : memref<160x125xi32, #tpu.memory_space<hbm>>) dst(%arg7 : memref<160x125xi32, #tpu.memory_space<vmem>>)
      tpu.yield
    }) : () -> ()
    %mul3A_68 = arith.constant 216 : i32
    %mul3A_69 = arith.muli %arg1, %mul3A_68 : i32
    %add3A_70 = arith.constant 0 : i32
    %add3A_71 = arith.addi %mul3A_69, %add3A_70 : i32
    "tpu.region"() ({
      %run_scoped3A_98 = tpu.sem_alloc : memref<!tpu.dma_semaphore, #tpu.memory_space<semaphore_mem>>
      %dma_start3A = arith.constant 0 : i32
      %dma_start3A_99 = tpu.memref_slice %arg14[%add3A_71, %dma_start3A] : memref<3456x128xf32, #tpu.memory_space<vmem_shared>> -> memref<64x128xf32, #tpu.memory_space<vmem_shared>>
      %dma_start3A_100 = arith.constant 0 : i32
      %dma_start3A_101 = tpu.memref_slice %arg14[%add3A_71, %dma_start3A_100] : memref<3456x128xf32, #tpu.memory_space<vmem_shared>> -> memref<64x128xf32, #tpu.memory_space<vmem_shared>>
      tpu.enqueue_dma source(%arg9 : memref<64x128xf32, #tpu.memory_space<vmem>>) target(%dma_start3A_101 : memref<64x128xf32, #tpu.memory_space<vmem_shared>>) target_semaphore(%run_scoped3A_98 : memref<!tpu.dma_semaphore, #tpu.memory_space<semaphore_mem>>)
      %dma_wait3A = arith.constant 0 : i32
      %dma_wait3A_102 = tpu.memref_slice %arg14[%add3A_71, %dma_wait3A] : memref<3456x128xf32, #tpu.memory_space<vmem_shared>> -> memref<64x128xf32, #tpu.memory_space<vmem_shared>>
      %dma_wait3A_103 = arith.constant 0 : i32
      %dma_wait3A_104 = tpu.memref_slice %arg14[%add3A_71, %dma_wait3A_103] : memref<3456x128xf32, #tpu.memory_space<vmem_shared>> -> memref<64x128xf32, #tpu.memory_space<vmem_shared>>
      tpu.wait_dma2 semaphore(%run_scoped3A_98 : memref<!tpu.dma_semaphore, #tpu.memory_space<semaphore_mem>>) src(%arg9 : memref<64x128xf32, #tpu.memory_space<vmem>>) dst(%dma_wait3A_104 : memref<64x128xf32, #tpu.memory_space<vmem_shared>>)
      tpu.yield
    }) : () -> ()
    %mul3A_72 = arith.constant 216 : i32
    %mul3A_73 = arith.muli %arg1, %mul3A_72 : i32
    %add3A_74 = arith.constant 64 : i32
    %add3A_75 = arith.addi %mul3A_73, %add3A_74 : i32
    "tpu.region"() ({
      %run_scoped3A_98 = tpu.sem_alloc : memref<!tpu.dma_semaphore, #tpu.memory_space<semaphore_mem>>
      %dma_start3A = arith.constant 0 : i32
      %dma_start3A_99 = tpu.memref_slice %arg14[%add3A_75, %dma_start3A] : memref<3456x128xf32, #tpu.memory_space<vmem_shared>> -> memref<64x128xf32, #tpu.memory_space<vmem_shared>>
      %dma_start3A_100 = arith.constant 0 : i32
      %dma_start3A_101 = tpu.memref_slice %arg14[%add3A_75, %dma_start3A_100] : memref<3456x128xf32, #tpu.memory_space<vmem_shared>> -> memref<64x128xf32, #tpu.memory_space<vmem_shared>>
      tpu.enqueue_dma source(%arg9 : memref<64x128xf32, #tpu.memory_space<vmem>>) target(%dma_start3A_101 : memref<64x128xf32, #tpu.memory_space<vmem_shared>>) target_semaphore(%run_scoped3A_98 : memref<!tpu.dma_semaphore, #tpu.memory_space<semaphore_mem>>)
      %dma_wait3A = arith.constant 0 : i32
      %dma_wait3A_102 = tpu.memref_slice %arg14[%add3A_75, %dma_wait3A] : memref<3456x128xf32, #tpu.memory_space<vmem_shared>> -> memref<64x128xf32, #tpu.memory_space<vmem_shared>>
      %dma_wait3A_103 = arith.constant 0 : i32
      %dma_wait3A_104 = tpu.memref_slice %arg14[%add3A_75, %dma_wait3A_103] : memref<3456x128xf32, #tpu.memory_space<vmem_shared>> -> memref<64x128xf32, #tpu.memory_space<vmem_shared>>
      tpu.wait_dma2 semaphore(%run_scoped3A_98 : memref<!tpu.dma_semaphore, #tpu.memory_space<semaphore_mem>>) src(%arg9 : memref<64x128xf32, #tpu.memory_space<vmem>>) dst(%dma_wait3A_104 : memref<64x128xf32, #tpu.memory_space<vmem_shared>>)
      tpu.yield
    }) : () -> ()
    %mul3A_76 = arith.constant 216 : i32
    %mul3A_77 = arith.muli %arg1, %mul3A_76 : i32
    %add3A_78 = arith.constant 128 : i32
    %add3A_79 = arith.addi %mul3A_77, %add3A_78 : i32
    "tpu.region"() ({
      %run_scoped3A_98 = tpu.sem_alloc : memref<!tpu.dma_semaphore, #tpu.memory_space<semaphore_mem>>
      %dma_start3A = arith.constant 0 : i32
      %dma_start3A_99 = tpu.memref_slice %arg14[%add3A_79, %dma_start3A] : memref<3456x128xf32, #tpu.memory_space<vmem_shared>> -> memref<64x128xf32, #tpu.memory_space<vmem_shared>>
      %dma_start3A_100 = arith.constant 0 : i32
      %dma_start3A_101 = tpu.memref_slice %arg14[%add3A_79, %dma_start3A_100] : memref<3456x128xf32, #tpu.memory_space<vmem_shared>> -> memref<64x128xf32, #tpu.memory_space<vmem_shared>>
      tpu.enqueue_dma source(%arg9 : memref<64x128xf32, #tpu.memory_space<vmem>>) target(%dma_start3A_101 : memref<64x128xf32, #tpu.memory_space<vmem_shared>>) target_semaphore(%run_scoped3A_98 : memref<!tpu.dma_semaphore, #tpu.memory_space<semaphore_mem>>)
      %dma_wait3A = arith.constant 0 : i32
      %dma_wait3A_102 = tpu.memref_slice %arg14[%add3A_79, %dma_wait3A] : memref<3456x128xf32, #tpu.memory_space<vmem_shared>> -> memref<64x128xf32, #tpu.memory_space<vmem_shared>>
      %dma_wait3A_103 = arith.constant 0 : i32
      %dma_wait3A_104 = tpu.memref_slice %arg14[%add3A_79, %dma_wait3A_103] : memref<3456x128xf32, #tpu.memory_space<vmem_shared>> -> memref<64x128xf32, #tpu.memory_space<vmem_shared>>
      tpu.wait_dma2 semaphore(%run_scoped3A_98 : memref<!tpu.dma_semaphore, #tpu.memory_space<semaphore_mem>>) src(%arg9 : memref<64x128xf32, #tpu.memory_space<vmem>>) dst(%dma_wait3A_104 : memref<64x128xf32, #tpu.memory_space<vmem_shared>>)
      tpu.yield
    }) : () -> ()
    %mul3A_80 = arith.constant 216 : i32
    %mul3A_81 = arith.muli %arg1, %mul3A_80 : i32
    %add3A_82 = arith.constant 192 : i32
    %add3A_83 = arith.addi %mul3A_81, %add3A_82 : i32
    "tpu.region"() ({
      %run_scoped3A_98 = tpu.sem_alloc : memref<!tpu.dma_semaphore, #tpu.memory_space<semaphore_mem>>
      %dma_start3A = arith.constant 0 : i32
      %dma_start3A_99 = arith.constant 0 : i32
      %dma_start3A_100 = tpu.memref_slice %arg9[%dma_start3A, %dma_start3A_99] : memref<64x128xf32, #tpu.memory_space<vmem>> -> memref<24x128xf32, #tpu.memory_space<vmem>>
      %dma_start3A_101 = arith.constant 0 : i32
      %dma_start3A_102 = tpu.memref_slice %arg14[%add3A_83, %dma_start3A_101] : memref<3456x128xf32, #tpu.memory_space<vmem_shared>> -> memref<24x128xf32, #tpu.memory_space<vmem_shared>>
      %dma_start3A_103 = arith.constant 0 : i32
      %dma_start3A_104 = tpu.memref_slice %arg14[%add3A_83, %dma_start3A_103] : memref<3456x128xf32, #tpu.memory_space<vmem_shared>> -> memref<24x128xf32, #tpu.memory_space<vmem_shared>>
      %dma_start3A_105 = arith.constant 0 : i32
      %dma_start3A_106 = arith.constant 0 : i32
      %dma_start3A_107 = tpu.memref_slice %arg9[%dma_start3A_105, %dma_start3A_106] : memref<64x128xf32, #tpu.memory_space<vmem>> -> memref<24x128xf32, #tpu.memory_space<vmem>>
      tpu.enqueue_dma source(%dma_start3A_107 : memref<24x128xf32, #tpu.memory_space<vmem>>) target(%dma_start3A_104 : memref<24x128xf32, #tpu.memory_space<vmem_shared>>) target_semaphore(%run_scoped3A_98 : memref<!tpu.dma_semaphore, #tpu.memory_space<semaphore_mem>>)
      %dma_wait3A = arith.constant 0 : i32
      %dma_wait3A_108 = arith.constant 0 : i32
      %dma_wait3A_109 = tpu.memref_slice %arg9[%dma_wait3A, %dma_wait3A_108] : memref<64x128xf32, #tpu.memory_space<vmem>> -> memref<24x128xf32, #tpu.memory_space<vmem>>
      %dma_wait3A_110 = arith.constant 0 : i32
      %dma_wait3A_111 = tpu.memref_slice %arg14[%add3A_83, %dma_wait3A_110] : memref<3456x128xf32, #tpu.memory_space<vmem_shared>> -> memref<24x128xf32, #tpu.memory_space<vmem_shared>>
      %dma_wait3A_112 = arith.constant 0 : i32
      %dma_wait3A_113 = tpu.memref_slice %arg14[%add3A_83, %dma_wait3A_112] : memref<3456x128xf32, #tpu.memory_space<vmem_shared>> -> memref<24x128xf32, #tpu.memory_space<vmem_shared>>
      %dma_wait3A_114 = arith.constant 0 : i32
      %dma_wait3A_115 = arith.constant 0 : i32
      %dma_wait3A_116 = tpu.memref_slice %arg9[%dma_wait3A_114, %dma_wait3A_115] : memref<64x128xf32, #tpu.memory_space<vmem>> -> memref<24x128xf32, #tpu.memory_space<vmem>>
      tpu.wait_dma2 semaphore(%run_scoped3A_98 : memref<!tpu.dma_semaphore, #tpu.memory_space<semaphore_mem>>) src(%dma_wait3A_116 : memref<24x128xf32, #tpu.memory_space<vmem>>) dst(%dma_wait3A_113 : memref<24x128xf32, #tpu.memory_space<vmem_shared>>)
      tpu.yield
    }) : () -> ()
    %barrier3A_84 = arith.constant 0 : index
    tpu.barrier barrier_id(%barrier3A_84)
    %scan3A_85 = arith.constant 0 : i32
    %scan3A_86 = arith.constant 0 : i32
    %scan3A_87 = arith.constant 80 : i32
    %scan3A_88 = arith.addi %scan3A_86, %scan3A_87 : i32
    %scan3A_89 = arith.constant 1 : i32
    %scan3A_90 = scf.for %scan3A_98 = %scan3A_86 to %scan3A_88 step %scan3A_89 iter_args(%scan3A_99 = %scan3A_85) -> (i32)  : i32 {
      %mul3A_100 = arith.constant 2 : i32
      %mul3A_101 = arith.muli %mul3A_100, %scan3A_98 : i32
      %dma_start3A = arith.constant 0 : i32
      %dma_start3A_102 = arith.constant 0 : i32
      %dma_start3A_103 = arith.constant 0 : i32
      %dma_start3A_104 = tpu.memref_slice %arg8[%dma_start3A, %dma_start3A_102, %dma_start3A_103] : memref<2x125x128xf32, #tpu.memory_space<vmem>> -> memref<1x125x128xf32, #tpu.memory_space<vmem>>
      %dma_start3A_105 = tpu.memref_squeeze %dma_start3A_104 : memref<1x125x128xf32, #tpu.memory_space<vmem>> -> memref<125x128xf32, #tpu.memory_space<vmem>>
      %dma_start3A_106 = arith.constant 0 : i32
      %dma_start3A_107 = tpu.memref_slice %arg6[%mul3A_101, %dma_start3A_106] : memref<160x125xi32, #tpu.memory_space<vmem>> -> memref<1x125xi32, #tpu.memory_space<vmem>>
      %dma_start3A_108 = tpu.memref_squeeze %dma_start3A_107 : memref<1x125xi32, #tpu.memory_space<vmem>> -> memref<125xi32, #tpu.memory_space<vmem>>
      %dma_start3A_109 = arith.constant 0 : i32
      %dma_start3A_110 = arith.constant 0 : i32
      %dma_start3A_111 = tpu.memref_slice %arg2[%dma_start3A_109, %dma_start3A_110] : memref<10000x128xf32, #tpu.memory_space<hbm>> -> memref<10000x128xf32, #tpu.memory_space<hbm>>
      tpu.enqueue_indirect_dma source(%dma_start3A_111 : memref<10000x128xf32, #tpu.memory_space<hbm>>) target(%dma_start3A_105 : memref<125x128xf32, #tpu.memory_space<vmem>>) offsets(%dma_start3A_108 : memref<125xi32, #tpu.memory_space<vmem>>) semaphore(%arg10 : memref<!tpu.dma_semaphore, #tpu.memory_space<semaphore_mem>>)
      %mul3A_112 = arith.constant 2 : i32
      %mul3A_113 = arith.muli %mul3A_112, %scan3A_98 : i32
      %add3A_114 = arith.constant 1 : i32
      %add3A_115 = arith.addi %mul3A_113, %add3A_114 : i32
      %dma_start3A_116 = arith.constant 1 : i32
      %dma_start3A_117 = arith.constant 0 : i32
      %dma_start3A_118 = arith.constant 0 : i32
      %dma_start3A_119 = tpu.memref_slice %arg8[%dma_start3A_116, %dma_start3A_117, %dma_start3A_118] : memref<2x125x128xf32, #tpu.memory_space<vmem>> -> memref<1x125x128xf32, #tpu.memory_space<vmem>>
      %dma_start3A_120 = tpu.memref_squeeze %dma_start3A_119 : memref<1x125x128xf32, #tpu.memory_space<vmem>> -> memref<125x128xf32, #tpu.memory_space<vmem>>
      %dma_start3A_121 = arith.constant 0 : i32
      %dma_start3A_122 = tpu.memref_slice %arg6[%add3A_115, %dma_start3A_121] : memref<160x125xi32, #tpu.memory_space<vmem>> -> memref<1x125xi32, #tpu.memory_space<vmem>>
      %dma_start3A_123 = tpu.memref_squeeze %dma_start3A_122 : memref<1x125xi32, #tpu.memory_space<vmem>> -> memref<125xi32, #tpu.memory_space<vmem>>
      %dma_start3A_124 = arith.constant 0 : i32
      %dma_start3A_125 = arith.constant 0 : i32
      %dma_start3A_126 = tpu.memref_slice %arg2[%dma_start3A_124, %dma_start3A_125] : memref<10000x128xf32, #tpu.memory_space<hbm>> -> memref<10000x128xf32, #tpu.memory_space<hbm>>
      tpu.enqueue_indirect_dma source(%dma_start3A_126 : memref<10000x128xf32, #tpu.memory_space<hbm>>) target(%dma_start3A_120 : memref<125x128xf32, #tpu.memory_space<vmem>>) offsets(%dma_start3A_123 : memref<125xi32, #tpu.memory_space<vmem>>) semaphore(%arg11 : memref<!tpu.dma_semaphore, #tpu.memory_space<semaphore_mem>>)
      %dma_wait3A = arith.constant 0 : i32
      %dma_wait3A_127 = arith.constant 0 : i32
      %dma_wait3A_128 = arith.constant 0 : i32
      %dma_wait3A_129 = tpu.memref_slice %arg8[%dma_wait3A, %dma_wait3A_127, %dma_wait3A_128] : memref<2x125x128xf32, #tpu.memory_space<vmem>> -> memref<1x125x128xf32, #tpu.memory_space<vmem>>
      %dma_wait3A_130 = tpu.memref_squeeze %dma_wait3A_129 : memref<1x125x128xf32, #tpu.memory_space<vmem>> -> memref<125x128xf32, #tpu.memory_space<vmem>>
      %dma_wait3A_131 = arith.constant 0 : i32
      %dma_wait3A_132 = tpu.memref_slice %arg6[%mul3A_101, %dma_wait3A_131] : memref<160x125xi32, #tpu.memory_space<vmem>> -> memref<1x125xi32, #tpu.memory_space<vmem>>
      %dma_wait3A_133 = tpu.memref_squeeze %dma_wait3A_132 : memref<1x125xi32, #tpu.memory_space<vmem>> -> memref<125xi32, #tpu.memory_space<vmem>>
      %dma_wait3A_134 = arith.constant 0 : i32
      %dma_wait3A_135 = arith.constant 0 : i32
      %dma_wait3A_136 = tpu.memref_slice %arg2[%dma_wait3A_134, %dma_wait3A_135] : memref<10000x128xf32, #tpu.memory_space<hbm>> -> memref<10000x128xf32, #tpu.memory_space<hbm>>
      tpu.wait_indirect_dma semaphore(%arg10 : memref<!tpu.dma_semaphore, #tpu.memory_space<semaphore_mem>>) src(%dma_wait3A_136 : memref<10000x128xf32, #tpu.memory_space<hbm>>) dst(%dma_wait3A_130 : memref<125x128xf32, #tpu.memory_space<vmem>>)
      %mul3A_137 = arith.constant 2 : i32
      %mul3A_138 = arith.muli %mul3A_137, %scan3A_98 : i32
      %dma_start3A_139 = arith.constant 0 : i32
      %dma_start3A_140 = arith.constant 0 : i32
      %dma_start3A_141 = arith.constant 0 : i32
      %dma_start3A_142 = tpu.memref_slice %arg8[%dma_start3A_139, %dma_start3A_140, %dma_start3A_141] : memref<2x125x128xf32, #tpu.memory_space<vmem>> -> memref<1x125x128xf32, #tpu.memory_space<vmem>>
      %dma_start3A_143 = tpu.memref_squeeze %dma_start3A_142 : memref<1x125x128xf32, #tpu.memory_space<vmem>> -> memref<125x128xf32, #tpu.memory_space<vmem>>
      %dma_start3A_144 = arith.constant 0 : i32
      %dma_start3A_145 = tpu.memref_slice %arg7[%mul3A_138, %dma_start3A_144] : memref<160x125xi32, #tpu.memory_space<vmem>> -> memref<1x125xi32, #tpu.memory_space<vmem>>
      %dma_start3A_146 = tpu.memref_squeeze %dma_start3A_145 : memref<1x125xi32, #tpu.memory_space<vmem>> -> memref<125xi32, #tpu.memory_space<vmem>>
      %dma_start3A_147 = arith.constant 0 : i32
      %dma_start3A_148 = arith.constant 0 : i32
      %dma_start3A_149 = tpu.memref_slice %arg14[%dma_start3A_147, %dma_start3A_148] : memref<3456x128xf32, #tpu.memory_space<vmem_shared>> -> memref<3456x128xf32, #tpu.memory_space<vmem_shared>>
      tpu.enqueue_indirect_dma source(%dma_start3A_143 : memref<125x128xf32, #tpu.memory_space<vmem>>) target(%dma_start3A_149 : memref<3456x128xf32, #tpu.memory_space<vmem_shared>>) offsets(%dma_start3A_146 : memref<125xi32, #tpu.memory_space<vmem>>) semaphore(%arg12 : memref<!tpu.dma_semaphore, #tpu.memory_space<semaphore_mem>>) {add = true}
      %dma_wait3A_150 = arith.constant 1 : i32
      %dma_wait3A_151 = arith.constant 0 : i32
      %dma_wait3A_152 = arith.constant 0 : i32
      %dma_wait3A_153 = tpu.memref_slice %arg8[%dma_wait3A_150, %dma_wait3A_151, %dma_wait3A_152] : memref<2x125x128xf32, #tpu.memory_space<vmem>> -> memref<1x125x128xf32, #tpu.memory_space<vmem>>
      %dma_wait3A_154 = tpu.memref_squeeze %dma_wait3A_153 : memref<1x125x128xf32, #tpu.memory_space<vmem>> -> memref<125x128xf32, #tpu.memory_space<vmem>>
      %dma_wait3A_155 = arith.constant 0 : i32
      %dma_wait3A_156 = tpu.memref_slice %arg6[%add3A_115, %dma_wait3A_155] : memref<160x125xi32, #tpu.memory_space<vmem>> -> memref<1x125xi32, #tpu.memory_space<vmem>>
      %dma_wait3A_157 = tpu.memref_squeeze %dma_wait3A_156 : memref<1x125xi32, #tpu.memory_space<vmem>> -> memref<125xi32, #tpu.memory_space<vmem>>
      %dma_wait3A_158 = arith.constant 0 : i32
      %dma_wait3A_159 = arith.constant 0 : i32
      %dma_wait3A_160 = tpu.memref_slice %arg2[%dma_wait3A_158, %dma_wait3A_159] : memref<10000x128xf32, #tpu.memory_space<hbm>> -> memref<10000x128xf32, #tpu.memory_space<hbm>>
      tpu.wait_indirect_dma semaphore(%arg11 : memref<!tpu.dma_semaphore, #tpu.memory_space<semaphore_mem>>) src(%dma_wait3A_160 : memref<10000x128xf32, #tpu.memory_space<hbm>>) dst(%dma_wait3A_154 : memref<125x128xf32, #tpu.memory_space<vmem>>)
      %mul3A_161 = arith.constant 2 : i32
      %mul3A_162 = arith.muli %mul3A_161, %scan3A_98 : i32
      %add3A_163 = arith.constant 1 : i32
      %add3A_164 = arith.addi %mul3A_162, %add3A_163 : i32
      %dma_start3A_165 = arith.constant 1 : i32
      %dma_start3A_166 = arith.constant 0 : i32
      %dma_start3A_167 = arith.constant 0 : i32
      %dma_start3A_168 = tpu.memref_slice %arg8[%dma_start3A_165, %dma_start3A_166, %dma_start3A_167] : memref<2x125x128xf32, #tpu.memory_space<vmem>> -> memref<1x125x128xf32, #tpu.memory_space<vmem>>
      %dma_start3A_169 = tpu.memref_squeeze %dma_start3A_168 : memref<1x125x128xf32, #tpu.memory_space<vmem>> -> memref<125x128xf32, #tpu.memory_space<vmem>>
      %dma_start3A_170 = arith.constant 0 : i32
      %dma_start3A_171 = tpu.memref_slice %arg7[%add3A_164, %dma_start3A_170] : memref<160x125xi32, #tpu.memory_space<vmem>> -> memref<1x125xi32, #tpu.memory_space<vmem>>
      %dma_start3A_172 = tpu.memref_squeeze %dma_start3A_171 : memref<1x125xi32, #tpu.memory_space<vmem>> -> memref<125xi32, #tpu.memory_space<vmem>>
      %dma_start3A_173 = arith.constant 0 : i32
      %dma_start3A_174 = arith.constant 0 : i32
      %dma_start3A_175 = tpu.memref_slice %arg14[%dma_start3A_173, %dma_start3A_174] : memref<3456x128xf32, #tpu.memory_space<vmem_shared>> -> memref<3456x128xf32, #tpu.memory_space<vmem_shared>>
      tpu.enqueue_indirect_dma source(%dma_start3A_169 : memref<125x128xf32, #tpu.memory_space<vmem>>) target(%dma_start3A_175 : memref<3456x128xf32, #tpu.memory_space<vmem_shared>>) offsets(%dma_start3A_172 : memref<125xi32, #tpu.memory_space<vmem>>) semaphore(%arg13 : memref<!tpu.dma_semaphore, #tpu.memory_space<semaphore_mem>>) {add = true}
      %dma_wait3A_176 = arith.constant 0 : i32
      %dma_wait3A_177 = arith.constant 0 : i32
      %dma_wait3A_178 = arith.constant 0 : i32
      %dma_wait3A_179 = tpu.memref_slice %arg8[%dma_wait3A_176, %dma_wait3A_177, %dma_wait3A_178] : memref<2x125x128xf32, #tpu.memory_space<vmem>> -> memref<1x125x128xf32, #tpu.memory_space<vmem>>
      %dma_wait3A_180 = tpu.memref_squeeze %dma_wait3A_179 : memref<1x125x128xf32, #tpu.memory_space<vmem>> -> memref<125x128xf32, #tpu.memory_space<vmem>>
      %dma_wait3A_181 = arith.constant 0 : i32
      %dma_wait3A_182 = tpu.memref_slice %arg7[%mul3A_138, %dma_wait3A_181] : memref<160x125xi32, #tpu.memory_space<vmem>> -> memref<1x125xi32, #tpu.memory_space<vmem>>
      %dma_wait3A_183 = tpu.memref_squeeze %dma_wait3A_182 : memref<1x125xi32, #tpu.memory_space<vmem>> -> memref<125xi32, #tpu.memory_space<vmem>>
      %dma_wait3A_184 = arith.constant 0 : i32
      %dma_wait3A_185 = arith.constant 0 : i32
      %dma_wait3A_186 = tpu.memref_slice %arg14[%dma_wait3A_184, %dma_wait3A_185] : memref<3456x128xf32, #tpu.memory_space<vmem_shared>> -> memref<3456x128xf32, #tpu.memory_space<vmem_shared>>
      tpu.wait_indirect_dma semaphore(%arg12 : memref<!tpu.dma_semaphore, #tpu.memory_space<semaphore_mem>>) src(%dma_wait3A_180 : memref<125x128xf32, #tpu.memory_space<vmem>>) dst(%dma_wait3A_186 : memref<3456x128xf32, #tpu.memory_space<vmem_shared>>)
      %dma_wait3A_187 = arith.constant 1 : i32
      %dma_wait3A_188 = arith.constant 0 : i32
      %dma_wait3A_189 = arith.constant 0 : i32
      %dma_wait3A_190 = tpu.memref_slice %arg8[%dma_wait3A_187, %dma_wait3A_188, %dma_wait3A_189] : memref<2x125x128xf32, #tpu.memory_space<vmem>> -> memref<1x125x128xf32, #tpu.memory_space<vmem>>
      %dma_wait3A_191 = tpu.memref_squeeze %dma_wait3A_190 : memref<1x125x128xf32, #tpu.memory_space<vmem>> -> memref<125x128xf32, #tpu.memory_space<vmem>>
      %dma_wait3A_192 = arith.constant 0 : i32
      %dma_wait3A_193 = tpu.memref_slice %arg7[%add3A_164, %dma_wait3A_192] : memref<160x125xi32, #tpu.memory_space<vmem>> -> memref<1x125xi32, #tpu.memory_space<vmem>>
      %dma_wait3A_194 = tpu.memref_squeeze %dma_wait3A_193 : memref<1x125xi32, #tpu.memory_space<vmem>> -> memref<125xi32, #tpu.memory_space<vmem>>
      %dma_wait3A_195 = arith.constant 0 : i32
      %dma_wait3A_196 = arith.constant 0 : i32
      %dma_wait3A_197 = tpu.memref_slice %arg14[%dma_wait3A_195, %dma_wait3A_196] : memref<3456x128xf32, #tpu.memory_space<vmem_shared>> -> memref<3456x128xf32, #tpu.memory_space<vmem_shared>>
      tpu.wait_indirect_dma semaphore(%arg13 : memref<!tpu.dma_semaphore, #tpu.memory_space<semaphore_mem>>) src(%dma_wait3A_191 : memref<125x128xf32, #tpu.memory_space<vmem>>) dst(%dma_wait3A_197 : memref<3456x128xf32, #tpu.memory_space<vmem_shared>>)
      %scan3A_198 = arith.constant 0 : i32
      scf.yield %scan3A_198 : i32
    }
    %scan3A_91 = arith.constant 80 : i32
    %barrier3A_92 = arith.constant 0 : index
    tpu.barrier barrier_id(%barrier3A_92)
    %mul3A_93 = arith.constant 216 : i32
    %mul3A_94 = arith.muli %arg1, %mul3A_93 : i32
    %mul3A_95 = arith.constant 216 : i32
    %mul3A_96 = arith.muli %arg1, %mul3A_95 : i32
    %run_scoped3A_97 = arith.constant 2 : i32
    "tpu.region"() ({
      %run_scoped3A_98 = tpu.sem_alloc : memref<!tpu.dma_semaphore, #tpu.memory_space<semaphore_mem>>
      %dma_start3A = arith.constant 0 : i32
      %dma_start3A_99 = tpu.memref_slice %arg5[%arg0, %run_scoped3A_97, %mul3A_96, %dma_start3A] : memref<2x3x3456x128xf32, #tpu.memory_space<hbm>> -> memref<1x1x216x128xf32, #tpu.memory_space<hbm>>
      %dma_start3A_100 = tpu.memref_squeeze %dma_start3A_99 : memref<1x1x216x128xf32, #tpu.memory_space<hbm>> -> memref<216x128xf32, #tpu.memory_space<hbm>>
      %dma_start3A_101 = arith.constant 0 : i32
      %dma_start3A_102 = tpu.memref_slice %arg14[%mul3A_94, %dma_start3A_101] : memref<3456x128xf32, #tpu.memory_space<vmem_shared>> -> memref<216x128xf32, #tpu.memory_space<vmem_shared>>
      tpu.enqueue_dma source(%dma_start3A_102 : memref<216x128xf32, #tpu.memory_space<vmem_shared>>) target(%dma_start3A_100 : memref<216x128xf32, #tpu.memory_space<hbm>>) target_semaphore(%run_scoped3A_98 : memref<!tpu.dma_semaphore, #tpu.memory_space<semaphore_mem>>)
      %dma_wait3A = arith.constant 0 : i32
      %dma_wait3A_103 = tpu.memref_slice %arg5[%arg0, %run_scoped3A_97, %mul3A_96, %dma_wait3A] : memref<2x3x3456x128xf32, #tpu.memory_space<hbm>> -> memref<1x1x216x128xf32, #tpu.memory_space<hbm>>
      %dma_wait3A_104 = tpu.memref_squeeze %dma_wait3A_103 : memref<1x1x216x128xf32, #tpu.memory_space<hbm>> -> memref<216x128xf32, #tpu.memory_space<hbm>>
      %dma_wait3A_105 = arith.constant 0 : i32
      %dma_wait3A_106 = tpu.memref_slice %arg14[%mul3A_94, %dma_wait3A_105] : memref<3456x128xf32, #tpu.memory_space<vmem_shared>> -> memref<216x128xf32, #tpu.memory_space<vmem_shared>>
      tpu.wait_dma2 semaphore(%run_scoped3A_98 : memref<!tpu.dma_semaphore, #tpu.memory_space<semaphore_mem>>) src(%dma_wait3A_106 : memref<216x128xf32, #tpu.memory_space<vmem_shared>>) dst(%dma_wait3A_104 : memref<216x128xf32, #tpu.memory_space<hbm>>)
      tpu.yield
    }) : () -> ()
    return
  }
}

#map = affine_map<(d0, d1) -> (0, 0)>
#map1 = affine_map<(d0, d1) -> (0, 0, 0)>
#map2 = affine_map<(d0, d1) -> (0, 0, 0, 0)>
module attributes {stable_mosaic.version = 14 : i64} {
  func.func @_sc_propagate(%arg0: i32, %arg1: i32, %arg2: memref<10000x128xf32, #tpu.memory_space<hbm>>, %arg3: memref<32x160x125xi32, #tpu.memory_space<hbm>>, %arg4: memref<3x32x160x125xi32, #tpu.memory_space<hbm>>, %arg5: memref<2x3x3456x128xf32, #tpu.memory_space<hbm>>, %arg6: memref<160x125xi32, #tpu.memory_space<vmem>>, %arg7: memref<160x125xi32, #tpu.memory_space<vmem>>, %arg8: memref<2x125x128xf32, #tpu.memory_space<vmem>>, %arg9: memref<64x128xf32, #tpu.memory_space<vmem>>, %arg10: memref<!tpu.dma_semaphore, #tpu.memory_space<semaphore_mem>>, %arg11: memref<!tpu.dma_semaphore, #tpu.memory_space<semaphore_mem>>, %arg12: memref<!tpu.dma_semaphore, #tpu.memory_space<semaphore_mem>>, %arg13: memref<!tpu.dma_semaphore, #tpu.memory_space<semaphore_mem>>, %arg14: memref<3456x128xf32, #tpu.memory_space<vmem_shared>>) attributes {dimension_semantics = [#tpu.dimension_semantics<core_parallel>, #tpu.dimension_semantics<subcore_parallel>], iteration_bounds = array<i64: 2, 16>, scalar_prefetch = 0 : i64, scratch_operands = 9 : i64, tpu.core_type = #tpu.core_type<sc_vector_subcore>, window_params = [{transform_indices = #map}, {transform_indices = #map1}, {transform_indices = #map2}, {transform_indices = #map2}]} {
    %mul3A = arith.constant 2 : i32
    %mul3A_0 = arith.muli %arg1, %mul3A : i32
    %add3A = arith.addi %mul3A_0, %arg0 : i32
    "tpu.region"() ({
      %run_scoped3A_98 = tpu.sem_alloc : memref<!tpu.dma_semaphore, #tpu.memory_space<semaphore_mem>>
      %dma_start3A = arith.constant 0 : i32
      %dma_start3A_99 = arith.constant 0 : i32
      %dma_start3A_100 = tpu.memref_slice %arg3[%add3A, %dma_start3A, %dma_start3A_99] : memref<32x160x125xi32, #tpu.memory_space<hbm>> -> memref<1x160x125xi32, #tpu.memory_space<hbm>>
      %dma_start3A_101 = tpu.memref_squeeze %dma_start3A_100 : memref<1x160x125xi32, #tpu.memory_space<hbm>> -> memref<160x125xi32, #tpu.memory_space<hbm>>
      %dma_start3A_102 = arith.constant 0 : i32
      %dma_start3A_103 = arith.constant 0 : i32
      %dma_start3A_104 = tpu.memref_slice %arg3[%add3A, %dma_start3A_102, %dma_start3A_103] : memref<32x160x125xi32, #tpu.memory_space<hbm>> -> memref<1x160x125xi32, #tpu.memory_space<hbm>>
      %dma_start3A_105 = tpu.memref_squeeze %dma_start3A_104 : memref<1x160x125xi32, #tpu.memory_space<hbm>> -> memref<160x125xi32, #tpu.memory_space<hbm>>
      tpu.enqueue_dma source(%dma_start3A_105 : memref<160x125xi32, #tpu.memory_space<hbm>>) target(%arg6 : memref<160x125xi32, #tpu.memory_space<vmem>>) target_semaphore(%run_scoped3A_98 : memref<!tpu.dma_semaphore, #tpu.memory_space<semaphore_mem>>)
      %dma_wait3A = arith.constant 0 : i32
      %dma_wait3A_106 = arith.constant 0 : i32
      %dma_wait3A_107 = tpu.memref_slice %arg3[%add3A, %dma_wait3A, %dma_wait3A_106] : memref<32x160x125xi32, #tpu.memory_space<hbm>> -> memref<1x160x125xi32, #tpu.memory_space<hbm>>
      %dma_wait3A_108 = tpu.memref_squeeze %dma_wait3A_107 : memref<1x160x125xi32, #tpu.memory_space<hbm>> -> memref<160x125xi32, #tpu.memory_space<hbm>>
      %dma_wait3A_109 = arith.constant 0 : i32
      %dma_wait3A_110 = arith.constant 0 : i32
      %dma_wait3A_111 = tpu.memref_slice %arg3[%add3A, %dma_wait3A_109, %dma_wait3A_110] : memref<32x160x125xi32, #tpu.memory_space<hbm>> -> memref<1x160x125xi32, #tpu.memory_space<hbm>>
      %dma_wait3A_112 = tpu.memref_squeeze %dma_wait3A_111 : memref<1x160x125xi32, #tpu.memory_space<hbm>> -> memref<160x125xi32, #tpu.memory_space<hbm>>
      tpu.wait_dma2 semaphore(%run_scoped3A_98 : memref<!tpu.dma_semaphore, #tpu.memory_space<semaphore_mem>>) src(%dma_wait3A_112 : memref<160x125xi32, #tpu.memory_space<hbm>>) dst(%arg6 : memref<160x125xi32, #tpu.memory_space<vmem>>)
      tpu.yield
    }) : () -> ()
    %scan3A = arith.constant 0 : i32
    %scan3A_1 = arith.constant 0 : i32
    %scan3A_2 = arith.constant 64 : i32
    %scan3A_3 = arith.addi %scan3A_1, %scan3A_2 : i32
    %scan3A_4 = arith.constant 1 : i32
    %scan3A_5 = scf.for %scan3A_98 = %scan3A_1 to %scan3A_3 step %scan3A_4 iter_args(%scan3A_99 = %scan3A) -> (i32)  : i32 {
      %broadcast_in_dim3A = arith.constant 0.000000e+00 : f32
      %broadcast_in_dim3A_100 = vector.broadcast %broadcast_in_dim3A : f32 to vector<16xf32>
      %swap3A = arith.index_cast %scan3A_98 : i32 to index
      %swap3A_101 = arith.constant 0 : index
      %swap3A_102 = tpu.vector_load %arg9[%swap3A, %swap3A_101] {strides = array<i32>} : memref<64x128xf32, #tpu.memory_space<vmem>>, vector<1x16xf32>,
      %swap3A_103 = vector.shape_cast %swap3A_102 : vector<1x16xf32> to vector<16xf32>
      %swap3A_104 = vector.shape_cast %broadcast_in_dim3A_100 : vector<16xf32> to vector<1x16xf32>
      tpu.vector_store %arg9[%swap3A, %swap3A_101], %swap3A_104 {strides = array<i32>} : memref<64x128xf32, #tpu.memory_space<vmem>>, vector<1x16xf32>,
      %broadcast_in_dim3A_105 = arith.constant 0.000000e+00 : f32
      %broadcast_in_dim3A_106 = vector.broadcast %broadcast_in_dim3A_105 : f32 to vector<16xf32>
      %swap3A_107 = arith.index_cast %scan3A_98 : i32 to index
      %swap3A_108 = arith.constant 16 : index
      %swap3A_109 = tpu.vector_load %arg9[%swap3A_107, %swap3A_108] {strides = array<i32>} : memref<64x128xf32, #tpu.memory_space<vmem>>, vector<1x16xf32>,
      %swap3A_110 = vector.shape_cast %swap3A_109 : vector<1x16xf32> to vector<16xf32>
      %swap3A_111 = vector.shape_cast %broadcast_in_dim3A_106 : vector<16xf32> to vector<1x16xf32>
      tpu.vector_store %arg9[%swap3A_107, %swap3A_108], %swap3A_111 {strides = array<i32>} : memref<64x128xf32, #tpu.memory_space<vmem>>, vector<1x16xf32>,
      %broadcast_in_dim3A_112 = arith.constant 0.000000e+00 : f32
      %broadcast_in_dim3A_113 = vector.broadcast %broadcast_in_dim3A_112 : f32 to vector<16xf32>
      %swap3A_114 = arith.index_cast %scan3A_98 : i32 to index
      %swap3A_115 = arith.constant 32 : index
      %swap3A_116 = tpu.vector_load %arg9[%swap3A_114, %swap3A_115] {strides = array<i32>} : memref<64x128xf32, #tpu.memory_space<vmem>>, vector<1x16xf32>,
      %swap3A_117 = vector.shape_cast %swap3A_116 : vector<1x16xf32> to vector<16xf32>
      %swap3A_118 = vector.shape_cast %broadcast_in_dim3A_113 : vector<16xf32> to vector<1x16xf32>
      tpu.vector_store %arg9[%swap3A_114, %swap3A_115], %swap3A_118 {strides = array<i32>} : memref<64x128xf32, #tpu.memory_space<vmem>>, vector<1x16xf32>,
      %broadcast_in_dim3A_119 = arith.constant 0.000000e+00 : f32
      %broadcast_in_dim3A_120 = vector.broadcast %broadcast_in_dim3A_119 : f32 to vector<16xf32>
      %swap3A_121 = arith.index_cast %scan3A_98 : i32 to index
      %swap3A_122 = arith.constant 48 : index
      %swap3A_123 = tpu.vector_load %arg9[%swap3A_121, %swap3A_122] {strides = array<i32>} : memref<64x128xf32, #tpu.memory_space<vmem>>, vector<1x16xf32>,
      %swap3A_124 = vector.shape_cast %swap3A_123 : vector<1x16xf32> to vector<16xf32>
      %swap3A_125 = vector.shape_cast %broadcast_in_dim3A_120 : vector<16xf32> to vector<1x16xf32>
      tpu.vector_store %arg9[%swap3A_121, %swap3A_122], %swap3A_125 {strides = array<i32>} : memref<64x128xf32, #tpu.memory_space<vmem>>, vector<1x16xf32>,
      %broadcast_in_dim3A_126 = arith.constant 0.000000e+00 : f32
      %broadcast_in_dim3A_127 = vector.broadcast %broadcast_in_dim3A_126 : f32 to vector<16xf32>
      %swap3A_128 = arith.index_cast %scan3A_98 : i32 to index
      %swap3A_129 = arith.constant 64 : index
      %swap3A_130 = tpu.vector_load %arg9[%swap3A_128, %swap3A_129] {strides = array<i32>} : memref<64x128xf32, #tpu.memory_space<vmem>>, vector<1x16xf32>,
      %swap3A_131 = vector.shape_cast %swap3A_130 : vector<1x16xf32> to vector<16xf32>
      %swap3A_132 = vector.shape_cast %broadcast_in_dim3A_127 : vector<16xf32> to vector<1x16xf32>
      tpu.vector_store %arg9[%swap3A_128, %swap3A_129], %swap3A_132 {strides = array<i32>} : memref<64x128xf32, #tpu.memory_space<vmem>>, vector<1x16xf32>,
      %broadcast_in_dim3A_133 = arith.constant 0.000000e+00 : f32
      %broadcast_in_dim3A_134 = vector.broadcast %broadcast_in_dim3A_133 : f32 to vector<16xf32>
      %swap3A_135 = arith.index_cast %scan3A_98 : i32 to index
      %swap3A_136 = arith.constant 80 : index
      %swap3A_137 = tpu.vector_load %arg9[%swap3A_135, %swap3A_136] {strides = array<i32>} : memref<64x128xf32, #tpu.memory_space<vmem>>, vector<1x16xf32>,
      %swap3A_138 = vector.shape_cast %swap3A_137 : vector<1x16xf32> to vector<16xf32>
      %swap3A_139 = vector.shape_cast %broadcast_in_dim3A_134 : vector<16xf32> to vector<1x16xf32>
      tpu.vector_store %arg9[%swap3A_135, %swap3A_136], %swap3A_139 {strides = array<i32>} : memref<64x128xf32, #tpu.memory_space<vmem>>, vector<1x16xf32>,
      %broadcast_in_dim3A_140 = arith.constant 0.000000e+00 : f32
      %broadcast_in_dim3A_141 = vector.broadcast %broadcast_in_dim3A_140 : f32 to vector<16xf32>
      %swap3A_142 = arith.index_cast %scan3A_98 : i32 to index
      %swap3A_143 = arith.constant 96 : index
      %swap3A_144 = tpu.vector_load %arg9[%swap3A_142, %swap3A_143] {strides = array<i32>} : memref<64x128xf32, #tpu.memory_space<vmem>>, vector<1x16xf32>,
      %swap3A_145 = vector.shape_cast %swap3A_144 : vector<1x16xf32> to vector<16xf32>
      %swap3A_146 = vector.shape_cast %broadcast_in_dim3A_141 : vector<16xf32> to vector<1x16xf32>
      tpu.vector_store %arg9[%swap3A_142, %swap3A_143], %swap3A_146 {strides = array<i32>} : memref<64x128xf32, #tpu.memory_space<vmem>>, vector<1x16xf32>,
      %broadcast_in_dim3A_147 = arith.constant 0.000000e+00 : f32
      %broadcast_in_dim3A_148 = vector.broadcast %broadcast_in_dim3A_147 : f32 to vector<16xf32>
      %swap3A_149 = arith.index_cast %scan3A_98 : i32 to index
      %swap3A_150 = arith.constant 112 : index
      %swap3A_151 = tpu.vector_load %arg9[%swap3A_149, %swap3A_150] {strides = array<i32>} : memref<64x128xf32, #tpu.memory_space<vmem>>, vector<1x16xf32>,
      %swap3A_152 = vector.shape_cast %swap3A_151 : vector<1x16xf32> to vector<16xf32>
      %swap3A_153 = vector.shape_cast %broadcast_in_dim3A_148 : vector<16xf32> to vector<1x16xf32>
      tpu.vector_store %arg9[%swap3A_149, %swap3A_150], %swap3A_153 {strides = array<i32>} : memref<64x128xf32, #tpu.memory_space<vmem>>, vector<1x16xf32>,
      %scan3A_154 = arith.constant 0 : i32
      scf.yield %scan3A_154 : i32
    }
    %scan3A_6 = arith.constant 64 : i32
    %run_scoped3A = arith.constant 0 : i32
    "tpu.region"() ({
      %run_scoped3A_98 = tpu.sem_alloc : memref<!tpu.dma_semaphore, #tpu.memory_space<semaphore_mem>>
      %dma_start3A = arith.constant 0 : i32
      %dma_start3A_99 = arith.constant 0 : i32
      %dma_start3A_100 = tpu.memref_slice %arg4[%run_scoped3A, %add3A, %dma_start3A, %dma_start3A_99] : memref<3x32x160x125xi32, #tpu.memory_space<hbm>> -> memref<1x1x160x125xi32, #tpu.memory_space<hbm>>
      %dma_start3A_101 = tpu.memref_squeeze %dma_start3A_100 : memref<1x1x160x125xi32, #tpu.memory_space<hbm>> -> memref<160x125xi32, #tpu.memory_space<hbm>>
      %dma_start3A_102 = arith.constant 0 : i32
      %dma_start3A_103 = arith.constant 0 : i32
      %dma_start3A_104 = tpu.memref_slice %arg4[%run_scoped3A, %add3A, %dma_start3A_102, %dma_start3A_103] : memref<3x32x160x125xi32, #tpu.memory_space<hbm>> -> memref<1x1x160x125xi32, #tpu.memory_space<hbm>>
      %dma_start3A_105 = tpu.memref_squeeze %dma_start3A_104 : memref<1x1x160x125xi32, #tpu.memory_space<hbm>> -> memref<160x125xi32, #tpu.memory_space<hbm>>
      tpu.enqueue_dma source(%dma_start3A_105 : memref<160x125xi32, #tpu.memory_space<hbm>>) target(%arg7 : memref<160x125xi32, #tpu.memory_space<vmem>>) target_semaphore(%run_scoped3A_98 : memref<!tpu.dma_semaphore, #tpu.memory_space<semaphore_mem>>)
      %dma_wait3A = arith.constant 0 : i32
      %dma_wait3A_106 = arith.constant 0 : i32
      %dma_wait3A_107 = tpu.memref_slice %arg4[%run_scoped3A, %add3A, %dma_wait3A, %dma_wait3A_106] : memref<3x32x160x125xi32, #tpu.memory_space<hbm>> -> memref<1x1x160x125xi32, #tpu.memory_space<hbm>>
      %dma_wait3A_108 = tpu.memref_squeeze %dma_wait3A_107 : memref<1x1x160x125xi32, #tpu.memory_space<hbm>> -> memref<160x125xi32, #tpu.memory_space<hbm>>
      %dma_wait3A_109 = arith.constant 0 : i32
      %dma_wait3A_110 = arith.constant 0 : i32
      %dma_wait3A_111 = tpu.memref_slice %arg4[%run_scoped3A, %add3A, %dma_wait3A_109, %dma_wait3A_110] : memref<3x32x160x125xi32, #tpu.memory_space<hbm>> -> memref<1x1x160x125xi32, #tpu.memory_space<hbm>>
      %dma_wait3A_112 = tpu.memref_squeeze %dma_wait3A_111 : memref<1x1x160x125xi32, #tpu.memory_space<hbm>> -> memref<160x125xi32, #tpu.memory_space<hbm>>
      tpu.wait_dma2 semaphore(%run_scoped3A_98 : memref<!tpu.dma_semaphore, #tpu.memory_space<semaphore_mem>>) src(%dma_wait3A_112 : memref<160x125xi32, #tpu.memory_space<hbm>>) dst(%arg7 : memref<160x125xi32, #tpu.memory_space<vmem>>)
      tpu.yield
    }) : () -> ()
    %mul3A_7 = arith.constant 216 : i32
    %mul3A_8 = arith.muli %arg1, %mul3A_7 : i32
    %add3A_9 = arith.constant 0 : i32
    %add3A_10 = arith.addi %mul3A_8, %add3A_9 : i32
    "tpu.region"() ({
      %run_scoped3A_98 = tpu.sem_alloc : memref<!tpu.dma_semaphore, #tpu.memory_space<semaphore_mem>>
      %dma_start3A = arith.constant 0 : i32
      %dma_start3A_99 = tpu.memref_slice %arg14[%add3A_10, %dma_start3A] : memref<3456x128xf32, #tpu.memory_space<vmem_shared>> -> memref<64x128xf32, #tpu.memory_space<vmem_shared>>
      %dma_start3A_100 = arith.constant 0 : i32
      %dma_start3A_101 = tpu.memref_slice %arg14[%add3A_10, %dma_start3A_100] : memref<3456x128xf32, #tpu.memory_space<vmem_shared>> -> memref<64x128xf32, #tpu.memory_space<vmem_shared>>
      tpu.enqueue_dma source(%arg9 : memref<64x128xf32, #tpu.memory_space<vmem>>) target(%dma_start3A_101 : memref<64x128xf32, #tpu.memory_space<vmem_shared>>) target_semaphore(%run_scoped3A_98 : memref<!tpu.dma_semaphore, #tpu.memory_space<semaphore_mem>>)
      %dma_wait3A = arith.constant 0 : i32
      %dma_wait3A_102 = tpu.memref_slice %arg14[%add3A_10, %dma_wait3A] : memref<3456x128xf32, #tpu.memory_space<vmem_shared>> -> memref<64x128xf32, #tpu.memory_space<vmem_shared>>
      %dma_wait3A_103 = arith.constant 0 : i32
      %dma_wait3A_104 = tpu.memref_slice %arg14[%add3A_10, %dma_wait3A_103] : memref<3456x128xf32, #tpu.memory_space<vmem_shared>> -> memref<64x128xf32, #tpu.memory_space<vmem_shared>>
      tpu.wait_dma2 semaphore(%run_scoped3A_98 : memref<!tpu.dma_semaphore, #tpu.memory_space<semaphore_mem>>) src(%arg9 : memref<64x128xf32, #tpu.memory_space<vmem>>) dst(%dma_wait3A_104 : memref<64x128xf32, #tpu.memory_space<vmem_shared>>)
      tpu.yield
    }) : () -> ()
    %mul3A_11 = arith.constant 216 : i32
    %mul3A_12 = arith.muli %arg1, %mul3A_11 : i32
    %add3A_13 = arith.constant 64 : i32
    %add3A_14 = arith.addi %mul3A_12, %add3A_13 : i32
    "tpu.region"() ({
      %run_scoped3A_98 = tpu.sem_alloc : memref<!tpu.dma_semaphore, #tpu.memory_space<semaphore_mem>>
      %dma_start3A = arith.constant 0 : i32
      %dma_start3A_99 = tpu.memref_slice %arg14[%add3A_14, %dma_start3A] : memref<3456x128xf32, #tpu.memory_space<vmem_shared>> -> memref<64x128xf32, #tpu.memory_space<vmem_shared>>
      %dma_start3A_100 = arith.constant 0 : i32
      %dma_start3A_101 = tpu.memref_slice %arg14[%add3A_14, %dma_start3A_100] : memref<3456x128xf32, #tpu.memory_space<vmem_shared>> -> memref<64x128xf32, #tpu.memory_space<vmem_shared>>
      tpu.enqueue_dma source(%arg9 : memref<64x128xf32, #tpu.memory_space<vmem>>) target(%dma_start3A_101 : memref<64x128xf32, #tpu.memory_space<vmem_shared>>) target_semaphore(%run_scoped3A_98 : memref<!tpu.dma_semaphore, #tpu.memory_space<semaphore_mem>>)
      %dma_wait3A = arith.constant 0 : i32
      %dma_wait3A_102 = tpu.memref_slice %arg14[%add3A_14, %dma_wait3A] : memref<3456x128xf32, #tpu.memory_space<vmem_shared>> -> memref<64x128xf32, #tpu.memory_space<vmem_shared>>
      %dma_wait3A_103 = arith.constant 0 : i32
      %dma_wait3A_104 = tpu.memref_slice %arg14[%add3A_14, %dma_wait3A_103] : memref<3456x128xf32, #tpu.memory_space<vmem_shared>> -> memref<64x128xf32, #tpu.memory_space<vmem_shared>>
      tpu.wait_dma2 semaphore(%run_scoped3A_98 : memref<!tpu.dma_semaphore, #tpu.memory_space<semaphore_mem>>) src(%arg9 : memref<64x128xf32, #tpu.memory_space<vmem>>) dst(%dma_wait3A_104 : memref<64x128xf32, #tpu.memory_space<vmem_shared>>)
      tpu.yield
    }) : () -> ()
    %mul3A_15 = arith.constant 216 : i32
    %mul3A_16 = arith.muli %arg1, %mul3A_15 : i32
    %add3A_17 = arith.constant 128 : i32
    %add3A_18 = arith.addi %mul3A_16, %add3A_17 : i32
    "tpu.region"() ({
      %run_scoped3A_98 = tpu.sem_alloc : memref<!tpu.dma_semaphore, #tpu.memory_space<semaphore_mem>>
      %dma_start3A = arith.constant 0 : i32
      %dma_start3A_99 = tpu.memref_slice %arg14[%add3A_18, %dma_start3A] : memref<3456x128xf32, #tpu.memory_space<vmem_shared>> -> memref<64x128xf32, #tpu.memory_space<vmem_shared>>
      %dma_start3A_100 = arith.constant 0 : i32
      %dma_start3A_101 = tpu.memref_slice %arg14[%add3A_18, %dma_start3A_100] : memref<3456x128xf32, #tpu.memory_space<vmem_shared>> -> memref<64x128xf32, #tpu.memory_space<vmem_shared>>
      tpu.enqueue_dma source(%arg9 : memref<64x128xf32, #tpu.memory_space<vmem>>) target(%dma_start3A_101 : memref<64x128xf32, #tpu.memory_space<vmem_shared>>) target_semaphore(%run_scoped3A_98 : memref<!tpu.dma_semaphore, #tpu.memory_space<semaphore_mem>>)
      %dma_wait3A = arith.constant 0 : i32
      %dma_wait3A_102 = tpu.memref_slice %arg14[%add3A_18, %dma_wait3A] : memref<3456x128xf32, #tpu.memory_space<vmem_shared>> -> memref<64x128xf32, #tpu.memory_space<vmem_shared>>
      %dma_wait3A_103 = arith.constant 0 : i32
      %dma_wait3A_104 = tpu.memref_slice %arg14[%add3A_18, %dma_wait3A_103] : memref<3456x128xf32, #tpu.memory_space<vmem_shared>> -> memref<64x128xf32, #tpu.memory_space<vmem_shared>>
      tpu.wait_dma2 semaphore(%run_scoped3A_98 : memref<!tpu.dma_semaphore, #tpu.memory_space<semaphore_mem>>) src(%arg9 : memref<64x128xf32, #tpu.memory_space<vmem>>) dst(%dma_wait3A_104 : memref<64x128xf32, #tpu.memory_space<vmem_shared>>)
      tpu.yield
    }) : () -> ()
    %mul3A_19 = arith.constant 216 : i32
    %mul3A_20 = arith.muli %arg1, %mul3A_19 : i32
    %add3A_21 = arith.constant 192 : i32
    %add3A_22 = arith.addi %mul3A_20, %add3A_21 : i32
    "tpu.region"() ({
      %run_scoped3A_98 = tpu.sem_alloc : memref<!tpu.dma_semaphore, #tpu.memory_space<semaphore_mem>>
      %dma_start3A = arith.constant 0 : i32
      %dma_start3A_99 = arith.constant 0 : i32
      %dma_start3A_100 = tpu.memref_slice %arg9[%dma_start3A, %dma_start3A_99] : memref<64x128xf32, #tpu.memory_space<vmem>> -> memref<24x128xf32, #tpu.memory_space<vmem>>
      %dma_start3A_101 = arith.constant 0 : i32
      %dma_start3A_102 = tpu.memref_slice %arg14[%add3A_22, %dma_start3A_101] : memref<3456x128xf32, #tpu.memory_space<vmem_shared>> -> memref<24x128xf32, #tpu.memory_space<vmem_shared>>
      %dma_start3A_103 = arith.constant 0 : i32
      %dma_start3A_104 = tpu.memref_slice %arg14[%add3A_22, %dma_start3A_103] : memref<3456x128xf32, #tpu.memory_space<vmem_shared>> -> memref<24x128xf32, #tpu.memory_space<vmem_shared>>
      %dma_start3A_105 = arith.constant 0 : i32
      %dma_start3A_106 = arith.constant 0 : i32
      %dma_start3A_107 = tpu.memref_slice %arg9[%dma_start3A_105, %dma_start3A_106] : memref<64x128xf32, #tpu.memory_space<vmem>> -> memref<24x128xf32, #tpu.memory_space<vmem>>
      tpu.enqueue_dma source(%dma_start3A_107 : memref<24x128xf32, #tpu.memory_space<vmem>>) target(%dma_start3A_104 : memref<24x128xf32, #tpu.memory_space<vmem_shared>>) target_semaphore(%run_scoped3A_98 : memref<!tpu.dma_semaphore, #tpu.memory_space<semaphore_mem>>)
      %dma_wait3A = arith.constant 0 : i32
      %dma_wait3A_108 = arith.constant 0 : i32
      %dma_wait3A_109 = tpu.memref_slice %arg9[%dma_wait3A, %dma_wait3A_108] : memref<64x128xf32, #tpu.memory_space<vmem>> -> memref<24x128xf32, #tpu.memory_space<vmem>>
      %dma_wait3A_110 = arith.constant 0 : i32
      %dma_wait3A_111 = tpu.memref_slice %arg14[%add3A_22, %dma_wait3A_110] : memref<3456x128xf32, #tpu.memory_space<vmem_shared>> -> memref<24x128xf32, #tpu.memory_space<vmem_shared>>
      %dma_wait3A_112 = arith.constant 0 : i32
      %dma_wait3A_113 = tpu.memref_slice %arg14[%add3A_22, %dma_wait3A_112] : memref<3456x128xf32, #tpu.memory_space<vmem_shared>> -> memref<24x128xf32, #tpu.memory_space<vmem_shared>>
      %dma_wait3A_114 = arith.constant 0 : i32
      %dma_wait3A_115 = arith.constant 0 : i32
      %dma_wait3A_116 = tpu.memref_slice %arg9[%dma_wait3A_114, %dma_wait3A_115] : memref<64x128xf32, #tpu.memory_space<vmem>> -> memref<24x128xf32, #tpu.memory_space<vmem>>
      tpu.wait_dma2 semaphore(%run_scoped3A_98 : memref<!tpu.dma_semaphore, #tpu.memory_space<semaphore_mem>>) src(%dma_wait3A_116 : memref<24x128xf32, #tpu.memory_space<vmem>>) dst(%dma_wait3A_113 : memref<24x128xf32, #tpu.memory_space<vmem_shared>>)
      tpu.yield
    }) : () -> ()
    %barrier3A = arith.constant 0 : index
    tpu.barrier barrier_id(%barrier3A)
    %scan3A_23 = arith.constant 0 : i32
    %scan3A_24 = arith.constant 0 : i32
    %scan3A_25 = arith.constant 80 : i32
    %scan3A_26 = arith.addi %scan3A_24, %scan3A_25 : i32
    %scan3A_27 = arith.constant 1 : i32
    %scan3A_28 = scf.for %scan3A_98 = %scan3A_24 to %scan3A_26 step %scan3A_27 iter_args(%scan3A_99 = %scan3A_23) -> (i32)  : i32 {
      %mul3A_100 = arith.constant 2 : i32
      %mul3A_101 = arith.muli %mul3A_100, %scan3A_98 : i32
      %dma_start3A = arith.constant 0 : i32
      %dma_start3A_102 = arith.constant 0 : i32
      %dma_start3A_103 = arith.constant 0 : i32
      %dma_start3A_104 = tpu.memref_slice %arg8[%dma_start3A, %dma_start3A_102, %dma_start3A_103] : memref<2x125x128xf32, #tpu.memory_space<vmem>> -> memref<1x125x128xf32, #tpu.memory_space<vmem>>
      %dma_start3A_105 = tpu.memref_squeeze %dma_start3A_104 : memref<1x125x128xf32, #tpu.memory_space<vmem>> -> memref<125x128xf32, #tpu.memory_space<vmem>>
      %dma_start3A_106 = arith.constant 0 : i32
      %dma_start3A_107 = tpu.memref_slice %arg6[%mul3A_101, %dma_start3A_106] : memref<160x125xi32, #tpu.memory_space<vmem>> -> memref<1x125xi32, #tpu.memory_space<vmem>>
      %dma_start3A_108 = tpu.memref_squeeze %dma_start3A_107 : memref<1x125xi32, #tpu.memory_space<vmem>> -> memref<125xi32, #tpu.memory_space<vmem>>
      %dma_start3A_109 = arith.constant 0 : i32
      %dma_start3A_110 = arith.constant 0 : i32
      %dma_start3A_111 = tpu.memref_slice %arg2[%dma_start3A_109, %dma_start3A_110] : memref<10000x128xf32, #tpu.memory_space<hbm>> -> memref<10000x128xf32, #tpu.memory_space<hbm>>
      tpu.enqueue_indirect_dma source(%dma_start3A_111 : memref<10000x128xf32, #tpu.memory_space<hbm>>) target(%dma_start3A_105 : memref<125x128xf32, #tpu.memory_space<vmem>>) offsets(%dma_start3A_108 : memref<125xi32, #tpu.memory_space<vmem>>) semaphore(%arg10 : memref<!tpu.dma_semaphore, #tpu.memory_space<semaphore_mem>>)
      %mul3A_112 = arith.constant 2 : i32
      %mul3A_113 = arith.muli %mul3A_112, %scan3A_98 : i32
      %add3A_114 = arith.constant 1 : i32
      %add3A_115 = arith.addi %mul3A_113, %add3A_114 : i32
      %dma_start3A_116 = arith.constant 1 : i32
      %dma_start3A_117 = arith.constant 0 : i32
      %dma_start3A_118 = arith.constant 0 : i32
      %dma_start3A_119 = tpu.memref_slice %arg8[%dma_start3A_116, %dma_start3A_117, %dma_start3A_118] : memref<2x125x128xf32, #tpu.memory_space<vmem>> -> memref<1x125x128xf32, #tpu.memory_space<vmem>>
      %dma_start3A_120 = tpu.memref_squeeze %dma_start3A_119 : memref<1x125x128xf32, #tpu.memory_space<vmem>> -> memref<125x128xf32, #tpu.memory_space<vmem>>
      %dma_start3A_121 = arith.constant 0 : i32
      %dma_start3A_122 = tpu.memref_slice %arg6[%add3A_115, %dma_start3A_121] : memref<160x125xi32, #tpu.memory_space<vmem>> -> memref<1x125xi32, #tpu.memory_space<vmem>>
      %dma_start3A_123 = tpu.memref_squeeze %dma_start3A_122 : memref<1x125xi32, #tpu.memory_space<vmem>> -> memref<125xi32, #tpu.memory_space<vmem>>
      %dma_start3A_124 = arith.constant 0 : i32
      %dma_start3A_125 = arith.constant 0 : i32
      %dma_start3A_126 = tpu.memref_slice %arg2[%dma_start3A_124, %dma_start3A_125] : memref<10000x128xf32, #tpu.memory_space<hbm>> -> memref<10000x128xf32, #tpu.memory_space<hbm>>
      tpu.enqueue_indirect_dma source(%dma_start3A_126 : memref<10000x128xf32, #tpu.memory_space<hbm>>) target(%dma_start3A_120 : memref<125x128xf32, #tpu.memory_space<vmem>>) offsets(%dma_start3A_123 : memref<125xi32, #tpu.memory_space<vmem>>) semaphore(%arg11 : memref<!tpu.dma_semaphore, #tpu.memory_space<semaphore_mem>>)
      %dma_wait3A = arith.constant 0 : i32
      %dma_wait3A_127 = arith.constant 0 : i32
      %dma_wait3A_128 = arith.constant 0 : i32
      %dma_wait3A_129 = tpu.memref_slice %arg8[%dma_wait3A, %dma_wait3A_127, %dma_wait3A_128] : memref<2x125x128xf32, #tpu.memory_space<vmem>> -> memref<1x125x128xf32, #tpu.memory_space<vmem>>
      %dma_wait3A_130 = tpu.memref_squeeze %dma_wait3A_129 : memref<1x125x128xf32, #tpu.memory_space<vmem>> -> memref<125x128xf32, #tpu.memory_space<vmem>>
      %dma_wait3A_131 = arith.constant 0 : i32
      %dma_wait3A_132 = tpu.memref_slice %arg6[%mul3A_101, %dma_wait3A_131] : memref<160x125xi32, #tpu.memory_space<vmem>> -> memref<1x125xi32, #tpu.memory_space<vmem>>
      %dma_wait3A_133 = tpu.memref_squeeze %dma_wait3A_132 : memref<1x125xi32, #tpu.memory_space<vmem>> -> memref<125xi32, #tpu.memory_space<vmem>>
      %dma_wait3A_134 = arith.constant 0 : i32
      %dma_wait3A_135 = arith.constant 0 : i32
      %dma_wait3A_136 = tpu.memref_slice %arg2[%dma_wait3A_134, %dma_wait3A_135] : memref<10000x128xf32, #tpu.memory_space<hbm>> -> memref<10000x128xf32, #tpu.memory_space<hbm>>
      tpu.wait_indirect_dma semaphore(%arg10 : memref<!tpu.dma_semaphore, #tpu.memory_space<semaphore_mem>>) src(%dma_wait3A_136 : memref<10000x128xf32, #tpu.memory_space<hbm>>) dst(%dma_wait3A_130 : memref<125x128xf32, #tpu.memory_space<vmem>>)
      %mul3A_137 = arith.constant 2 : i32
      %mul3A_138 = arith.muli %mul3A_137, %scan3A_98 : i32
      %dma_start3A_139 = arith.constant 0 : i32
      %dma_start3A_140 = arith.constant 0 : i32
      %dma_start3A_141 = arith.constant 0 : i32
      %dma_start3A_142 = tpu.memref_slice %arg8[%dma_start3A_139, %dma_start3A_140, %dma_start3A_141] : memref<2x125x128xf32, #tpu.memory_space<vmem>> -> memref<1x125x128xf32, #tpu.memory_space<vmem>>
      %dma_start3A_143 = tpu.memref_squeeze %dma_start3A_142 : memref<1x125x128xf32, #tpu.memory_space<vmem>> -> memref<125x128xf32, #tpu.memory_space<vmem>>
      %dma_start3A_144 = arith.constant 0 : i32
      %dma_start3A_145 = tpu.memref_slice %arg7[%mul3A_138, %dma_start3A_144] : memref<160x125xi32, #tpu.memory_space<vmem>> -> memref<1x125xi32, #tpu.memory_space<vmem>>
      %dma_start3A_146 = tpu.memref_squeeze %dma_start3A_145 : memref<1x125xi32, #tpu.memory_space<vmem>> -> memref<125xi32, #tpu.memory_space<vmem>>
      %dma_start3A_147 = arith.constant 0 : i32
      %dma_start3A_148 = arith.constant 0 : i32
      %dma_start3A_149 = tpu.memref_slice %arg14[%dma_start3A_147, %dma_start3A_148] : memref<3456x128xf32, #tpu.memory_space<vmem_shared>> -> memref<3456x128xf32, #tpu.memory_space<vmem_shared>>
      tpu.enqueue_indirect_dma source(%dma_start3A_143 : memref<125x128xf32, #tpu.memory_space<vmem>>) target(%dma_start3A_149 : memref<3456x128xf32, #tpu.memory_space<vmem_shared>>) offsets(%dma_start3A_146 : memref<125xi32, #tpu.memory_space<vmem>>) semaphore(%arg12 : memref<!tpu.dma_semaphore, #tpu.memory_space<semaphore_mem>>) {add = true}
      %dma_wait3A_150 = arith.constant 1 : i32
      %dma_wait3A_151 = arith.constant 0 : i32
      %dma_wait3A_152 = arith.constant 0 : i32
      %dma_wait3A_153 = tpu.memref_slice %arg8[%dma_wait3A_150, %dma_wait3A_151, %dma_wait3A_152] : memref<2x125x128xf32, #tpu.memory_space<vmem>> -> memref<1x125x128xf32, #tpu.memory_space<vmem>>
      %dma_wait3A_154 = tpu.memref_squeeze %dma_wait3A_153 : memref<1x125x128xf32, #tpu.memory_space<vmem>> -> memref<125x128xf32, #tpu.memory_space<vmem>>
      %dma_wait3A_155 = arith.constant 0 : i32
      %dma_wait3A_156 = tpu.memref_slice %arg6[%add3A_115, %dma_wait3A_155] : memref<160x125xi32, #tpu.memory_space<vmem>> -> memref<1x125xi32, #tpu.memory_space<vmem>>
      %dma_wait3A_157 = tpu.memref_squeeze %dma_wait3A_156 : memref<1x125xi32, #tpu.memory_space<vmem>> -> memref<125xi32, #tpu.memory_space<vmem>>
      %dma_wait3A_158 = arith.constant 0 : i32
      %dma_wait3A_159 = arith.constant 0 : i32
      %dma_wait3A_160 = tpu.memref_slice %arg2[%dma_wait3A_158, %dma_wait3A_159] : memref<10000x128xf32, #tpu.memory_space<hbm>> -> memref<10000x128xf32, #tpu.memory_space<hbm>>
      tpu.wait_indirect_dma semaphore(%arg11 : memref<!tpu.dma_semaphore, #tpu.memory_space<semaphore_mem>>) src(%dma_wait3A_160 : memref<10000x128xf32, #tpu.memory_space<hbm>>) dst(%dma_wait3A_154 : memref<125x128xf32, #tpu.memory_space<vmem>>)
      %mul3A_161 = arith.constant 2 : i32
      %mul3A_162 = arith.muli %mul3A_161, %scan3A_98 : i32
      %add3A_163 = arith.constant 1 : i32
      %add3A_164 = arith.addi %mul3A_162, %add3A_163 : i32
      %dma_start3A_165 = arith.constant 1 : i32
      %dma_start3A_166 = arith.constant 0 : i32
      %dma_start3A_167 = arith.constant 0 : i32
      %dma_start3A_168 = tpu.memref_slice %arg8[%dma_start3A_165, %dma_start3A_166, %dma_start3A_167] : memref<2x125x128xf32, #tpu.memory_space<vmem>> -> memref<1x125x128xf32, #tpu.memory_space<vmem>>
      %dma_start3A_169 = tpu.memref_squeeze %dma_start3A_168 : memref<1x125x128xf32, #tpu.memory_space<vmem>> -> memref<125x128xf32, #tpu.memory_space<vmem>>
      %dma_start3A_170 = arith.constant 0 : i32
      %dma_start3A_171 = tpu.memref_slice %arg7[%add3A_164, %dma_start3A_170] : memref<160x125xi32, #tpu.memory_space<vmem>> -> memref<1x125xi32, #tpu.memory_space<vmem>>
      %dma_start3A_172 = tpu.memref_squeeze %dma_start3A_171 : memref<1x125xi32, #tpu.memory_space<vmem>> -> memref<125xi32, #tpu.memory_space<vmem>>
      %dma_start3A_173 = arith.constant 0 : i32
      %dma_start3A_174 = arith.constant 0 : i32
      %dma_start3A_175 = tpu.memref_slice %arg14[%dma_start3A_173, %dma_start3A_174] : memref<3456x128xf32, #tpu.memory_space<vmem_shared>> -> memref<3456x128xf32, #tpu.memory_space<vmem_shared>>
      tpu.enqueue_indirect_dma source(%dma_start3A_169 : memref<125x128xf32, #tpu.memory_space<vmem>>) target(%dma_start3A_175 : memref<3456x128xf32, #tpu.memory_space<vmem_shared>>) offsets(%dma_start3A_172 : memref<125xi32, #tpu.memory_space<vmem>>) semaphore(%arg13 : memref<!tpu.dma_semaphore, #tpu.memory_space<semaphore_mem>>) {add = true}
      %dma_wait3A_176 = arith.constant 0 : i32
      %dma_wait3A_177 = arith.constant 0 : i32
      %dma_wait3A_178 = arith.constant 0 : i32
      %dma_wait3A_179 = tpu.memref_slice %arg8[%dma_wait3A_176, %dma_wait3A_177, %dma_wait3A_178] : memref<2x125x128xf32, #tpu.memory_space<vmem>> -> memref<1x125x128xf32, #tpu.memory_space<vmem>>
      %dma_wait3A_180 = tpu.memref_squeeze %dma_wait3A_179 : memref<1x125x128xf32, #tpu.memory_space<vmem>> -> memref<125x128xf32, #tpu.memory_space<vmem>>
      %dma_wait3A_181 = arith.constant 0 : i32
      %dma_wait3A_182 = tpu.memref_slice %arg7[%mul3A_138, %dma_wait3A_181] : memref<160x125xi32, #tpu.memory_space<vmem>> -> memref<1x125xi32, #tpu.memory_space<vmem>>
      %dma_wait3A_183 = tpu.memref_squeeze %dma_wait3A_182 : memref<1x125xi32, #tpu.memory_space<vmem>> -> memref<125xi32, #tpu.memory_space<vmem>>
      %dma_wait3A_184 = arith.constant 0 : i32
      %dma_wait3A_185 = arith.constant 0 : i32
      %dma_wait3A_186 = tpu.memref_slice %arg14[%dma_wait3A_184, %dma_wait3A_185] : memref<3456x128xf32, #tpu.memory_space<vmem_shared>> -> memref<3456x128xf32, #tpu.memory_space<vmem_shared>>
      tpu.wait_indirect_dma semaphore(%arg12 : memref<!tpu.dma_semaphore, #tpu.memory_space<semaphore_mem>>) src(%dma_wait3A_180 : memref<125x128xf32, #tpu.memory_space<vmem>>) dst(%dma_wait3A_186 : memref<3456x128xf32, #tpu.memory_space<vmem_shared>>)
      %dma_wait3A_187 = arith.constant 1 : i32
      %dma_wait3A_188 = arith.constant 0 : i32
      %dma_wait3A_189 = arith.constant 0 : i32
      %dma_wait3A_190 = tpu.memref_slice %arg8[%dma_wait3A_187, %dma_wait3A_188, %dma_wait3A_189] : memref<2x125x128xf32, #tpu.memory_space<vmem>> -> memref<1x125x128xf32, #tpu.memory_space<vmem>>
      %dma_wait3A_191 = tpu.memref_squeeze %dma_wait3A_190 : memref<1x125x128xf32, #tpu.memory_space<vmem>> -> memref<125x128xf32, #tpu.memory_space<vmem>>
      %dma_wait3A_192 = arith.constant 0 : i32
      %dma_wait3A_193 = tpu.memref_slice %arg7[%add3A_164, %dma_wait3A_192] : memref<160x125xi32, #tpu.memory_space<vmem>> -> memref<1x125xi32, #tpu.memory_space<vmem>>
      %dma_wait3A_194 = tpu.memref_squeeze %dma_wait3A_193 : memref<1x125xi32, #tpu.memory_space<vmem>> -> memref<125xi32, #tpu.memory_space<vmem>>
      %dma_wait3A_195 = arith.constant 0 : i32
      %dma_wait3A_196 = arith.constant 0 : i32
      %dma_wait3A_197 = tpu.memref_slice %arg14[%dma_wait3A_195, %dma_wait3A_196] : memref<3456x128xf32, #tpu.memory_space<vmem_shared>> -> memref<3456x128xf32, #tpu.memory_space<vmem_shared>>
      tpu.wait_indirect_dma semaphore(%arg13 : memref<!tpu.dma_semaphore, #tpu.memory_space<semaphore_mem>>) src(%dma_wait3A_191 : memref<125x128xf32, #tpu.memory_space<vmem>>) dst(%dma_wait3A_197 : memref<3456x128xf32, #tpu.memory_space<vmem_shared>>)
      %scan3A_198 = arith.constant 0 : i32
      scf.yield %scan3A_198 : i32
    }
    %scan3A_29 = arith.constant 80 : i32
    %barrier3A_30 = arith.constant 0 : index
    tpu.barrier barrier_id(%barrier3A_30)
    %mul3A_31 = arith.constant 216 : i32
    %mul3A_32 = arith.muli %arg1, %mul3A_31 : i32
    %mul3A_33 = arith.constant 216 : i32
    %mul3A_34 = arith.muli %arg1, %mul3A_33 : i32
    %run_scoped3A_35 = arith.constant 0 : i32
    "tpu.region"() ({
      %run_scoped3A_98 = tpu.sem_alloc : memref<!tpu.dma_semaphore, #tpu.memory_space<semaphore_mem>>
      %dma_start3A = arith.constant 0 : i32
      %dma_start3A_99 = tpu.memref_slice %arg5[%arg0, %run_scoped3A_35, %mul3A_34, %dma_start3A] : memref<2x3x3456x128xf32, #tpu.memory_space<hbm>> -> memref<1x1x216x128xf32, #tpu.memory_space<hbm>>
      %dma_start3A_100 = tpu.memref_squeeze %dma_start3A_99 : memref<1x1x216x128xf32, #tpu.memory_space<hbm>> -> memref<216x128xf32, #tpu.memory_space<hbm>>
      %dma_start3A_101 = arith.constant 0 : i32
      %dma_start3A_102 = tpu.memref_slice %arg14[%mul3A_32, %dma_start3A_101] : memref<3456x128xf32, #tpu.memory_space<vmem_shared>> -> memref<216x128xf32, #tpu.memory_space<vmem_shared>>
      tpu.enqueue_dma source(%dma_start3A_102 : memref<216x128xf32, #tpu.memory_space<vmem_shared>>) target(%dma_start3A_100 : memref<216x128xf32, #tpu.memory_space<hbm>>) target_semaphore(%run_scoped3A_98 : memref<!tpu.dma_semaphore, #tpu.memory_space<semaphore_mem>>)
      %dma_wait3A = arith.constant 0 : i32
      %dma_wait3A_103 = tpu.memref_slice %arg5[%arg0, %run_scoped3A_35, %mul3A_34, %dma_wait3A] : memref<2x3x3456x128xf32, #tpu.memory_space<hbm>> -> memref<1x1x216x128xf32, #tpu.memory_space<hbm>>
      %dma_wait3A_104 = tpu.memref_squeeze %dma_wait3A_103 : memref<1x1x216x128xf32, #tpu.memory_space<hbm>> -> memref<216x128xf32, #tpu.memory_space<hbm>>
      %dma_wait3A_105 = arith.constant 0 : i32
      %dma_wait3A_106 = tpu.memref_slice %arg14[%mul3A_32, %dma_wait3A_105] : memref<3456x128xf32, #tpu.memory_space<vmem_shared>> -> memref<216x128xf32, #tpu.memory_space<vmem_shared>>
      tpu.wait_dma2 semaphore(%run_scoped3A_98 : memref<!tpu.dma_semaphore, #tpu.memory_space<semaphore_mem>>) src(%dma_wait3A_106 : memref<216x128xf32, #tpu.memory_space<vmem_shared>>) dst(%dma_wait3A_104 : memref<216x128xf32, #tpu.memory_space<hbm>>)
      tpu.yield
    }) : () -> ()
    %run_scoped3A_36 = arith.constant 1 : i32
    "tpu.region"() ({
      %run_scoped3A_98 = tpu.sem_alloc : memref<!tpu.dma_semaphore, #tpu.memory_space<semaphore_mem>>
      %dma_start3A = arith.constant 0 : i32
      %dma_start3A_99 = arith.constant 0 : i32
      %dma_start3A_100 = tpu.memref_slice %arg4[%run_scoped3A_36, %add3A, %dma_start3A, %dma_start3A_99] : memref<3x32x160x125xi32, #tpu.memory_space<hbm>> -> memref<1x1x160x125xi32, #tpu.memory_space<hbm>>
      %dma_start3A_101 = tpu.memref_squeeze %dma_start3A_100 : memref<1x1x160x125xi32, #tpu.memory_space<hbm>> -> memref<160x125xi32, #tpu.memory_space<hbm>>
      %dma_start3A_102 = arith.constant 0 : i32
      %dma_start3A_103 = arith.constant 0 : i32
      %dma_start3A_104 = tpu.memref_slice %arg4[%run_scoped3A_36, %add3A, %dma_start3A_102, %dma_start3A_103] : memref<3x32x160x125xi32, #tpu.memory_space<hbm>> -> memref<1x1x160x125xi32, #tpu.memory_space<hbm>>
      %dma_start3A_105 = tpu.memref_squeeze %dma_start3A_104 : memref<1x1x160x125xi32, #tpu.memory_space<hbm>> -> memref<160x125xi32, #tpu.memory_space<hbm>>
      tpu.enqueue_dma source(%dma_start3A_105 : memref<160x125xi32, #tpu.memory_space<hbm>>) target(%arg7 : memref<160x125xi32, #tpu.memory_space<vmem>>) target_semaphore(%run_scoped3A_98 : memref<!tpu.dma_semaphore, #tpu.memory_space<semaphore_mem>>)
      %dma_wait3A = arith.constant 0 : i32
      %dma_wait3A_106 = arith.constant 0 : i32
      %dma_wait3A_107 = tpu.memref_slice %arg4[%run_scoped3A_36, %add3A, %dma_wait3A, %dma_wait3A_106] : memref<3x32x160x125xi32, #tpu.memory_space<hbm>> -> memref<1x1x160x125xi32, #tpu.memory_space<hbm>>
      %dma_wait3A_108 = tpu.memref_squeeze %dma_wait3A_107 : memref<1x1x160x125xi32, #tpu.memory_space<hbm>> -> memref<160x125xi32, #tpu.memory_space<hbm>>
      %dma_wait3A_109 = arith.constant 0 : i32
      %dma_wait3A_110 = arith.constant 0 : i32
      %dma_wait3A_111 = tpu.memref_slice %arg4[%run_scoped3A_36, %add3A, %dma_wait3A_109, %dma_wait3A_110] : memref<3x32x160x125xi32, #tpu.memory_space<hbm>> -> memref<1x1x160x125xi32, #tpu.memory_space<hbm>>
      %dma_wait3A_112 = tpu.memref_squeeze %dma_wait3A_111 : memref<1x1x160x125xi32, #tpu.memory_space<hbm>> -> memref<160x125xi32, #tpu.memory_space<hbm>>
      tpu.wait_dma2 semaphore(%run_scoped3A_98 : memref<!tpu.dma_semaphore, #tpu.memory_space<semaphore_mem>>) src(%dma_wait3A_112 : memref<160x125xi32, #tpu.memory_space<hbm>>) dst(%arg7 : memref<160x125xi32, #tpu.memory_space<vmem>>)
      tpu.yield
    }) : () -> ()
    %mul3A_37 = arith.constant 216 : i32
    %mul3A_38 = arith.muli %arg1, %mul3A_37 : i32
    %add3A_39 = arith.constant 0 : i32
    %add3A_40 = arith.addi %mul3A_38, %add3A_39 : i32
    "tpu.region"() ({
      %run_scoped3A_98 = tpu.sem_alloc : memref<!tpu.dma_semaphore, #tpu.memory_space<semaphore_mem>>
      %dma_start3A = arith.constant 0 : i32
      %dma_start3A_99 = tpu.memref_slice %arg14[%add3A_40, %dma_start3A] : memref<3456x128xf32, #tpu.memory_space<vmem_shared>> -> memref<64x128xf32, #tpu.memory_space<vmem_shared>>
      %dma_start3A_100 = arith.constant 0 : i32
      %dma_start3A_101 = tpu.memref_slice %arg14[%add3A_40, %dma_start3A_100] : memref<3456x128xf32, #tpu.memory_space<vmem_shared>> -> memref<64x128xf32, #tpu.memory_space<vmem_shared>>
      tpu.enqueue_dma source(%arg9 : memref<64x128xf32, #tpu.memory_space<vmem>>) target(%dma_start3A_101 : memref<64x128xf32, #tpu.memory_space<vmem_shared>>) target_semaphore(%run_scoped3A_98 : memref<!tpu.dma_semaphore, #tpu.memory_space<semaphore_mem>>)
      %dma_wait3A = arith.constant 0 : i32
      %dma_wait3A_102 = tpu.memref_slice %arg14[%add3A_40, %dma_wait3A] : memref<3456x128xf32, #tpu.memory_space<vmem_shared>> -> memref<64x128xf32, #tpu.memory_space<vmem_shared>>
      %dma_wait3A_103 = arith.constant 0 : i32
      %dma_wait3A_104 = tpu.memref_slice %arg14[%add3A_40, %dma_wait3A_103] : memref<3456x128xf32, #tpu.memory_space<vmem_shared>> -> memref<64x128xf32, #tpu.memory_space<vmem_shared>>
      tpu.wait_dma2 semaphore(%run_scoped3A_98 : memref<!tpu.dma_semaphore, #tpu.memory_space<semaphore_mem>>) src(%arg9 : memref<64x128xf32, #tpu.memory_space<vmem>>) dst(%dma_wait3A_104 : memref<64x128xf32, #tpu.memory_space<vmem_shared>>)
      tpu.yield
    }) : () -> ()
    %mul3A_41 = arith.constant 216 : i32
    %mul3A_42 = arith.muli %arg1, %mul3A_41 : i32
    %add3A_43 = arith.constant 64 : i32
    %add3A_44 = arith.addi %mul3A_42, %add3A_43 : i32
    "tpu.region"() ({
      %run_scoped3A_98 = tpu.sem_alloc : memref<!tpu.dma_semaphore, #tpu.memory_space<semaphore_mem>>
      %dma_start3A = arith.constant 0 : i32
      %dma_start3A_99 = tpu.memref_slice %arg14[%add3A_44, %dma_start3A] : memref<3456x128xf32, #tpu.memory_space<vmem_shared>> -> memref<64x128xf32, #tpu.memory_space<vmem_shared>>
      %dma_start3A_100 = arith.constant 0 : i32
      %dma_start3A_101 = tpu.memref_slice %arg14[%add3A_44, %dma_start3A_100] : memref<3456x128xf32, #tpu.memory_space<vmem_shared>> -> memref<64x128xf32, #tpu.memory_space<vmem_shared>>
      tpu.enqueue_dma source(%arg9 : memref<64x128xf32, #tpu.memory_space<vmem>>) target(%dma_start3A_101 : memref<64x128xf32, #tpu.memory_space<vmem_shared>>) target_semaphore(%run_scoped3A_98 : memref<!tpu.dma_semaphore, #tpu.memory_space<semaphore_mem>>)
      %dma_wait3A = arith.constant 0 : i32
      %dma_wait3A_102 = tpu.memref_slice %arg14[%add3A_44, %dma_wait3A] : memref<3456x128xf32, #tpu.memory_space<vmem_shared>> -> memref<64x128xf32, #tpu.memory_space<vmem_shared>>
      %dma_wait3A_103 = arith.constant 0 : i32
      %dma_wait3A_104 = tpu.memref_slice %arg14[%add3A_44, %dma_wait3A_103] : memref<3456x128xf32, #tpu.memory_space<vmem_shared>> -> memref<64x128xf32, #tpu.memory_space<vmem_shared>>
      tpu.wait_dma2 semaphore(%run_scoped3A_98 : memref<!tpu.dma_semaphore, #tpu.memory_space<semaphore_mem>>) src(%arg9 : memref<64x128xf32, #tpu.memory_space<vmem>>) dst(%dma_wait3A_104 : memref<64x128xf32, #tpu.memory_space<vmem_shared>>)
      tpu.yield
    }) : () -> ()
    %mul3A_45 = arith.constant 216 : i32
    %mul3A_46 = arith.muli %arg1, %mul3A_45 : i32
    %add3A_47 = arith.constant 128 : i32
    %add3A_48 = arith.addi %mul3A_46, %add3A_47 : i32
    "tpu.region"() ({
      %run_scoped3A_98 = tpu.sem_alloc : memref<!tpu.dma_semaphore, #tpu.memory_space<semaphore_mem>>
      %dma_start3A = arith.constant 0 : i32
      %dma_start3A_99 = tpu.memref_slice %arg14[%add3A_48, %dma_start3A] : memref<3456x128xf32, #tpu.memory_space<vmem_shared>> -> memref<64x128xf32, #tpu.memory_space<vmem_shared>>
      %dma_start3A_100 = arith.constant 0 : i32
      %dma_start3A_101 = tpu.memref_slice %arg14[%add3A_48, %dma_start3A_100] : memref<3456x128xf32, #tpu.memory_space<vmem_shared>> -> memref<64x128xf32, #tpu.memory_space<vmem_shared>>
      tpu.enqueue_dma source(%arg9 : memref<64x128xf32, #tpu.memory_space<vmem>>) target(%dma_start3A_101 : memref<64x128xf32, #tpu.memory_space<vmem_shared>>) target_semaphore(%run_scoped3A_98 : memref<!tpu.dma_semaphore, #tpu.memory_space<semaphore_mem>>)
      %dma_wait3A = arith.constant 0 : i32
      %dma_wait3A_102 = tpu.memref_slice %arg14[%add3A_48, %dma_wait3A] : memref<3456x128xf32, #tpu.memory_space<vmem_shared>> -> memref<64x128xf32, #tpu.memory_space<vmem_shared>>
      %dma_wait3A_103 = arith.constant 0 : i32
      %dma_wait3A_104 = tpu.memref_slice %arg14[%add3A_48, %dma_wait3A_103] : memref<3456x128xf32, #tpu.memory_space<vmem_shared>> -> memref<64x128xf32, #tpu.memory_space<vmem_shared>>
      tpu.wait_dma2 semaphore(%run_scoped3A_98 : memref<!tpu.dma_semaphore, #tpu.memory_space<semaphore_mem>>) src(%arg9 : memref<64x128xf32, #tpu.memory_space<vmem>>) dst(%dma_wait3A_104 : memref<64x128xf32, #tpu.memory_space<vmem_shared>>)
      tpu.yield
    }) : () -> ()
    %mul3A_49 = arith.constant 216 : i32
    %mul3A_50 = arith.muli %arg1, %mul3A_49 : i32
    %add3A_51 = arith.constant 192 : i32
    %add3A_52 = arith.addi %mul3A_50, %add3A_51 : i32
    "tpu.region"() ({
      %run_scoped3A_98 = tpu.sem_alloc : memref<!tpu.dma_semaphore, #tpu.memory_space<semaphore_mem>>
      %dma_start3A = arith.constant 0 : i32
      %dma_start3A_99 = arith.constant 0 : i32
      %dma_start3A_100 = tpu.memref_slice %arg9[%dma_start3A, %dma_start3A_99] : memref<64x128xf32, #tpu.memory_space<vmem>> -> memref<24x128xf32, #tpu.memory_space<vmem>>
      %dma_start3A_101 = arith.constant 0 : i32
      %dma_start3A_102 = tpu.memref_slice %arg14[%add3A_52, %dma_start3A_101] : memref<3456x128xf32, #tpu.memory_space<vmem_shared>> -> memref<24x128xf32, #tpu.memory_space<vmem_shared>>
      %dma_start3A_103 = arith.constant 0 : i32
      %dma_start3A_104 = tpu.memref_slice %arg14[%add3A_52, %dma_start3A_103] : memref<3456x128xf32, #tpu.memory_space<vmem_shared>> -> memref<24x128xf32, #tpu.memory_space<vmem_shared>>
      %dma_start3A_105 = arith.constant 0 : i32
      %dma_start3A_106 = arith.constant 0 : i32
      %dma_start3A_107 = tpu.memref_slice %arg9[%dma_start3A_105, %dma_start3A_106] : memref<64x128xf32, #tpu.memory_space<vmem>> -> memref<24x128xf32, #tpu.memory_space<vmem>>
      tpu.enqueue_dma source(%dma_start3A_107 : memref<24x128xf32, #tpu.memory_space<vmem>>) target(%dma_start3A_104 : memref<24x128xf32, #tpu.memory_space<vmem_shared>>) target_semaphore(%run_scoped3A_98 : memref<!tpu.dma_semaphore, #tpu.memory_space<semaphore_mem>>)
      %dma_wait3A = arith.constant 0 : i32
      %dma_wait3A_108 = arith.constant 0 : i32
      %dma_wait3A_109 = tpu.memref_slice %arg9[%dma_wait3A, %dma_wait3A_108] : memref<64x128xf32, #tpu.memory_space<vmem>> -> memref<24x128xf32, #tpu.memory_space<vmem>>
      %dma_wait3A_110 = arith.constant 0 : i32
      %dma_wait3A_111 = tpu.memref_slice %arg14[%add3A_52, %dma_wait3A_110] : memref<3456x128xf32, #tpu.memory_space<vmem_shared>> -> memref<24x128xf32, #tpu.memory_space<vmem_shared>>
      %dma_wait3A_112 = arith.constant 0 : i32
      %dma_wait3A_113 = tpu.memref_slice %arg14[%add3A_52, %dma_wait3A_112] : memref<3456x128xf32, #tpu.memory_space<vmem_shared>> -> memref<24x128xf32, #tpu.memory_space<vmem_shared>>
      %dma_wait3A_114 = arith.constant 0 : i32
      %dma_wait3A_115 = arith.constant 0 : i32
      %dma_wait3A_116 = tpu.memref_slice %arg9[%dma_wait3A_114, %dma_wait3A_115] : memref<64x128xf32, #tpu.memory_space<vmem>> -> memref<24x128xf32, #tpu.memory_space<vmem>>
      tpu.wait_dma2 semaphore(%run_scoped3A_98 : memref<!tpu.dma_semaphore, #tpu.memory_space<semaphore_mem>>) src(%dma_wait3A_116 : memref<24x128xf32, #tpu.memory_space<vmem>>) dst(%dma_wait3A_113 : memref<24x128xf32, #tpu.memory_space<vmem_shared>>)
      tpu.yield
    }) : () -> ()
    %barrier3A_53 = arith.constant 0 : index
    tpu.barrier barrier_id(%barrier3A_53)
    %scan3A_54 = arith.constant 0 : i32
    %scan3A_55 = arith.constant 0 : i32
    %scan3A_56 = arith.constant 80 : i32
    %scan3A_57 = arith.addi %scan3A_55, %scan3A_56 : i32
    %scan3A_58 = arith.constant 1 : i32
    %scan3A_59 = scf.for %scan3A_98 = %scan3A_55 to %scan3A_57 step %scan3A_58 iter_args(%scan3A_99 = %scan3A_54) -> (i32)  : i32 {
      %mul3A_100 = arith.constant 2 : i32
      %mul3A_101 = arith.muli %mul3A_100, %scan3A_98 : i32
      %dma_start3A = arith.constant 0 : i32
      %dma_start3A_102 = arith.constant 0 : i32
      %dma_start3A_103 = arith.constant 0 : i32
      %dma_start3A_104 = tpu.memref_slice %arg8[%dma_start3A, %dma_start3A_102, %dma_start3A_103] : memref<2x125x128xf32, #tpu.memory_space<vmem>> -> memref<1x125x128xf32, #tpu.memory_space<vmem>>
      %dma_start3A_105 = tpu.memref_squeeze %dma_start3A_104 : memref<1x125x128xf32, #tpu.memory_space<vmem>> -> memref<125x128xf32, #tpu.memory_space<vmem>>
      %dma_start3A_106 = arith.constant 0 : i32
      %dma_start3A_107 = tpu.memref_slice %arg6[%mul3A_101, %dma_start3A_106] : memref<160x125xi32, #tpu.memory_space<vmem>> -> memref<1x125xi32, #tpu.memory_space<vmem>>
      %dma_start3A_108 = tpu.memref_squeeze %dma_start3A_107 : memref<1x125xi32, #tpu.memory_space<vmem>> -> memref<125xi32, #tpu.memory_space<vmem>>
      %dma_start3A_109 = arith.constant 0 : i32
      %dma_start3A_110 = arith.constant 0 : i32
      %dma_start3A_111 = tpu.memref_slice %arg2[%dma_start3A_109, %dma_start3A_110] : memref<10000x128xf32, #tpu.memory_space<hbm>> -> memref<10000x128xf32, #tpu.memory_space<hbm>>
      tpu.enqueue_indirect_dma source(%dma_start3A_111 : memref<10000x128xf32, #tpu.memory_space<hbm>>) target(%dma_start3A_105 : memref<125x128xf32, #tpu.memory_space<vmem>>) offsets(%dma_start3A_108 : memref<125xi32, #tpu.memory_space<vmem>>) semaphore(%arg10 : memref<!tpu.dma_semaphore, #tpu.memory_space<semaphore_mem>>)
      %mul3A_112 = arith.constant 2 : i32
      %mul3A_113 = arith.muli %mul3A_112, %scan3A_98 : i32
      %add3A_114 = arith.constant 1 : i32
      %add3A_115 = arith.addi %mul3A_113, %add3A_114 : i32
      %dma_start3A_116 = arith.constant 1 : i32
      %dma_start3A_117 = arith.constant 0 : i32
      %dma_start3A_118 = arith.constant 0 : i32
      %dma_start3A_119 = tpu.memref_slice %arg8[%dma_start3A_116, %dma_start3A_117, %dma_start3A_118] : memref<2x125x128xf32, #tpu.memory_space<vmem>> -> memref<1x125x128xf32, #tpu.memory_space<vmem>>
      %dma_start3A_120 = tpu.memref_squeeze %dma_start3A_119 : memref<1x125x128xf32, #tpu.memory_space<vmem>> -> memref<125x128xf32, #tpu.memory_space<vmem>>
      %dma_start3A_121 = arith.constant 0 : i32
      %dma_start3A_122 = tpu.memref_slice %arg6[%add3A_115, %dma_start3A_121] : memref<160x125xi32, #tpu.memory_space<vmem>> -> memref<1x125xi32, #tpu.memory_space<vmem>>
      %dma_start3A_123 = tpu.memref_squeeze %dma_start3A_122 : memref<1x125xi32, #tpu.memory_space<vmem>> -> memref<125xi32, #tpu.memory_space<vmem>>
      %dma_start3A_124 = arith.constant 0 : i32
      %dma_start3A_125 = arith.constant 0 : i32
      %dma_start3A_126 = tpu.memref_slice %arg2[%dma_start3A_124, %dma_start3A_125] : memref<10000x128xf32, #tpu.memory_space<hbm>> -> memref<10000x128xf32, #tpu.memory_space<hbm>>
      tpu.enqueue_indirect_dma source(%dma_start3A_126 : memref<10000x128xf32, #tpu.memory_space<hbm>>) target(%dma_start3A_120 : memref<125x128xf32, #tpu.memory_space<vmem>>) offsets(%dma_start3A_123 : memref<125xi32, #tpu.memory_space<vmem>>) semaphore(%arg11 : memref<!tpu.dma_semaphore, #tpu.memory_space<semaphore_mem>>)
      %dma_wait3A = arith.constant 0 : i32
      %dma_wait3A_127 = arith.constant 0 : i32
      %dma_wait3A_128 = arith.constant 0 : i32
      %dma_wait3A_129 = tpu.memref_slice %arg8[%dma_wait3A, %dma_wait3A_127, %dma_wait3A_128] : memref<2x125x128xf32, #tpu.memory_space<vmem>> -> memref<1x125x128xf32, #tpu.memory_space<vmem>>
      %dma_wait3A_130 = tpu.memref_squeeze %dma_wait3A_129 : memref<1x125x128xf32, #tpu.memory_space<vmem>> -> memref<125x128xf32, #tpu.memory_space<vmem>>
      %dma_wait3A_131 = arith.constant 0 : i32
      %dma_wait3A_132 = tpu.memref_slice %arg6[%mul3A_101, %dma_wait3A_131] : memref<160x125xi32, #tpu.memory_space<vmem>> -> memref<1x125xi32, #tpu.memory_space<vmem>>
      %dma_wait3A_133 = tpu.memref_squeeze %dma_wait3A_132 : memref<1x125xi32, #tpu.memory_space<vmem>> -> memref<125xi32, #tpu.memory_space<vmem>>
      %dma_wait3A_134 = arith.constant 0 : i32
      %dma_wait3A_135 = arith.constant 0 : i32
      %dma_wait3A_136 = tpu.memref_slice %arg2[%dma_wait3A_134, %dma_wait3A_135] : memref<10000x128xf32, #tpu.memory_space<hbm>> -> memref<10000x128xf32, #tpu.memory_space<hbm>>
      tpu.wait_indirect_dma semaphore(%arg10 : memref<!tpu.dma_semaphore, #tpu.memory_space<semaphore_mem>>) src(%dma_wait3A_136 : memref<10000x128xf32, #tpu.memory_space<hbm>>) dst(%dma_wait3A_130 : memref<125x128xf32, #tpu.memory_space<vmem>>)
      %mul3A_137 = arith.constant 2 : i32
      %mul3A_138 = arith.muli %mul3A_137, %scan3A_98 : i32
      %dma_start3A_139 = arith.constant 0 : i32
      %dma_start3A_140 = arith.constant 0 : i32
      %dma_start3A_141 = arith.constant 0 : i32
      %dma_start3A_142 = tpu.memref_slice %arg8[%dma_start3A_139, %dma_start3A_140, %dma_start3A_141] : memref<2x125x128xf32, #tpu.memory_space<vmem>> -> memref<1x125x128xf32, #tpu.memory_space<vmem>>
      %dma_start3A_143 = tpu.memref_squeeze %dma_start3A_142 : memref<1x125x128xf32, #tpu.memory_space<vmem>> -> memref<125x128xf32, #tpu.memory_space<vmem>>
      %dma_start3A_144 = arith.constant 0 : i32
      %dma_start3A_145 = tpu.memref_slice %arg7[%mul3A_138, %dma_start3A_144] : memref<160x125xi32, #tpu.memory_space<vmem>> -> memref<1x125xi32, #tpu.memory_space<vmem>>
      %dma_start3A_146 = tpu.memref_squeeze %dma_start3A_145 : memref<1x125xi32, #tpu.memory_space<vmem>> -> memref<125xi32, #tpu.memory_space<vmem>>
      %dma_start3A_147 = arith.constant 0 : i32
      %dma_start3A_148 = arith.constant 0 : i32
      %dma_start3A_149 = tpu.memref_slice %arg14[%dma_start3A_147, %dma_start3A_148] : memref<3456x128xf32, #tpu.memory_space<vmem_shared>> -> memref<3456x128xf32, #tpu.memory_space<vmem_shared>>
      tpu.enqueue_indirect_dma source(%dma_start3A_143 : memref<125x128xf32, #tpu.memory_space<vmem>>) target(%dma_start3A_149 : memref<3456x128xf32, #tpu.memory_space<vmem_shared>>) offsets(%dma_start3A_146 : memref<125xi32, #tpu.memory_space<vmem>>) semaphore(%arg12 : memref<!tpu.dma_semaphore, #tpu.memory_space<semaphore_mem>>) {add = true}
      %dma_wait3A_150 = arith.constant 1 : i32
      %dma_wait3A_151 = arith.constant 0 : i32
      %dma_wait3A_152 = arith.constant 0 : i32
      %dma_wait3A_153 = tpu.memref_slice %arg8[%dma_wait3A_150, %dma_wait3A_151, %dma_wait3A_152] : memref<2x125x128xf32, #tpu.memory_space<vmem>> -> memref<1x125x128xf32, #tpu.memory_space<vmem>>
      %dma_wait3A_154 = tpu.memref_squeeze %dma_wait3A_153 : memref<1x125x128xf32, #tpu.memory_space<vmem>> -> memref<125x128xf32, #tpu.memory_space<vmem>>
      %dma_wait3A_155 = arith.constant 0 : i32
      %dma_wait3A_156 = tpu.memref_slice %arg6[%add3A_115, %dma_wait3A_155] : memref<160x125xi32, #tpu.memory_space<vmem>> -> memref<1x125xi32, #tpu.memory_space<vmem>>
      %dma_wait3A_157 = tpu.memref_squeeze %dma_wait3A_156 : memref<1x125xi32, #tpu.memory_space<vmem>> -> memref<125xi32, #tpu.memory_space<vmem>>
      %dma_wait3A_158 = arith.constant 0 : i32
      %dma_wait3A_159 = arith.constant 0 : i32
      %dma_wait3A_160 = tpu.memref_slice %arg2[%dma_wait3A_158, %dma_wait3A_159] : memref<10000x128xf32, #tpu.memory_space<hbm>> -> memref<10000x128xf32, #tpu.memory_space<hbm>>
      tpu.wait_indirect_dma semaphore(%arg11 : memref<!tpu.dma_semaphore, #tpu.memory_space<semaphore_mem>>) src(%dma_wait3A_160 : memref<10000x128xf32, #tpu.memory_space<hbm>>) dst(%dma_wait3A_154 : memref<125x128xf32, #tpu.memory_space<vmem>>)
      %mul3A_161 = arith.constant 2 : i32
      %mul3A_162 = arith.muli %mul3A_161, %scan3A_98 : i32
      %add3A_163 = arith.constant 1 : i32
      %add3A_164 = arith.addi %mul3A_162, %add3A_163 : i32
      %dma_start3A_165 = arith.constant 1 : i32
      %dma_start3A_166 = arith.constant 0 : i32
      %dma_start3A_167 = arith.constant 0 : i32
      %dma_start3A_168 = tpu.memref_slice %arg8[%dma_start3A_165, %dma_start3A_166, %dma_start3A_167] : memref<2x125x128xf32, #tpu.memory_space<vmem>> -> memref<1x125x128xf32, #tpu.memory_space<vmem>>
      %dma_start3A_169 = tpu.memref_squeeze %dma_start3A_168 : memref<1x125x128xf32, #tpu.memory_space<vmem>> -> memref<125x128xf32, #tpu.memory_space<vmem>>
      %dma_start3A_170 = arith.constant 0 : i32
      %dma_start3A_171 = tpu.memref_slice %arg7[%add3A_164, %dma_start3A_170] : memref<160x125xi32, #tpu.memory_space<vmem>> -> memref<1x125xi32, #tpu.memory_space<vmem>>
      %dma_start3A_172 = tpu.memref_squeeze %dma_start3A_171 : memref<1x125xi32, #tpu.memory_space<vmem>> -> memref<125xi32, #tpu.memory_space<vmem>>
      %dma_start3A_173 = arith.constant 0 : i32
      %dma_start3A_174 = arith.constant 0 : i32
      %dma_start3A_175 = tpu.memref_slice %arg14[%dma_start3A_173, %dma_start3A_174] : memref<3456x128xf32, #tpu.memory_space<vmem_shared>> -> memref<3456x128xf32, #tpu.memory_space<vmem_shared>>
      tpu.enqueue_indirect_dma source(%dma_start3A_169 : memref<125x128xf32, #tpu.memory_space<vmem>>) target(%dma_start3A_175 : memref<3456x128xf32, #tpu.memory_space<vmem_shared>>) offsets(%dma_start3A_172 : memref<125xi32, #tpu.memory_space<vmem>>) semaphore(%arg13 : memref<!tpu.dma_semaphore, #tpu.memory_space<semaphore_mem>>) {add = true}
      %dma_wait3A_176 = arith.constant 0 : i32
      %dma_wait3A_177 = arith.constant 0 : i32
      %dma_wait3A_178 = arith.constant 0 : i32
      %dma_wait3A_179 = tpu.memref_slice %arg8[%dma_wait3A_176, %dma_wait3A_177, %dma_wait3A_178] : memref<2x125x128xf32, #tpu.memory_space<vmem>> -> memref<1x125x128xf32, #tpu.memory_space<vmem>>
      %dma_wait3A_180 = tpu.memref_squeeze %dma_wait3A_179 : memref<1x125x128xf32, #tpu.memory_space<vmem>> -> memref<125x128xf32, #tpu.memory_space<vmem>>
      %dma_wait3A_181 = arith.constant 0 : i32
      %dma_wait3A_182 = tpu.memref_slice %arg7[%mul3A_138, %dma_wait3A_181] : memref<160x125xi32, #tpu.memory_space<vmem>> -> memref<1x125xi32, #tpu.memory_space<vmem>>
      %dma_wait3A_183 = tpu.memref_squeeze %dma_wait3A_182 : memref<1x125xi32, #tpu.memory_space<vmem>> -> memref<125xi32, #tpu.memory_space<vmem>>
      %dma_wait3A_184 = arith.constant 0 : i32
      %dma_wait3A_185 = arith.constant 0 : i32
      %dma_wait3A_186 = tpu.memref_slice %arg14[%dma_wait3A_184, %dma_wait3A_185] : memref<3456x128xf32, #tpu.memory_space<vmem_shared>> -> memref<3456x128xf32, #tpu.memory_space<vmem_shared>>
      tpu.wait_indirect_dma semaphore(%arg12 : memref<!tpu.dma_semaphore, #tpu.memory_space<semaphore_mem>>) src(%dma_wait3A_180 : memref<125x128xf32, #tpu.memory_space<vmem>>) dst(%dma_wait3A_186 : memref<3456x128xf32, #tpu.memory_space<vmem_shared>>)
      %dma_wait3A_187 = arith.constant 1 : i32
      %dma_wait3A_188 = arith.constant 0 : i32
      %dma_wait3A_189 = arith.constant 0 : i32
      %dma_wait3A_190 = tpu.memref_slice %arg8[%dma_wait3A_187, %dma_wait3A_188, %dma_wait3A_189] : memref<2x125x128xf32, #tpu.memory_space<vmem>> -> memref<1x125x128xf32, #tpu.memory_space<vmem>>
      %dma_wait3A_191 = tpu.memref_squeeze %dma_wait3A_190 : memref<1x125x128xf32, #tpu.memory_space<vmem>> -> memref<125x128xf32, #tpu.memory_space<vmem>>
      %dma_wait3A_192 = arith.constant 0 : i32
      %dma_wait3A_193 = tpu.memref_slice %arg7[%add3A_164, %dma_wait3A_192] : memref<160x125xi32, #tpu.memory_space<vmem>> -> memref<1x125xi32, #tpu.memory_space<vmem>>
      %dma_wait3A_194 = tpu.memref_squeeze %dma_wait3A_193 : memref<1x125xi32, #tpu.memory_space<vmem>> -> memref<125xi32, #tpu.memory_space<vmem>>
      %dma_wait3A_195 = arith.constant 0 : i32
      %dma_wait3A_196 = arith.constant 0 : i32
      %dma_wait3A_197 = tpu.memref_slice %arg14[%dma_wait3A_195, %dma_wait3A_196] : memref<3456x128xf32, #tpu.memory_space<vmem_shared>> -> memref<3456x128xf32, #tpu.memory_space<vmem_shared>>
      tpu.wait_indirect_dma semaphore(%arg13 : memref<!tpu.dma_semaphore, #tpu.memory_space<semaphore_mem>>) src(%dma_wait3A_191 : memref<125x128xf32, #tpu.memory_space<vmem>>) dst(%dma_wait3A_197 : memref<3456x128xf32, #tpu.memory_space<vmem_shared>>)
      %scan3A_198 = arith.constant 0 : i32
      scf.yield %scan3A_198 : i32
    }
    %scan3A_60 = arith.constant 80 : i32
    %barrier3A_61 = arith.constant 0 : index
    tpu.barrier barrier_id(%barrier3A_61)
    %mul3A_62 = arith.constant 216 : i32
    %mul3A_63 = arith.muli %arg1, %mul3A_62 : i32
    %mul3A_64 = arith.constant 216 : i32
    %mul3A_65 = arith.muli %arg1, %mul3A_64 : i32
    %run_scoped3A_66 = arith.constant 1 : i32
    "tpu.region"() ({
      %run_scoped3A_98 = tpu.sem_alloc : memref<!tpu.dma_semaphore, #tpu.memory_space<semaphore_mem>>
      %dma_start3A = arith.constant 0 : i32
      %dma_start3A_99 = tpu.memref_slice %arg5[%arg0, %run_scoped3A_66, %mul3A_65, %dma_start3A] : memref<2x3x3456x128xf32, #tpu.memory_space<hbm>> -> memref<1x1x216x128xf32, #tpu.memory_space<hbm>>
      %dma_start3A_100 = tpu.memref_squeeze %dma_start3A_99 : memref<1x1x216x128xf32, #tpu.memory_space<hbm>> -> memref<216x128xf32, #tpu.memory_space<hbm>>
      %dma_start3A_101 = arith.constant 0 : i32
      %dma_start3A_102 = tpu.memref_slice %arg14[%mul3A_63, %dma_start3A_101] : memref<3456x128xf32, #tpu.memory_space<vmem_shared>> -> memref<216x128xf32, #tpu.memory_space<vmem_shared>>
      tpu.enqueue_dma source(%dma_start3A_102 : memref<216x128xf32, #tpu.memory_space<vmem_shared>>) target(%dma_start3A_100 : memref<216x128xf32, #tpu.memory_space<hbm>>) target_semaphore(%run_scoped3A_98 : memref<!tpu.dma_semaphore, #tpu.memory_space<semaphore_mem>>)
      %dma_wait3A = arith.constant 0 : i32
      %dma_wait3A_103 = tpu.memref_slice %arg5[%arg0, %run_scoped3A_66, %mul3A_65, %dma_wait3A] : memref<2x3x3456x128xf32, #tpu.memory_space<hbm>> -> memref<1x1x216x128xf32, #tpu.memory_space<hbm>>
      %dma_wait3A_104 = tpu.memref_squeeze %dma_wait3A_103 : memref<1x1x216x128xf32, #tpu.memory_space<hbm>> -> memref<216x128xf32, #tpu.memory_space<hbm>>
      %dma_wait3A_105 = arith.constant 0 : i32
      %dma_wait3A_106 = tpu.memref_slice %arg14[%mul3A_63, %dma_wait3A_105] : memref<3456x128xf32, #tpu.memory_space<vmem_shared>> -> memref<216x128xf32, #tpu.memory_space<vmem_shared>>
      tpu.wait_dma2 semaphore(%run_scoped3A_98 : memref<!tpu.dma_semaphore, #tpu.memory_space<semaphore_mem>>) src(%dma_wait3A_106 : memref<216x128xf32, #tpu.memory_space<vmem_shared>>) dst(%dma_wait3A_104 : memref<216x128xf32, #tpu.memory_space<hbm>>)
      tpu.yield
    }) : () -> ()
    %run_scoped3A_67 = arith.constant 2 : i32
    "tpu.region"() ({
      %run_scoped3A_98 = tpu.sem_alloc : memref<!tpu.dma_semaphore, #tpu.memory_space<semaphore_mem>>
      %dma_start3A = arith.constant 0 : i32
      %dma_start3A_99 = arith.constant 0 : i32
      %dma_start3A_100 = tpu.memref_slice %arg4[%run_scoped3A_67, %add3A, %dma_start3A, %dma_start3A_99] : memref<3x32x160x125xi32, #tpu.memory_space<hbm>> -> memref<1x1x160x125xi32, #tpu.memory_space<hbm>>
      %dma_start3A_101 = tpu.memref_squeeze %dma_start3A_100 : memref<1x1x160x125xi32, #tpu.memory_space<hbm>> -> memref<160x125xi32, #tpu.memory_space<hbm>>
      %dma_start3A_102 = arith.constant 0 : i32
      %dma_start3A_103 = arith.constant 0 : i32
      %dma_start3A_104 = tpu.memref_slice %arg4[%run_scoped3A_67, %add3A, %dma_start3A_102, %dma_start3A_103] : memref<3x32x160x125xi32, #tpu.memory_space<hbm>> -> memref<1x1x160x125xi32, #tpu.memory_space<hbm>>
      %dma_start3A_105 = tpu.memref_squeeze %dma_start3A_104 : memref<1x1x160x125xi32, #tpu.memory_space<hbm>> -> memref<160x125xi32, #tpu.memory_space<hbm>>
      tpu.enqueue_dma source(%dma_start3A_105 : memref<160x125xi32, #tpu.memory_space<hbm>>) target(%arg7 : memref<160x125xi32, #tpu.memory_space<vmem>>) target_semaphore(%run_scoped3A_98 : memref<!tpu.dma_semaphore, #tpu.memory_space<semaphore_mem>>)
      %dma_wait3A = arith.constant 0 : i32
      %dma_wait3A_106 = arith.constant 0 : i32
      %dma_wait3A_107 = tpu.memref_slice %arg4[%run_scoped3A_67, %add3A, %dma_wait3A, %dma_wait3A_106] : memref<3x32x160x125xi32, #tpu.memory_space<hbm>> -> memref<1x1x160x125xi32, #tpu.memory_space<hbm>>
      %dma_wait3A_108 = tpu.memref_squeeze %dma_wait3A_107 : memref<1x1x160x125xi32, #tpu.memory_space<hbm>> -> memref<160x125xi32, #tpu.memory_space<hbm>>
      %dma_wait3A_109 = arith.constant 0 : i32
      %dma_wait3A_110 = arith.constant 0 : i32
      %dma_wait3A_111 = tpu.memref_slice %arg4[%run_scoped3A_67, %add3A, %dma_wait3A_109, %dma_wait3A_110] : memref<3x32x160x125xi32, #tpu.memory_space<hbm>> -> memref<1x1x160x125xi32, #tpu.memory_space<hbm>>
      %dma_wait3A_112 = tpu.memref_squeeze %dma_wait3A_111 : memref<1x1x160x125xi32, #tpu.memory_space<hbm>> -> memref<160x125xi32, #tpu.memory_space<hbm>>
      tpu.wait_dma2 semaphore(%run_scoped3A_98 : memref<!tpu.dma_semaphore, #tpu.memory_space<semaphore_mem>>) src(%dma_wait3A_112 : memref<160x125xi32, #tpu.memory_space<hbm>>) dst(%arg7 : memref<160x125xi32, #tpu.memory_space<vmem>>)
      tpu.yield
    }) : () -> ()
    %mul3A_68 = arith.constant 216 : i32
    %mul3A_69 = arith.muli %arg1, %mul3A_68 : i32
    %add3A_70 = arith.constant 0 : i32
    %add3A_71 = arith.addi %mul3A_69, %add3A_70 : i32
    "tpu.region"() ({
      %run_scoped3A_98 = tpu.sem_alloc : memref<!tpu.dma_semaphore, #tpu.memory_space<semaphore_mem>>
      %dma_start3A = arith.constant 0 : i32
      %dma_start3A_99 = tpu.memref_slice %arg14[%add3A_71, %dma_start3A] : memref<3456x128xf32, #tpu.memory_space<vmem_shared>> -> memref<64x128xf32, #tpu.memory_space<vmem_shared>>
      %dma_start3A_100 = arith.constant 0 : i32
      %dma_start3A_101 = tpu.memref_slice %arg14[%add3A_71, %dma_start3A_100] : memref<3456x128xf32, #tpu.memory_space<vmem_shared>> -> memref<64x128xf32, #tpu.memory_space<vmem_shared>>
      tpu.enqueue_dma source(%arg9 : memref<64x128xf32, #tpu.memory_space<vmem>>) target(%dma_start3A_101 : memref<64x128xf32, #tpu.memory_space<vmem_shared>>) target_semaphore(%run_scoped3A_98 : memref<!tpu.dma_semaphore, #tpu.memory_space<semaphore_mem>>)
      %dma_wait3A = arith.constant 0 : i32
      %dma_wait3A_102 = tpu.memref_slice %arg14[%add3A_71, %dma_wait3A] : memref<3456x128xf32, #tpu.memory_space<vmem_shared>> -> memref<64x128xf32, #tpu.memory_space<vmem_shared>>
      %dma_wait3A_103 = arith.constant 0 : i32
      %dma_wait3A_104 = tpu.memref_slice %arg14[%add3A_71, %dma_wait3A_103] : memref<3456x128xf32, #tpu.memory_space<vmem_shared>> -> memref<64x128xf32, #tpu.memory_space<vmem_shared>>
      tpu.wait_dma2 semaphore(%run_scoped3A_98 : memref<!tpu.dma_semaphore, #tpu.memory_space<semaphore_mem>>) src(%arg9 : memref<64x128xf32, #tpu.memory_space<vmem>>) dst(%dma_wait3A_104 : memref<64x128xf32, #tpu.memory_space<vmem_shared>>)
      tpu.yield
    }) : () -> ()
    %mul3A_72 = arith.constant 216 : i32
    %mul3A_73 = arith.muli %arg1, %mul3A_72 : i32
    %add3A_74 = arith.constant 64 : i32
    %add3A_75 = arith.addi %mul3A_73, %add3A_74 : i32
    "tpu.region"() ({
      %run_scoped3A_98 = tpu.sem_alloc : memref<!tpu.dma_semaphore, #tpu.memory_space<semaphore_mem>>
      %dma_start3A = arith.constant 0 : i32
      %dma_start3A_99 = tpu.memref_slice %arg14[%add3A_75, %dma_start3A] : memref<3456x128xf32, #tpu.memory_space<vmem_shared>> -> memref<64x128xf32, #tpu.memory_space<vmem_shared>>
      %dma_start3A_100 = arith.constant 0 : i32
      %dma_start3A_101 = tpu.memref_slice %arg14[%add3A_75, %dma_start3A_100] : memref<3456x128xf32, #tpu.memory_space<vmem_shared>> -> memref<64x128xf32, #tpu.memory_space<vmem_shared>>
      tpu.enqueue_dma source(%arg9 : memref<64x128xf32, #tpu.memory_space<vmem>>) target(%dma_start3A_101 : memref<64x128xf32, #tpu.memory_space<vmem_shared>>) target_semaphore(%run_scoped3A_98 : memref<!tpu.dma_semaphore, #tpu.memory_space<semaphore_mem>>)
      %dma_wait3A = arith.constant 0 : i32
      %dma_wait3A_102 = tpu.memref_slice %arg14[%add3A_75, %dma_wait3A] : memref<3456x128xf32, #tpu.memory_space<vmem_shared>> -> memref<64x128xf32, #tpu.memory_space<vmem_shared>>
      %dma_wait3A_103 = arith.constant 0 : i32
      %dma_wait3A_104 = tpu.memref_slice %arg14[%add3A_75, %dma_wait3A_103] : memref<3456x128xf32, #tpu.memory_space<vmem_shared>> -> memref<64x128xf32, #tpu.memory_space<vmem_shared>>
      tpu.wait_dma2 semaphore(%run_scoped3A_98 : memref<!tpu.dma_semaphore, #tpu.memory_space<semaphore_mem>>) src(%arg9 : memref<64x128xf32, #tpu.memory_space<vmem>>) dst(%dma_wait3A_104 : memref<64x128xf32, #tpu.memory_space<vmem_shared>>)
      tpu.yield
    }) : () -> ()
    %mul3A_76 = arith.constant 216 : i32
    %mul3A_77 = arith.muli %arg1, %mul3A_76 : i32
    %add3A_78 = arith.constant 128 : i32
    %add3A_79 = arith.addi %mul3A_77, %add3A_78 : i32
    "tpu.region"() ({
      %run_scoped3A_98 = tpu.sem_alloc : memref<!tpu.dma_semaphore, #tpu.memory_space<semaphore_mem>>
      %dma_start3A = arith.constant 0 : i32
      %dma_start3A_99 = tpu.memref_slice %arg14[%add3A_79, %dma_start3A] : memref<3456x128xf32, #tpu.memory_space<vmem_shared>> -> memref<64x128xf32, #tpu.memory_space<vmem_shared>>
      %dma_start3A_100 = arith.constant 0 : i32
      %dma_start3A_101 = tpu.memref_slice %arg14[%add3A_79, %dma_start3A_100] : memref<3456x128xf32, #tpu.memory_space<vmem_shared>> -> memref<64x128xf32, #tpu.memory_space<vmem_shared>>
      tpu.enqueue_dma source(%arg9 : memref<64x128xf32, #tpu.memory_space<vmem>>) target(%dma_start3A_101 : memref<64x128xf32, #tpu.memory_space<vmem_shared>>) target_semaphore(%run_scoped3A_98 : memref<!tpu.dma_semaphore, #tpu.memory_space<semaphore_mem>>)
      %dma_wait3A = arith.constant 0 : i32
      %dma_wait3A_102 = tpu.memref_slice %arg14[%add3A_79, %dma_wait3A] : memref<3456x128xf32, #tpu.memory_space<vmem_shared>> -> memref<64x128xf32, #tpu.memory_space<vmem_shared>>
      %dma_wait3A_103 = arith.constant 0 : i32
      %dma_wait3A_104 = tpu.memref_slice %arg14[%add3A_79, %dma_wait3A_103] : memref<3456x128xf32, #tpu.memory_space<vmem_shared>> -> memref<64x128xf32, #tpu.memory_space<vmem_shared>>
      tpu.wait_dma2 semaphore(%run_scoped3A_98 : memref<!tpu.dma_semaphore, #tpu.memory_space<semaphore_mem>>) src(%arg9 : memref<64x128xf32, #tpu.memory_space<vmem>>) dst(%dma_wait3A_104 : memref<64x128xf32, #tpu.memory_space<vmem_shared>>)
      tpu.yield
    }) : () -> ()
    %mul3A_80 = arith.constant 216 : i32
    %mul3A_81 = arith.muli %arg1, %mul3A_80 : i32
    %add3A_82 = arith.constant 192 : i32
    %add3A_83 = arith.addi %mul3A_81, %add3A_82 : i32
    "tpu.region"() ({
      %run_scoped3A_98 = tpu.sem_alloc : memref<!tpu.dma_semaphore, #tpu.memory_space<semaphore_mem>>
      %dma_start3A = arith.constant 0 : i32
      %dma_start3A_99 = arith.constant 0 : i32
      %dma_start3A_100 = tpu.memref_slice %arg9[%dma_start3A, %dma_start3A_99] : memref<64x128xf32, #tpu.memory_space<vmem>> -> memref<24x128xf32, #tpu.memory_space<vmem>>
      %dma_start3A_101 = arith.constant 0 : i32
      %dma_start3A_102 = tpu.memref_slice %arg14[%add3A_83, %dma_start3A_101] : memref<3456x128xf32, #tpu.memory_space<vmem_shared>> -> memref<24x128xf32, #tpu.memory_space<vmem_shared>>
      %dma_start3A_103 = arith.constant 0 : i32
      %dma_start3A_104 = tpu.memref_slice %arg14[%add3A_83, %dma_start3A_103] : memref<3456x128xf32, #tpu.memory_space<vmem_shared>> -> memref<24x128xf32, #tpu.memory_space<vmem_shared>>
      %dma_start3A_105 = arith.constant 0 : i32
      %dma_start3A_106 = arith.constant 0 : i32
      %dma_start3A_107 = tpu.memref_slice %arg9[%dma_start3A_105, %dma_start3A_106] : memref<64x128xf32, #tpu.memory_space<vmem>> -> memref<24x128xf32, #tpu.memory_space<vmem>>
      tpu.enqueue_dma source(%dma_start3A_107 : memref<24x128xf32, #tpu.memory_space<vmem>>) target(%dma_start3A_104 : memref<24x128xf32, #tpu.memory_space<vmem_shared>>) target_semaphore(%run_scoped3A_98 : memref<!tpu.dma_semaphore, #tpu.memory_space<semaphore_mem>>)
      %dma_wait3A = arith.constant 0 : i32
      %dma_wait3A_108 = arith.constant 0 : i32
      %dma_wait3A_109 = tpu.memref_slice %arg9[%dma_wait3A, %dma_wait3A_108] : memref<64x128xf32, #tpu.memory_space<vmem>> -> memref<24x128xf32, #tpu.memory_space<vmem>>
      %dma_wait3A_110 = arith.constant 0 : i32
      %dma_wait3A_111 = tpu.memref_slice %arg14[%add3A_83, %dma_wait3A_110] : memref<3456x128xf32, #tpu.memory_space<vmem_shared>> -> memref<24x128xf32, #tpu.memory_space<vmem_shared>>
      %dma_wait3A_112 = arith.constant 0 : i32
      %dma_wait3A_113 = tpu.memref_slice %arg14[%add3A_83, %dma_wait3A_112] : memref<3456x128xf32, #tpu.memory_space<vmem_shared>> -> memref<24x128xf32, #tpu.memory_space<vmem_shared>>
      %dma_wait3A_114 = arith.constant 0 : i32
      %dma_wait3A_115 = arith.constant 0 : i32
      %dma_wait3A_116 = tpu.memref_slice %arg9[%dma_wait3A_114, %dma_wait3A_115] : memref<64x128xf32, #tpu.memory_space<vmem>> -> memref<24x128xf32, #tpu.memory_space<vmem>>
      tpu.wait_dma2 semaphore(%run_scoped3A_98 : memref<!tpu.dma_semaphore, #tpu.memory_space<semaphore_mem>>) src(%dma_wait3A_116 : memref<24x128xf32, #tpu.memory_space<vmem>>) dst(%dma_wait3A_113 : memref<24x128xf32, #tpu.memory_space<vmem_shared>>)
      tpu.yield
    }) : () -> ()
    %barrier3A_84 = arith.constant 0 : index
    tpu.barrier barrier_id(%barrier3A_84)
    %scan3A_85 = arith.constant 0 : i32
    %scan3A_86 = arith.constant 0 : i32
    %scan3A_87 = arith.constant 80 : i32
    %scan3A_88 = arith.addi %scan3A_86, %scan3A_87 : i32
    %scan3A_89 = arith.constant 1 : i32
    %scan3A_90 = scf.for %scan3A_98 = %scan3A_86 to %scan3A_88 step %scan3A_89 iter_args(%scan3A_99 = %scan3A_85) -> (i32)  : i32 {
      %mul3A_100 = arith.constant 2 : i32
      %mul3A_101 = arith.muli %mul3A_100, %scan3A_98 : i32
      %dma_start3A = arith.constant 0 : i32
      %dma_start3A_102 = arith.constant 0 : i32
      %dma_start3A_103 = arith.constant 0 : i32
      %dma_start3A_104 = tpu.memref_slice %arg8[%dma_start3A, %dma_start3A_102, %dma_start3A_103] : memref<2x125x128xf32, #tpu.memory_space<vmem>> -> memref<1x125x128xf32, #tpu.memory_space<vmem>>
      %dma_start3A_105 = tpu.memref_squeeze %dma_start3A_104 : memref<1x125x128xf32, #tpu.memory_space<vmem>> -> memref<125x128xf32, #tpu.memory_space<vmem>>
      %dma_start3A_106 = arith.constant 0 : i32
      %dma_start3A_107 = tpu.memref_slice %arg6[%mul3A_101, %dma_start3A_106] : memref<160x125xi32, #tpu.memory_space<vmem>> -> memref<1x125xi32, #tpu.memory_space<vmem>>
      %dma_start3A_108 = tpu.memref_squeeze %dma_start3A_107 : memref<1x125xi32, #tpu.memory_space<vmem>> -> memref<125xi32, #tpu.memory_space<vmem>>
      %dma_start3A_109 = arith.constant 0 : i32
      %dma_start3A_110 = arith.constant 0 : i32
      %dma_start3A_111 = tpu.memref_slice %arg2[%dma_start3A_109, %dma_start3A_110] : memref<10000x128xf32, #tpu.memory_space<hbm>> -> memref<10000x128xf32, #tpu.memory_space<hbm>>
      tpu.enqueue_indirect_dma source(%dma_start3A_111 : memref<10000x128xf32, #tpu.memory_space<hbm>>) target(%dma_start3A_105 : memref<125x128xf32, #tpu.memory_space<vmem>>) offsets(%dma_start3A_108 : memref<125xi32, #tpu.memory_space<vmem>>) semaphore(%arg10 : memref<!tpu.dma_semaphore, #tpu.memory_space<semaphore_mem>>)
      %mul3A_112 = arith.constant 2 : i32
      %mul3A_113 = arith.muli %mul3A_112, %scan3A_98 : i32
      %add3A_114 = arith.constant 1 : i32
      %add3A_115 = arith.addi %mul3A_113, %add3A_114 : i32
      %dma_start3A_116 = arith.constant 1 : i32
      %dma_start3A_117 = arith.constant 0 : i32
      %dma_start3A_118 = arith.constant 0 : i32
      %dma_start3A_119 = tpu.memref_slice %arg8[%dma_start3A_116, %dma_start3A_117, %dma_start3A_118] : memref<2x125x128xf32, #tpu.memory_space<vmem>> -> memref<1x125x128xf32, #tpu.memory_space<vmem>>
      %dma_start3A_120 = tpu.memref_squeeze %dma_start3A_119 : memref<1x125x128xf32, #tpu.memory_space<vmem>> -> memref<125x128xf32, #tpu.memory_space<vmem>>
      %dma_start3A_121 = arith.constant 0 : i32
      %dma_start3A_122 = tpu.memref_slice %arg6[%add3A_115, %dma_start3A_121] : memref<160x125xi32, #tpu.memory_space<vmem>> -> memref<1x125xi32, #tpu.memory_space<vmem>>
      %dma_start3A_123 = tpu.memref_squeeze %dma_start3A_122 : memref<1x125xi32, #tpu.memory_space<vmem>> -> memref<125xi32, #tpu.memory_space<vmem>>
      %dma_start3A_124 = arith.constant 0 : i32
      %dma_start3A_125 = arith.constant 0 : i32
      %dma_start3A_126 = tpu.memref_slice %arg2[%dma_start3A_124, %dma_start3A_125] : memref<10000x128xf32, #tpu.memory_space<hbm>> -> memref<10000x128xf32, #tpu.memory_space<hbm>>
      tpu.enqueue_indirect_dma source(%dma_start3A_126 : memref<10000x128xf32, #tpu.memory_space<hbm>>) target(%dma_start3A_120 : memref<125x128xf32, #tpu.memory_space<vmem>>) offsets(%dma_start3A_123 : memref<125xi32, #tpu.memory_space<vmem>>) semaphore(%arg11 : memref<!tpu.dma_semaphore, #tpu.memory_space<semaphore_mem>>)
      %dma_wait3A = arith.constant 0 : i32
      %dma_wait3A_127 = arith.constant 0 : i32
      %dma_wait3A_128 = arith.constant 0 : i32
      %dma_wait3A_129 = tpu.memref_slice %arg8[%dma_wait3A, %dma_wait3A_127, %dma_wait3A_128] : memref<2x125x128xf32, #tpu.memory_space<vmem>> -> memref<1x125x128xf32, #tpu.memory_space<vmem>>
      %dma_wait3A_130 = tpu.memref_squeeze %dma_wait3A_129 : memref<1x125x128xf32, #tpu.memory_space<vmem>> -> memref<125x128xf32, #tpu.memory_space<vmem>>
      %dma_wait3A_131 = arith.constant 0 : i32
      %dma_wait3A_132 = tpu.memref_slice %arg6[%mul3A_101, %dma_wait3A_131] : memref<160x125xi32, #tpu.memory_space<vmem>> -> memref<1x125xi32, #tpu.memory_space<vmem>>
      %dma_wait3A_133 = tpu.memref_squeeze %dma_wait3A_132 : memref<1x125xi32, #tpu.memory_space<vmem>> -> memref<125xi32, #tpu.memory_space<vmem>>
      %dma_wait3A_134 = arith.constant 0 : i32
      %dma_wait3A_135 = arith.constant 0 : i32
      %dma_wait3A_136 = tpu.memref_slice %arg2[%dma_wait3A_134, %dma_wait3A_135] : memref<10000x128xf32, #tpu.memory_space<hbm>> -> memref<10000x128xf32, #tpu.memory_space<hbm>>
      tpu.wait_indirect_dma semaphore(%arg10 : memref<!tpu.dma_semaphore, #tpu.memory_space<semaphore_mem>>) src(%dma_wait3A_136 : memref<10000x128xf32, #tpu.memory_space<hbm>>) dst(%dma_wait3A_130 : memref<125x128xf32, #tpu.memory_space<vmem>>)
      %mul3A_137 = arith.constant 2 : i32
      %mul3A_138 = arith.muli %mul3A_137, %scan3A_98 : i32
      %dma_start3A_139 = arith.constant 0 : i32
      %dma_start3A_140 = arith.constant 0 : i32
      %dma_start3A_141 = arith.constant 0 : i32
      %dma_start3A_142 = tpu.memref_slice %arg8[%dma_start3A_139, %dma_start3A_140, %dma_start3A_141] : memref<2x125x128xf32, #tpu.memory_space<vmem>> -> memref<1x125x128xf32, #tpu.memory_space<vmem>>
      %dma_start3A_143 = tpu.memref_squeeze %dma_start3A_142 : memref<1x125x128xf32, #tpu.memory_space<vmem>> -> memref<125x128xf32, #tpu.memory_space<vmem>>
      %dma_start3A_144 = arith.constant 0 : i32
      %dma_start3A_145 = tpu.memref_slice %arg7[%mul3A_138, %dma_start3A_144] : memref<160x125xi32, #tpu.memory_space<vmem>> -> memref<1x125xi32, #tpu.memory_space<vmem>>
      %dma_start3A_146 = tpu.memref_squeeze %dma_start3A_145 : memref<1x125xi32, #tpu.memory_space<vmem>> -> memref<125xi32, #tpu.memory_space<vmem>>
      %dma_start3A_147 = arith.constant 0 : i32
      %dma_start3A_148 = arith.constant 0 : i32
      %dma_start3A_149 = tpu.memref_slice %arg14[%dma_start3A_147, %dma_start3A_148] : memref<3456x128xf32, #tpu.memory_space<vmem_shared>> -> memref<3456x128xf32, #tpu.memory_space<vmem_shared>>
      tpu.enqueue_indirect_dma source(%dma_start3A_143 : memref<125x128xf32, #tpu.memory_space<vmem>>) target(%dma_start3A_149 : memref<3456x128xf32, #tpu.memory_space<vmem_shared>>) offsets(%dma_start3A_146 : memref<125xi32, #tpu.memory_space<vmem>>) semaphore(%arg12 : memref<!tpu.dma_semaphore, #tpu.memory_space<semaphore_mem>>) {add = true}
      %dma_wait3A_150 = arith.constant 1 : i32
      %dma_wait3A_151 = arith.constant 0 : i32
      %dma_wait3A_152 = arith.constant 0 : i32
      %dma_wait3A_153 = tpu.memref_slice %arg8[%dma_wait3A_150, %dma_wait3A_151, %dma_wait3A_152] : memref<2x125x128xf32, #tpu.memory_space<vmem>> -> memref<1x125x128xf32, #tpu.memory_space<vmem>>
      %dma_wait3A_154 = tpu.memref_squeeze %dma_wait3A_153 : memref<1x125x128xf32, #tpu.memory_space<vmem>> -> memref<125x128xf32, #tpu.memory_space<vmem>>
      %dma_wait3A_155 = arith.constant 0 : i32
      %dma_wait3A_156 = tpu.memref_slice %arg6[%add3A_115, %dma_wait3A_155] : memref<160x125xi32, #tpu.memory_space<vmem>> -> memref<1x125xi32, #tpu.memory_space<vmem>>
      %dma_wait3A_157 = tpu.memref_squeeze %dma_wait3A_156 : memref<1x125xi32, #tpu.memory_space<vmem>> -> memref<125xi32, #tpu.memory_space<vmem>>
      %dma_wait3A_158 = arith.constant 0 : i32
      %dma_wait3A_159 = arith.constant 0 : i32
      %dma_wait3A_160 = tpu.memref_slice %arg2[%dma_wait3A_158, %dma_wait3A_159] : memref<10000x128xf32, #tpu.memory_space<hbm>> -> memref<10000x128xf32, #tpu.memory_space<hbm>>
      tpu.wait_indirect_dma semaphore(%arg11 : memref<!tpu.dma_semaphore, #tpu.memory_space<semaphore_mem>>) src(%dma_wait3A_160 : memref<10000x128xf32, #tpu.memory_space<hbm>>) dst(%dma_wait3A_154 : memref<125x128xf32, #tpu.memory_space<vmem>>)
      %mul3A_161 = arith.constant 2 : i32
      %mul3A_162 = arith.muli %mul3A_161, %scan3A_98 : i32
      %add3A_163 = arith.constant 1 : i32
      %add3A_164 = arith.addi %mul3A_162, %add3A_163 : i32
      %dma_start3A_165 = arith.constant 1 : i32
      %dma_start3A_166 = arith.constant 0 : i32
      %dma_start3A_167 = arith.constant 0 : i32
      %dma_start3A_168 = tpu.memref_slice %arg8[%dma_start3A_165, %dma_start3A_166, %dma_start3A_167] : memref<2x125x128xf32, #tpu.memory_space<vmem>> -> memref<1x125x128xf32, #tpu.memory_space<vmem>>
      %dma_start3A_169 = tpu.memref_squeeze %dma_start3A_168 : memref<1x125x128xf32, #tpu.memory_space<vmem>> -> memref<125x128xf32, #tpu.memory_space<vmem>>
      %dma_start3A_170 = arith.constant 0 : i32
      %dma_start3A_171 = tpu.memref_slice %arg7[%add3A_164, %dma_start3A_170] : memref<160x125xi32, #tpu.memory_space<vmem>> -> memref<1x125xi32, #tpu.memory_space<vmem>>
      %dma_start3A_172 = tpu.memref_squeeze %dma_start3A_171 : memref<1x125xi32, #tpu.memory_space<vmem>> -> memref<125xi32, #tpu.memory_space<vmem>>
      %dma_start3A_173 = arith.constant 0 : i32
      %dma_start3A_174 = arith.constant 0 : i32
      %dma_start3A_175 = tpu.memref_slice %arg14[%dma_start3A_173, %dma_start3A_174] : memref<3456x128xf32, #tpu.memory_space<vmem_shared>> -> memref<3456x128xf32, #tpu.memory_space<vmem_shared>>
      tpu.enqueue_indirect_dma source(%dma_start3A_169 : memref<125x128xf32, #tpu.memory_space<vmem>>) target(%dma_start3A_175 : memref<3456x128xf32, #tpu.memory_space<vmem_shared>>) offsets(%dma_start3A_172 : memref<125xi32, #tpu.memory_space<vmem>>) semaphore(%arg13 : memref<!tpu.dma_semaphore, #tpu.memory_space<semaphore_mem>>) {add = true}
      %dma_wait3A_176 = arith.constant 0 : i32
      %dma_wait3A_177 = arith.constant 0 : i32
      %dma_wait3A_178 = arith.constant 0 : i32
      %dma_wait3A_179 = tpu.memref_slice %arg8[%dma_wait3A_176, %dma_wait3A_177, %dma_wait3A_178] : memref<2x125x128xf32, #tpu.memory_space<vmem>> -> memref<1x125x128xf32, #tpu.memory_space<vmem>>
      %dma_wait3A_180 = tpu.memref_squeeze %dma_wait3A_179 : memref<1x125x128xf32, #tpu.memory_space<vmem>> -> memref<125x128xf32, #tpu.memory_space<vmem>>
      %dma_wait3A_181 = arith.constant 0 : i32
      %dma_wait3A_182 = tpu.memref_slice %arg7[%mul3A_138, %dma_wait3A_181] : memref<160x125xi32, #tpu.memory_space<vmem>> -> memref<1x125xi32, #tpu.memory_space<vmem>>
      %dma_wait3A_183 = tpu.memref_squeeze %dma_wait3A_182 : memref<1x125xi32, #tpu.memory_space<vmem>> -> memref<125xi32, #tpu.memory_space<vmem>>
      %dma_wait3A_184 = arith.constant 0 : i32
      %dma_wait3A_185 = arith.constant 0 : i32
      %dma_wait3A_186 = tpu.memref_slice %arg14[%dma_wait3A_184, %dma_wait3A_185] : memref<3456x128xf32, #tpu.memory_space<vmem_shared>> -> memref<3456x128xf32, #tpu.memory_space<vmem_shared>>
      tpu.wait_indirect_dma semaphore(%arg12 : memref<!tpu.dma_semaphore, #tpu.memory_space<semaphore_mem>>) src(%dma_wait3A_180 : memref<125x128xf32, #tpu.memory_space<vmem>>) dst(%dma_wait3A_186 : memref<3456x128xf32, #tpu.memory_space<vmem_shared>>)
      %dma_wait3A_187 = arith.constant 1 : i32
      %dma_wait3A_188 = arith.constant 0 : i32
      %dma_wait3A_189 = arith.constant 0 : i32
      %dma_wait3A_190 = tpu.memref_slice %arg8[%dma_wait3A_187, %dma_wait3A_188, %dma_wait3A_189] : memref<2x125x128xf32, #tpu.memory_space<vmem>> -> memref<1x125x128xf32, #tpu.memory_space<vmem>>
      %dma_wait3A_191 = tpu.memref_squeeze %dma_wait3A_190 : memref<1x125x128xf32, #tpu.memory_space<vmem>> -> memref<125x128xf32, #tpu.memory_space<vmem>>
      %dma_wait3A_192 = arith.constant 0 : i32
      %dma_wait3A_193 = tpu.memref_slice %arg7[%add3A_164, %dma_wait3A_192] : memref<160x125xi32, #tpu.memory_space<vmem>> -> memref<1x125xi32, #tpu.memory_space<vmem>>
      %dma_wait3A_194 = tpu.memref_squeeze %dma_wait3A_193 : memref<1x125xi32, #tpu.memory_space<vmem>> -> memref<125xi32, #tpu.memory_space<vmem>>
      %dma_wait3A_195 = arith.constant 0 : i32
      %dma_wait3A_196 = arith.constant 0 : i32
      %dma_wait3A_197 = tpu.memref_slice %arg14[%dma_wait3A_195, %dma_wait3A_196] : memref<3456x128xf32, #tpu.memory_space<vmem_shared>> -> memref<3456x128xf32, #tpu.memory_space<vmem_shared>>
      tpu.wait_indirect_dma semaphore(%arg13 : memref<!tpu.dma_semaphore, #tpu.memory_space<semaphore_mem>>) src(%dma_wait3A_191 : memref<125x128xf32, #tpu.memory_space<vmem>>) dst(%dma_wait3A_197 : memref<3456x128xf32, #tpu.memory_space<vmem_shared>>)
      %scan3A_198 = arith.constant 0 : i32
      scf.yield %scan3A_198 : i32
    }
    %scan3A_91 = arith.constant 80 : i32
    %barrier3A_92 = arith.constant 0 : index
    tpu.barrier barrier_id(%barrier3A_92)
    %mul3A_93 = arith.constant 216 : i32
    %mul3A_94 = arith.muli %arg1, %mul3A_93 : i32
    %mul3A_95 = arith.constant 216 : i32
    %mul3A_96 = arith.muli %arg1, %mul3A_95 : i32
    %run_scoped3A_97 = arith.constant 2 : i32
    "tpu.region"() ({
      %run_scoped3A_98 = tpu.sem_alloc : memref<!tpu.dma_semaphore, #tpu.memory_space<semaphore_mem>>
      %dma_start3A = arith.constant 0 : i32
      %dma_start3A_99 = tpu.memref_slice %arg5[%arg0, %run_scoped3A_97, %mul3A_96, %dma_start3A] : memref<2x3x3456x128xf32, #tpu.memory_space<hbm>> -> memref<1x1x216x128xf32, #tpu.memory_space<hbm>>
      %dma_start3A_100 = tpu.memref_squeeze %dma_start3A_99 : memref<1x1x216x128xf32, #tpu.memory_space<hbm>> -> memref<216x128xf32, #tpu.memory_space<hbm>>
      %dma_start3A_101 = arith.constant 0 : i32
      %dma_start3A_102 = tpu.memref_slice %arg14[%mul3A_94, %dma_start3A_101] : memref<3456x128xf32, #tpu.memory_space<vmem_shared>> -> memref<216x128xf32, #tpu.memory_space<vmem_shared>>
      tpu.enqueue_dma source(%dma_start3A_102 : memref<216x128xf32, #tpu.memory_space<vmem_shared>>) target(%dma_start3A_100 : memref<216x128xf32, #tpu.memory_space<hbm>>) target_semaphore(%run_scoped3A_98 : memref<!tpu.dma_semaphore, #tpu.memory_space<semaphore_mem>>)
      %dma_wait3A = arith.constant 0 : i32
      %dma_wait3A_103 = tpu.memref_slice %arg5[%arg0, %run_scoped3A_97, %mul3A_96, %dma_wait3A] : memref<2x3x3456x128xf32, #tpu.memory_space<hbm>> -> memref<1x1x216x128xf32, #tpu.memory_space<hbm>>
      %dma_wait3A_104 = tpu.memref_squeeze %dma_wait3A_103 : memref<1x1x216x128xf32, #tpu.memory_space<hbm>> -> memref<216x128xf32, #tpu.memory_space<hbm>>
      %dma_wait3A_105 = arith.constant 0 : i32
      %dma_wait3A_106 = tpu.memref_slice %arg14[%mul3A_94, %dma_wait3A_105] : memref<3456x128xf32, #tpu.memory_space<vmem_shared>> -> memref<216x128xf32, #tpu.memory_space<vmem_shared>>
      tpu.wait_dma2 semaphore(%run_scoped3A_98 : memref<!tpu.dma_semaphore, #tpu.memory_space<semaphore_mem>>) src(%dma_wait3A_106 : memref<216x128xf32, #tpu.memory_space<vmem_shared>>) dst(%dma_wait3A_104 : memref<216x128xf32, #tpu.memory_space<hbm>>)
      tpu.yield
    }) : () -> ()
    return
  }
}

#map = affine_map<(d0, d1) -> (0, 0)>
#map1 = affine_map<(d0, d1) -> (0, 0, 0)>
module attributes {stable_mosaic.version = 14 : i64} {
  func.func @_sc_degree(%arg0: i32, %arg1: i32, %arg2: memref<32x20000xi32, #tpu.memory_space<hbm>>, %arg3: memref<2x16x10240xf32, #tpu.memory_space<hbm>>, %arg4: memref<20000xi32, #tpu.memory_space<vmem>>, %arg5: memref<10240xf32, #tpu.memory_space<vmem>>) attributes {dimension_semantics = [#tpu.dimension_semantics<core_parallel>, #tpu.dimension_semantics<subcore_parallel>], iteration_bounds = array<i64: 2, 16>, scalar_prefetch = 0 : i64, scratch_operands = 2 : i64, tpu.core_type = #tpu.core_type<sc_vector_subcore>, window_params = [{transform_indices = #map}, {transform_indices = #map1}]} {
    %mul3A = arith.constant 2 : i32
    %mul3A_0 = arith.muli %arg1, %mul3A : i32
    %add3A = arith.addi %mul3A_0, %arg0 : i32
    "tpu.region"() ({
      %run_scoped3A = tpu.sem_alloc : memref<!tpu.dma_semaphore, #tpu.memory_space<semaphore_mem>>
      %dma_start3A = arith.constant 0 : i32
      %dma_start3A_15 = tpu.memref_slice %arg2[%add3A, %dma_start3A] : memref<32x20000xi32, #tpu.memory_space<hbm>> -> memref<1x20000xi32, #tpu.memory_space<hbm>>
      %dma_start3A_16 = tpu.memref_squeeze %dma_start3A_15 : memref<1x20000xi32, #tpu.memory_space<hbm>> -> memref<20000xi32, #tpu.memory_space<hbm>>
      %dma_start3A_17 = arith.constant 0 : i32
      %dma_start3A_18 = tpu.memref_slice %arg2[%add3A, %dma_start3A_17] : memref<32x20000xi32, #tpu.memory_space<hbm>> -> memref<1x20000xi32, #tpu.memory_space<hbm>>
      %dma_start3A_19 = tpu.memref_squeeze %dma_start3A_18 : memref<1x20000xi32, #tpu.memory_space<hbm>> -> memref<20000xi32, #tpu.memory_space<hbm>>
      tpu.enqueue_dma source(%dma_start3A_19 : memref<20000xi32, #tpu.memory_space<hbm>>) target(%arg4 : memref<20000xi32, #tpu.memory_space<vmem>>) target_semaphore(%run_scoped3A : memref<!tpu.dma_semaphore, #tpu.memory_space<semaphore_mem>>)
      %dma_wait3A = arith.constant 0 : i32
      %dma_wait3A_20 = tpu.memref_slice %arg2[%add3A, %dma_wait3A] : memref<32x20000xi32, #tpu.memory_space<hbm>> -> memref<1x20000xi32, #tpu.memory_space<hbm>>
      %dma_wait3A_21 = tpu.memref_squeeze %dma_wait3A_20 : memref<1x20000xi32, #tpu.memory_space<hbm>> -> memref<20000xi32, #tpu.memory_space<hbm>>
      %dma_wait3A_22 = arith.constant 0 : i32
      %dma_wait3A_23 = tpu.memref_slice %arg2[%add3A, %dma_wait3A_22] : memref<32x20000xi32, #tpu.memory_space<hbm>> -> memref<1x20000xi32, #tpu.memory_space<hbm>>
      %dma_wait3A_24 = tpu.memref_squeeze %dma_wait3A_23 : memref<1x20000xi32, #tpu.memory_space<hbm>> -> memref<20000xi32, #tpu.memory_space<hbm>>
      tpu.wait_dma2 semaphore(%run_scoped3A : memref<!tpu.dma_semaphore, #tpu.memory_space<semaphore_mem>>) src(%dma_wait3A_24 : memref<20000xi32, #tpu.memory_space<hbm>>) dst(%arg4 : memref<20000xi32, #tpu.memory_space<vmem>>)
      tpu.yield
    }) : () -> ()
    %scan3A = arith.constant 0 : i32
    %scan3A_1 = arith.constant 0 : i32
    %scan3A_2 = arith.constant 640 : i32
    %scan3A_3 = arith.addi %scan3A_1, %scan3A_2 : i32
    %scan3A_4 = arith.constant 1 : i32
    %scan3A_5 = scf.for %scan3A_15 = %scan3A_1 to %scan3A_3 step %scan3A_4 iter_args(%scan3A_16 = %scan3A) -> (i32)  : i32 {
      %broadcast_in_dim3A_17 = arith.constant 0.000000e+00 : f32
      %broadcast_in_dim3A_18 = vector.broadcast %broadcast_in_dim3A_17 : f32 to vector<16xf32>
      %mul3A_19 = arith.constant 16 : i32
      %mul3A_20 = arith.muli %scan3A_15, %mul3A_19 : i32
      %swap3A = arith.index_cast %mul3A_20 : i32 to index
      %swap3A_21 = tpu.vector_load %arg5[%swap3A] {strides = array<i32>} : memref<10240xf32, #tpu.memory_space<vmem>>, vector<16xf32>,
      tpu.vector_store %arg5[%swap3A], %broadcast_in_dim3A_18 {strides = array<i32>} : memref<10240xf32, #tpu.memory_space<vmem>>, vector<16xf32>,
      %scan3A_22 = arith.constant 0 : i32
      scf.yield %scan3A_22 : i32
    }
    %scan3A_6 = arith.constant 640 : i32
    %broadcast_in_dim3A = arith.constant 1.000000e+00 : f32
    %broadcast_in_dim3A_7 = vector.broadcast %broadcast_in_dim3A : f32 to vector<16xf32>
    %scan3A_8 = arith.constant 0 : i32
    %scan3A_9 = arith.constant 0 : i32
    %scan3A_10 = arith.constant 1250 : i32
    %scan3A_11 = arith.addi %scan3A_9, %scan3A_10 : i32
    %scan3A_12 = arith.constant 1 : i32
    %scan3A_13 = scf.for %scan3A_15 = %scan3A_9 to %scan3A_11 step %scan3A_12 iter_args(%scan3A_16 = %scan3A_8) -> (i32)  : i32 {
      %mul3A_17 = arith.constant 16 : i32
      %mul3A_18 = arith.muli %scan3A_15, %mul3A_17 : i32
      %get3A = arith.index_cast %mul3A_18 : i32 to index
      %get3A_19 = tpu.vector_load %arg4[%get3A] {strides = array<i32>} : memref<20000xi32, #tpu.memory_space<vmem>>, vector<16xi32>,
      tpu.vector_store_idx %arg5[%get3A_19], %broadcast_in_dim3A_7 {add = true} : memref<10240xf32, #tpu.memory_space<vmem>>[vector<16xi32>], vector<16xf32>,
      %scan3A_20 = arith.constant 0 : i32
      scf.yield %scan3A_20 : i32
    }
    %scan3A_14 = arith.constant 1250 : i32
    "tpu.region"() ({
      %run_scoped3A = tpu.sem_alloc : memref<!tpu.dma_semaphore, #tpu.memory_space<semaphore_mem>>
      %dma_start3A = arith.constant 0 : i32
      %dma_start3A_15 = tpu.memref_slice %arg3[%arg0, %arg1, %dma_start3A] : memref<2x16x10240xf32, #tpu.memory_space<hbm>> -> memref<1x1x10240xf32, #tpu.memory_space<hbm>>
      %dma_start3A_16 = tpu.memref_squeeze %dma_start3A_15 : memref<1x1x10240xf32, #tpu.memory_space<hbm>> -> memref<10240xf32, #tpu.memory_space<hbm>>
      %dma_start3A_17 = arith.constant 0 : i32
      %dma_start3A_18 = tpu.memref_slice %arg3[%arg0, %arg1, %dma_start3A_17] : memref<2x16x10240xf32, #tpu.memory_space<hbm>> -> memref<1x1x10240xf32, #tpu.memory_space<hbm>>
      %dma_start3A_19 = tpu.memref_squeeze %dma_start3A_18 : memref<1x1x10240xf32, #tpu.memory_space<hbm>> -> memref<10240xf32, #tpu.memory_space<hbm>>
      tpu.enqueue_dma source(%arg5 : memref<10240xf32, #tpu.memory_space<vmem>>) target(%dma_start3A_19 : memref<10240xf32, #tpu.memory_space<hbm>>) target_semaphore(%run_scoped3A : memref<!tpu.dma_semaphore, #tpu.memory_space<semaphore_mem>>)
      %dma_wait3A = arith.constant 0 : i32
      %dma_wait3A_20 = tpu.memref_slice %arg3[%arg0, %arg1, %dma_wait3A] : memref<2x16x10240xf32, #tpu.memory_space<hbm>> -> memref<1x1x10240xf32, #tpu.memory_space<hbm>>
      %dma_wait3A_21 = tpu.memref_squeeze %dma_wait3A_20 : memref<1x1x10240xf32, #tpu.memory_space<hbm>> -> memref<10240xf32, #tpu.memory_space<hbm>>
      %dma_wait3A_22 = arith.constant 0 : i32
      %dma_wait3A_23 = tpu.memref_slice %arg3[%arg0, %arg1, %dma_wait3A_22] : memref<2x16x10240xf32, #tpu.memory_space<hbm>> -> memref<1x1x10240xf32, #tpu.memory_space<hbm>>
      %dma_wait3A_24 = tpu.memref_squeeze %dma_wait3A_23 : memref<1x1x10240xf32, #tpu.memory_space<hbm>> -> memref<10240xf32, #tpu.memory_space<hbm>>
      tpu.wait_dma2 semaphore(%run_scoped3A : memref<!tpu.dma_semaphore, #tpu.memory_space<semaphore_mem>>) src(%arg5 : memref<10240xf32, #tpu.memory_space<vmem>>) dst(%dma_wait3A_24 : memref<10240xf32, #tpu.memory_space<hbm>>)
      tpu.yield
    }) : () -> ()
    return
  }
}

module attributes {stable_mosaic.version = 14 : i64} {
  func.func @_prep_body(%arg0: memref<32x10240xf32, #tpu.memory_space<vmem>>, %arg1: memref<32x160x125xi32, #tpu.memory_space<vmem>>, %arg2: memref<10240x1xf32, #tpu.memory_space<vmem>>, %arg3: memref<32x160x125xi32, #tpu.memory_space<vmem>>, %arg4: memref<32x160x125xi32, #tpu.memory_space<vmem>>, %arg5: memref<32x160x125xi32, #tpu.memory_space<vmem>>) attributes {dimension_semantics = [], scalar_prefetch = 0 : i64, scratch_operands = 0 : i64, tpu.core_type = #tpu.core_type<tc>} {
    %get3A = arith.constant 0 : index
    %get3A_0 = arith.constant 0 : index
    %get3A_1 = vector.load %arg0[%get3A, %get3A_0] : memref<32x10240xf32, #tpu.memory_space<vmem>>, vector<32x10240xf32>
    %reduce_sum3A = arith.constant dense<0.000000e+00> : vector<10240xf32>
    %reduce_sum3A_2 = vector.multi_reduction <add>, %get3A_1, %reduce_sum3A [0] : vector<32x10240xf32> to vector<10240xf32>
    %broadcast_in_dim3A = vector.shape_cast %reduce_sum3A_2 : vector<10240xf32> to vector<1x10240xf32>
    %add3A = arith.constant 1.000000e+00 : f32
    %add3A_3 = vector.broadcast %add3A : f32 to vector<1x10240xf32>
    %add3A_4 = arith.addf %broadcast_in_dim3A, %add3A_3 : vector<1x10240xf32>
    %rsqrt3A = math.rsqrt %add3A_4 : vector<1x10240xf32>
    %transpose3A = tpu.transpose %rsqrt3A, [1, 0] : vector<1x10240xf32> -> vector<10240x1xf32>
    %swap3A = arith.constant 0 : index
    %swap3A_5 = arith.constant 0 : index
    %swap3A_6 = vector.load %arg2[%swap3A, %swap3A_5] : memref<10240x1xf32, #tpu.memory_space<vmem>>, vector<10240x1xf32>
    tpu.vector_store %arg2[%swap3A, %swap3A_5], %transpose3A {strides = array<i32>} : memref<10240x1xf32, #tpu.memory_space<vmem>>, vector<10240x1xf32>,
    %get3A_7 = arith.constant 0 : index
    %get3A_8 = arith.constant 0 : index
    %get3A_9 = arith.constant 0 : index
    %get3A_10 = vector.load %arg1[%get3A_7, %get3A_8, %get3A_9] : memref<32x160x125xi32, #tpu.memory_space<vmem>>, vector<32x160x125xi32>
    %sub3A = arith.constant 0 : i32
    %sub3A_11 = vector.broadcast %sub3A : i32 to vector<32x160x125xi32>
    %sub3A_12 = arith.subi %get3A_10, %sub3A_11 : vector<32x160x125xi32>
    %lt3A = arith.constant 0 : i32
    %lt3A_13 = vector.broadcast %lt3A : i32 to vector<32x160x125xi32>
    %lt3A_14 = arith.cmpi slt, %sub3A_12, %lt3A_13 : vector<32x160x125xi32>
    %ge3A = arith.constant 3360 : i32
    %ge3A_15 = vector.broadcast %ge3A : i32 to vector<32x160x125xi32>
    %ge3A_16 = arith.cmpi sge, %sub3A_12, %ge3A_15 : vector<32x160x125xi32>
    %or3A = arith.ori %lt3A_14, %ge3A_16 : vector<32x160x125xi1>
    %jit3A = arith.constant 3400 : i32
    %broadcast_in_dim3A_17 = vector.broadcast %jit3A : i32 to vector<32x160x125xi32>
    %select_n3A = arith.select %or3A, %broadcast_in_dim3A_17, %sub3A_12 : vector<32x160x125xi1>, vector<32x160x125xi32>
    %swap3A_18 = arith.constant 0 : index
    %swap3A_19 = arith.constant 0 : index
    %swap3A_20 = arith.constant 0 : index
    %swap3A_21 = vector.load %arg3[%swap3A_18, %swap3A_19, %swap3A_20] : memref<32x160x125xi32, #tpu.memory_space<vmem>>, vector<32x160x125xi32>
    tpu.vector_store %arg3[%swap3A_18, %swap3A_19, %swap3A_20], %select_n3A {strides = array<i32>} : memref<32x160x125xi32, #tpu.memory_space<vmem>>, vector<32x160x125xi32>,
    %sub3A_22 = arith.constant 3360 : i32
    %sub3A_23 = vector.broadcast %sub3A_22 : i32 to vector<32x160x125xi32>
    %sub3A_24 = arith.subi %get3A_10, %sub3A_23 : vector<32x160x125xi32>
    %lt3A_25 = arith.constant 0 : i32
    %lt3A_26 = vector.broadcast %lt3A_25 : i32 to vector<32x160x125xi32>
    %lt3A_27 = arith.cmpi slt, %sub3A_24, %lt3A_26 : vector<32x160x125xi32>
    %ge3A_28 = arith.constant 3360 : i32
    %ge3A_29 = vector.broadcast %ge3A_28 : i32 to vector<32x160x125xi32>
    %ge3A_30 = arith.cmpi sge, %sub3A_24, %ge3A_29 : vector<32x160x125xi32>
    %or3A_31 = arith.ori %lt3A_27, %ge3A_30 : vector<32x160x125xi1>
    %jit3A_32 = arith.constant 3400 : i32
    %broadcast_in_dim3A_33 = vector.broadcast %jit3A_32 : i32 to vector<32x160x125xi32>
    %select_n3A_34 = arith.select %or3A_31, %broadcast_in_dim3A_33, %sub3A_24 : vector<32x160x125xi1>, vector<32x160x125xi32>
    %swap3A_35 = arith.constant 0 : index
    %swap3A_36 = arith.constant 0 : index
    %swap3A_37 = arith.constant 0 : index
    %swap3A_38 = vector.load %arg4[%swap3A_35, %swap3A_36, %swap3A_37] : memref<32x160x125xi32, #tpu.memory_space<vmem>>, vector<32x160x125xi32>
    tpu.vector_store %arg4[%swap3A_35, %swap3A_36, %swap3A_37], %select_n3A_34 {strides = array<i32>} : memref<32x160x125xi32, #tpu.memory_space<vmem>>, vector<32x160x125xi32>,
    %sub3A_39 = arith.constant 6720 : i32
    %sub3A_40 = vector.broadcast %sub3A_39 : i32 to vector<32x160x125xi32>
    %sub3A_41 = arith.subi %get3A_10, %sub3A_40 : vector<32x160x125xi32>
    %lt3A_42 = arith.constant 0 : i32
    %lt3A_43 = vector.broadcast %lt3A_42 : i32 to vector<32x160x125xi32>
    %lt3A_44 = arith.cmpi slt, %sub3A_41, %lt3A_43 : vector<32x160x125xi32>
    %ge3A_45 = arith.constant 3360 : i32
    %ge3A_46 = vector.broadcast %ge3A_45 : i32 to vector<32x160x125xi32>
    %ge3A_47 = arith.cmpi sge, %sub3A_41, %ge3A_46 : vector<32x160x125xi32>
    %or3A_48 = arith.ori %lt3A_44, %ge3A_47 : vector<32x160x125xi1>
    %jit3A_49 = arith.constant 3400 : i32
    %broadcast_in_dim3A_50 = vector.broadcast %jit3A_49 : i32 to vector<32x160x125xi32>
    %select_n3A_51 = arith.select %or3A_48, %broadcast_in_dim3A_50, %sub3A_41 : vector<32x160x125xi1>, vector<32x160x125xi32>
    %swap3A_52 = arith.constant 0 : index
    %swap3A_53 = arith.constant 0 : index
    %swap3A_54 = arith.constant 0 : index
    %swap3A_55 = vector.load %arg5[%swap3A_52, %swap3A_53, %swap3A_54] : memref<32x160x125xi32, #tpu.memory_space<vmem>>, vector<32x160x125xi32>
    tpu.vector_store %arg5[%swap3A_52, %swap3A_53, %swap3A_54], %select_n3A_51 {strides = array<i32>} : memref<32x160x125xi32, #tpu.memory_space<vmem>>, vector<32x160x125xi32>,
    return
  }
}

module attributes {stable_mosaic.version = 14 : i64} {
  func.func @_prologue_body(%arg0: i32, %arg1: memref<2000x128xf32, #tpu.memory_space<vmem>>, %arg2: memref<2000x128xf32, #tpu.memory_space<vmem>>, %arg3: memref<2000x1xf32, #tpu.memory_space<vmem>>, %arg4: memref<128x256xf32, #tpu.memory_space<vmem>>, %arg5: memref<1x256xf32, #tpu.memory_space<vmem>>, %arg6: memref<256x128xf32, #tpu.memory_space<vmem>>, %arg7: memref<1x128xf32, #tpu.memory_space<vmem>>, %arg8: memref<128x384xf32, #tpu.memory_space<vmem>>, %arg9: memref<1x384xf32, #tpu.memory_space<vmem>>, %arg10: memref<128x384xf32, #tpu.memory_space<vmem>>, %arg11: memref<1x384xf32, #tpu.memory_space<vmem>>, %arg12: memref<128x128xf32, #tpu.memory_space<vmem>>, %arg13: memref<2000x128xf32, #tpu.memory_space<vmem>>, %arg14: memref<2000x128xf32, #tpu.memory_space<vmem>>) attributes {dimension_semantics = [#tpu.dimension_semantics<arbitrary>], iteration_bounds = array<i64: 5>, scalar_prefetch = 0 : i64, scratch_operands = 0 : i64, tpu.core_type = #tpu.core_type<tc>, window_params = [{transform_indices = @transform_0, window_bounds = array<i64: 2000, 128>}, {transform_indices = @transform_1, window_bounds = array<i64: 2000, 128>}, {transform_indices = @transform_2, window_bounds = array<i64: 2000, 1>}, {pipeline_mode = #tpu.pipeline_mode<synchronous>, transform_indices = @transform_3, window_bounds = array<i64: 128, 256>}, {pipeline_mode = #tpu.pipeline_mode<synchronous>, transform_indices = @transform_4, window_bounds = array<i64: 1, 256>}, {pipeline_mode = #tpu.pipeline_mode<synchronous>, transform_indices = @transform_5, window_bounds = array<i64: 256, 128>}, {pipeline_mode = #tpu.pipeline_mode<synchronous>, transform_indices = @transform_6, window_bounds = array<i64: 1, 128>}, {pipeline_mode = #tpu.pipeline_mode<synchronous>, transform_indices = @transform_7, window_bounds = array<i64: 128, 384>}, {pipeline_mode = #tpu.pipeline_mode<synchronous>, transform_indices = @transform_8, window_bounds = array<i64: 1, 384>}, {pipeline_mode = #tpu.pipeline_mode<synchronous>, transform_indices = @transform_9, window_bounds = array<i64: 128, 384>}, {pipeline_mode = #tpu.pipeline_mode<synchronous>, transform_indices = @transform_10, window_bounds = array<i64: 1, 384>}, {pipeline_mode = #tpu.pipeline_mode<synchronous>, transform_indices = @transform_11, window_bounds = array<i64: 128, 128>}, {transform_indices = @transform_12, window_bounds = array<i64: 2000, 128>}, {transform_indices = @transform_13, window_bounds = array<i64: 2000, 128>}]} {
    %get3A = arith.constant 0 : index
    %get3A_0 = arith.constant 0 : index
    %get3A_1 = vector.load %arg1[%get3A, %get3A_0] : memref<2000x128xf32, #tpu.memory_space<vmem>>, vector<2000x128xf32>
    %get3A_2 = arith.constant 0 : index
    %get3A_3 = arith.constant 0 : index
    %get3A_4 = vector.load %arg4[%get3A_2, %get3A_3] : memref<128x256xf32, #tpu.memory_space<vmem>>, vector<128x256xf32>
    %dot_general3A = arith.constant dense<0.000000e+00> : vector<2000x256xf32>
    %dot_general3A_5 = tpu.matmul %get3A_1, %get3A_4, %dot_general3A {dimension_numbers = #tpu.dot_dimension_numbers<[1], [0], [0], [1], [0, 0, 1, 1], [], []>, transpose_lhs_hint = false} : vector<2000x128xf32>, vector<128x256xf32>, vector<2000x256xf32> -> vector<2000x256xf32>
    %get3A_6 = arith.constant 0 : index
    %get3A_7 = arith.constant 0 : index
    %get3A_8 = vector.load %arg5[%get3A_6, %get3A_7] : memref<1x256xf32, #tpu.memory_space<vmem>>, vector<1x256xf32>
    %add3A = vector.broadcast %get3A_8 : vector<1x256xf32> to vector<2000x256xf32>
    %add3A_9 = arith.addf %dot_general3A_5, %add3A : vector<2000x256xf32>
    %jit3A = arith.constant 0.00999999977 : f32
    %ge3A = arith.constant 0.000000e+00 : f32
    %ge3A_10 = vector.broadcast %ge3A : f32 to vector<2000x256xf32>
    %ge3A_11 = arith.cmpf oge, %add3A_9, %ge3A_10 : vector<2000x256xf32>
    %mul3A = vector.broadcast %jit3A : f32 to vector<2000x256xf32>
    %mul3A_12 = arith.mulf %mul3A, %add3A_9 : vector<2000x256xf32>
    %select_n3A = arith.select %ge3A_11, %add3A_9, %mul3A_12 : vector<2000x256xi1>, vector<2000x256xf32>
    %get3A_13 = arith.constant 0 : index
    %get3A_14 = arith.constant 0 : index
    %get3A_15 = vector.load %arg6[%get3A_13, %get3A_14] : memref<256x128xf32, #tpu.memory_space<vmem>>, vector<256x128xf32>
    %dot_general3A_16 = arith.constant dense<0.000000e+00> : vector<2000x128xf32>
    %dot_general3A_17 = tpu.matmul %select_n3A, %get3A_15, %dot_general3A_16 {dimension_numbers = #tpu.dot_dimension_numbers<[1], [0], [0], [1], [0, 0, 1, 1], [], []>, transpose_lhs_hint = false} : vector<2000x256xf32>, vector<256x128xf32>, vector<2000x128xf32> -> vector<2000x128xf32>
    %get3A_18 = arith.constant 0 : index
    %get3A_19 = arith.constant 0 : index
    %get3A_20 = vector.load %arg7[%get3A_18, %get3A_19] : memref<1x128xf32, #tpu.memory_space<vmem>>, vector<1x128xf32>
    %add3A_21 = vector.broadcast %get3A_20 : vector<1x128xf32> to vector<2000x128xf32>
    %add3A_22 = arith.addf %dot_general3A_17, %add3A_21 : vector<2000x128xf32>
    %jit3A_23 = arith.constant 0.00999999977 : f32
    %ge3A_24 = arith.constant 0.000000e+00 : f32
    %ge3A_25 = vector.broadcast %ge3A_24 : f32 to vector<2000x128xf32>
    %ge3A_26 = arith.cmpf oge, %add3A_22, %ge3A_25 : vector<2000x128xf32>
    %mul3A_27 = vector.broadcast %jit3A_23 : f32 to vector<2000x128xf32>
    %mul3A_28 = arith.mulf %mul3A_27, %add3A_22 : vector<2000x128xf32>
    %select_n3A_29 = arith.select %ge3A_26, %add3A_22, %mul3A_28 : vector<2000x128xi1>, vector<2000x128xf32>
    %get3A_30 = arith.constant 0 : index
    %get3A_31 = arith.constant 0 : index
    %get3A_32 = vector.load %arg8[%get3A_30, %get3A_31] : memref<128x384xf32, #tpu.memory_space<vmem>>, vector<128x384xf32>
    %dot_general3A_33 = arith.constant dense<0.000000e+00> : vector<2000x384xf32>
    %dot_general3A_34 = tpu.matmul %select_n3A_29, %get3A_32, %dot_general3A_33 {dimension_numbers = #tpu.dot_dimension_numbers<[1], [0], [0], [1], [0, 0, 1, 1], [], []>, transpose_lhs_hint = false} : vector<2000x128xf32>, vector<128x384xf32>, vector<2000x384xf32> -> vector<2000x384xf32>
    %get3A_35 = arith.constant 0 : index
    %get3A_36 = arith.constant 0 : index
    %get3A_37 = vector.load %arg9[%get3A_35, %get3A_36] : memref<1x384xf32, #tpu.memory_space<vmem>>, vector<1x384xf32>
    %add3A_38 = vector.broadcast %get3A_37 : vector<1x384xf32> to vector<2000x384xf32>
    %add3A_39 = arith.addf %dot_general3A_34, %add3A_38 : vector<2000x384xf32>
    %get3A_40 = arith.constant 0 : index
    %get3A_41 = arith.constant 0 : index
    %get3A_42 = vector.load %arg2[%get3A_40, %get3A_41] : memref<2000x128xf32, #tpu.memory_space<vmem>>, vector<2000x128xf32>
    %get3A_43 = arith.constant 0 : index
    %get3A_44 = arith.constant 0 : index
    %get3A_45 = vector.load %arg10[%get3A_43, %get3A_44] : memref<128x384xf32, #tpu.memory_space<vmem>>, vector<128x384xf32>
    %dot_general3A_46 = arith.constant dense<0.000000e+00> : vector<2000x384xf32>
    %dot_general3A_47 = tpu.matmul %get3A_42, %get3A_45, %dot_general3A_46 {dimension_numbers = #tpu.dot_dimension_numbers<[1], [0], [0], [1], [0, 0, 1, 1], [], []>, transpose_lhs_hint = false} : vector<2000x128xf32>, vector<128x384xf32>, vector<2000x384xf32> -> vector<2000x384xf32>
    %get3A_48 = arith.constant 0 : index
    %get3A_49 = arith.constant 0 : index
    %get3A_50 = vector.load %arg11[%get3A_48, %get3A_49] : memref<1x384xf32, #tpu.memory_space<vmem>>, vector<1x384xf32>
    %add3A_51 = vector.broadcast %get3A_50 : vector<1x384xf32> to vector<2000x384xf32>
    %add3A_52 = arith.addf %dot_general3A_47, %add3A_51 : vector<2000x384xf32>
    %slice3A = vector.extract_strided_slice %add3A_39 {offsets = [0, 0], sizes = [2000, 128], strides = [1, 1]} : vector<2000x384xf32> to vector<2000x128xf32>
    %slice3A_53 = vector.extract_strided_slice %add3A_52 {offsets = [0, 0], sizes = [2000, 128], strides = [1, 1]} : vector<2000x384xf32> to vector<2000x128xf32>
    %add3A_54 = arith.addf %slice3A, %slice3A_53 : vector<2000x128xf32>
    %logistic3A = arith.negf %add3A_54 : vector<2000x128xf32>
    %logistic3A_55 = math.exp %logistic3A : vector<2000x128xf32>
    %logistic3A_56 = arith.constant 1.000000e+00 : f32
    %logistic3A_57 = vector.broadcast %logistic3A_56 : f32 to vector<2000x128xf32>
    %logistic3A_58 = arith.addf %logistic3A_57, %logistic3A_55 : vector<2000x128xf32>
    %logistic3A_59 = arith.divf %logistic3A_57, %logistic3A_58 : vector<2000x128xf32>
    %slice3A_60 = vector.extract_strided_slice %add3A_39 {offsets = [0, 128], sizes = [2000, 128], strides = [1, 1]} : vector<2000x384xf32> to vector<2000x128xf32>
    %slice3A_61 = vector.extract_strided_slice %add3A_52 {offsets = [0, 128], sizes = [2000, 128], strides = [1, 1]} : vector<2000x384xf32> to vector<2000x128xf32>
    %add3A_62 = arith.addf %slice3A_60, %slice3A_61 : vector<2000x128xf32>
    %logistic3A_63 = arith.negf %add3A_62 : vector<2000x128xf32>
    %logistic3A_64 = math.exp %logistic3A_63 : vector<2000x128xf32>
    %logistic3A_65 = arith.constant 1.000000e+00 : f32
    %logistic3A_66 = vector.broadcast %logistic3A_65 : f32 to vector<2000x128xf32>
    %logistic3A_67 = arith.addf %logistic3A_66, %logistic3A_64 : vector<2000x128xf32>
    %logistic3A_68 = arith.divf %logistic3A_66, %logistic3A_67 : vector<2000x128xf32>
    %slice3A_69 = vector.extract_strided_slice %add3A_39 {offsets = [0, 256], sizes = [2000, 128], strides = [1, 1]} : vector<2000x384xf32> to vector<2000x128xf32>
    %slice3A_70 = vector.extract_strided_slice %add3A_52 {offsets = [0, 256], sizes = [2000, 128], strides = [1, 1]} : vector<2000x384xf32> to vector<2000x128xf32>
    %mul3A_71 = arith.mulf %logistic3A_59, %slice3A_70 : vector<2000x128xf32>
    %add3A_72 = arith.addf %slice3A_69, %mul3A_71 : vector<2000x128xf32>
    %tanh3A = math.tanh %add3A_72 : vector<2000x128xf32>
    %sub3A = arith.constant 1.000000e+00 : f32
    %sub3A_73 = vector.broadcast %sub3A : f32 to vector<2000x128xf32>
    %sub3A_74 = arith.subf %sub3A_73, %logistic3A_68 : vector<2000x128xf32>
    %mul3A_75 = arith.mulf %sub3A_74, %tanh3A : vector<2000x128xf32>
    %mul3A_76 = arith.mulf %logistic3A_68, %get3A_42 : vector<2000x128xf32>
    %add3A_77 = arith.addf %mul3A_75, %mul3A_76 : vector<2000x128xf32>
    %swap3A = arith.constant 0 : index
    %swap3A_78 = arith.constant 0 : index
    %swap3A_79 = vector.load %arg13[%swap3A, %swap3A_78] : memref<2000x128xf32, #tpu.memory_space<vmem>>, vector<2000x128xf32>
    tpu.vector_store %arg13[%swap3A, %swap3A_78], %add3A_77 {strides = array<i32>} : memref<2000x128xf32, #tpu.memory_space<vmem>>, vector<2000x128xf32>,
    %get3A_80 = arith.constant 0 : index
    %get3A_81 = arith.constant 0 : index
    %get3A_82 = vector.load %arg3[%get3A_80, %get3A_81] : memref<2000x1xf32, #tpu.memory_space<vmem>>, vector<2000x1xf32>
    %get3A_83 = arith.constant 0 : index
    %get3A_84 = arith.constant 0 : index
    %get3A_85 = vector.load %arg12[%get3A_83, %get3A_84] : memref<128x128xf32, #tpu.memory_space<vmem>>, vector<128x128xf32>
    %dot_general3A_86 = arith.constant dense<0.000000e+00> : vector<2000x128xf32>
    %dot_general3A_87 = tpu.matmul %add3A_77, %get3A_85, %dot_general3A_86 {dimension_numbers = #tpu.dot_dimension_numbers<[1], [0], [0], [1], [0, 0, 1, 1], [], []>, transpose_lhs_hint = false} : vector<2000x128xf32>, vector<128x128xf32>, vector<2000x128xf32> -> vector<2000x128xf32>
    %mul3A_88 = vector.broadcast %get3A_82 : vector<2000x1xf32> to vector<2000x128xf32>
    %mul3A_89 = arith.mulf %mul3A_88, %dot_general3A_87 : vector<2000x128xf32>
    %swap3A_90 = arith.constant 0 : index
    %swap3A_91 = arith.constant 0 : index
    %swap3A_92 = vector.load %arg14[%swap3A_90, %swap3A_91] : memref<2000x128xf32, #tpu.memory_space<vmem>>, vector<2000x128xf32>
    tpu.vector_store %arg14[%swap3A_90, %swap3A_91], %mul3A_89 {strides = array<i32>} : memref<2000x128xf32, #tpu.memory_space<vmem>>, vector<2000x128xf32>,
    return
  }
  func.func @transform_0(%arg0: i32) -> (i32, i32) {
    %c0_i32 = arith.constant 0 : i32
    %c0_i32_0 = arith.constant 0 : i32
    return %arg0, %c0_i32 : i32, i32
  }
  func.func @transform_1(%arg0: i32) -> (i32, i32) {
    %c0_i32 = arith.constant 0 : i32
    %c0_i32_0 = arith.constant 0 : i32
    return %arg0, %c0_i32 : i32, i32
  }
  func.func @transform_2(%arg0: i32) -> (i32, i32) {
    %c0_i32 = arith.constant 0 : i32
    %c0_i32_0 = arith.constant 0 : i32
    return %arg0, %c0_i32 : i32, i32
  }
  func.func @transform_3(%arg0: i32) -> (i32, i32) {
    %c0_i32 = arith.constant 0 : i32
    %c0_i32_0 = arith.constant 0 : i32
    %c0_i32_1 = arith.constant 0 : i32
    return %c0_i32, %c0_i32_0 : i32, i32
  }
  func.func @transform_4(%arg0: i32) -> (i32, i32) {
    %c0_i32 = arith.constant 0 : i32
    %c0_i32_0 = arith.constant 0 : i32
    %c0_i32_1 = arith.constant 0 : i32
    return %c0_i32, %c0_i32_0 : i32, i32
  }
  func.func @transform_5(%arg0: i32) -> (i32, i32) {
    %c0_i32 = arith.constant 0 : i32
    %c0_i32_0 = arith.constant 0 : i32
    %c0_i32_1 = arith.constant 0 : i32
    return %c0_i32, %c0_i32_0 : i32, i32
  }
  func.func @transform_6(%arg0: i32) -> (i32, i32) {
    %c0_i32 = arith.constant 0 : i32
    %c0_i32_0 = arith.constant 0 : i32
    %c0_i32_1 = arith.constant 0 : i32
    return %c0_i32, %c0_i32_0 : i32, i32
  }
  func.func @transform_7(%arg0: i32) -> (i32, i32) {
    %c0_i32 = arith.constant 0 : i32
    %c0_i32_0 = arith.constant 0 : i32
    %c0_i32_1 = arith.constant 0 : i32
    return %c0_i32, %c0_i32_0 : i32, i32
  }
  func.func @transform_8(%arg0: i32) -> (i32, i32) {
    %c0_i32 = arith.constant 0 : i32
    %c0_i32_0 = arith.constant 0 : i32
    %c0_i32_1 = arith.constant 0 : i32
    return %c0_i32, %c0_i32_0 : i32, i32
  }
  func.func @transform_9(%arg0: i32) -> (i32, i32) {
    %c0_i32 = arith.constant 0 : i32
    %c0_i32_0 = arith.constant 0 : i32
    %c0_i32_1 = arith.constant 0 : i32
    return %c0_i32, %c0_i32_0 : i32, i32
  }
  func.func @transform_10(%arg0: i32) -> (i32, i32) {
    %c0_i32 = arith.constant 0 : i32
    %c0_i32_0 = arith.constant 0 : i32
    %c0_i32_1 = arith.constant 0 : i32
    return %c0_i32, %c0_i32_0 : i32, i32
  }
  func.func @transform_11(%arg0: i32) -> (i32, i32) {
    %c0_i32 = arith.constant 0 : i32
    %c0_i32_0 = arith.constant 0 : i32
    %c0_i32_1 = arith.constant 0 : i32
    return %c0_i32, %c0_i32_0 : i32, i32
  }
  func.func @transform_12(%arg0: i32) -> (i32, i32) {
    %c0_i32 = arith.constant 0 : i32
    %c0_i32_0 = arith.constant 0 : i32
    return %arg0, %c0_i32 : i32, i32
  }
  func.func @transform_13(%arg0: i32) -> (i32, i32) {
    %c0_i32 = arith.constant 0 : i32
    %c0_i32_0 = arith.constant 0 : i32
    return %arg0, %c0_i32 : i32, i32
  }
}

module attributes {stable_mosaic.version = 14 : i64} {
  func.func @_combine_body(%arg0: i32, %arg1: memref<2x2000x128xf32, #tpu.memory_space<vmem>>, %arg2: memref<2000x128xf32, #tpu.memory_space<vmem>>, %arg3: memref<2000x1xf32, #tpu.memory_space<vmem>>, %arg4: memref<1x128xf32, #tpu.memory_space<vmem>>, %arg5: memref<128x128xf32, #tpu.memory_space<vmem>>, %arg6: memref<2000x128xf32, #tpu.memory_space<vmem>>, %arg7: memref<2000x128xf32, #tpu.memory_space<vmem>>) attributes {dimension_semantics = [#tpu.dimension_semantics<arbitrary>], iteration_bounds = array<i64: 5>, scalar_prefetch = 0 : i64, scratch_operands = 0 : i64, tpu.core_type = #tpu.core_type<tc>, window_params = [{transform_indices = @transform_0, window_bounds = array<i64: 2, 2000, 128>}, {transform_indices = @transform_1, window_bounds = array<i64: 2000, 128>}, {transform_indices = @transform_2, window_bounds = array<i64: 2000, 1>}, {pipeline_mode = #tpu.pipeline_mode<synchronous>, transform_indices = @transform_3, window_bounds = array<i64: 1, 128>}, {pipeline_mode = #tpu.pipeline_mode<synchronous>, transform_indices = @transform_4, window_bounds = array<i64: 128, 128>}, {transform_indices = @transform_5, window_bounds = array<i64: 2000, 128>}, {transform_indices = @transform_6, window_bounds = array<i64: 2000, 128>}]} {
    %get3A = arith.constant 0 : index
    %get3A_0 = arith.constant 0 : index
    %get3A_1 = vector.load %arg3[%get3A, %get3A_0] : memref<2000x1xf32, #tpu.memory_space<vmem>>, vector<2000x1xf32>
    %get3A_2 = arith.constant 0 : index
    %get3A_3 = arith.constant 0 : index
    %get3A_4 = arith.constant 0 : index
    %get3A_5 = vector.load %arg1[%get3A_2, %get3A_3, %get3A_4] : memref<2x2000x128xf32, #tpu.memory_space<vmem>>, vector<1x2000x128xf32>
    %get3A_6 = vector.shape_cast %get3A_5 : vector<1x2000x128xf32> to vector<2000x128xf32>
    %get3A_7 = arith.constant 1 : index
    %get3A_8 = arith.constant 0 : index
    %get3A_9 = arith.constant 0 : index
    %get3A_10 = vector.load %arg1[%get3A_7, %get3A_8, %get3A_9] : memref<2x2000x128xf32, #tpu.memory_space<vmem>>, vector<1x2000x128xf32>
    %get3A_11 = vector.shape_cast %get3A_10 : vector<1x2000x128xf32> to vector<2000x128xf32>
    %add3A = arith.addf %get3A_6, %get3A_11 : vector<2000x128xf32>
    %get3A_12 = arith.constant 0 : index
    %get3A_13 = arith.constant 0 : index
    %get3A_14 = vector.load %arg2[%get3A_12, %get3A_13] : memref<2000x128xf32, #tpu.memory_space<vmem>>, vector<2000x128xf32>
    %add3A_15 = arith.addf %add3A, %get3A_14 : vector<2000x128xf32>
    %mul3A = vector.broadcast %get3A_1 : vector<2000x1xf32> to vector<2000x128xf32>
    %mul3A_16 = arith.mulf %mul3A, %add3A_15 : vector<2000x128xf32>
    %get3A_17 = arith.constant 0 : index
    %get3A_18 = arith.constant 0 : index
    %get3A_19 = vector.load %arg4[%get3A_17, %get3A_18] : memref<1x128xf32, #tpu.memory_space<vmem>>, vector<1x128xf32>
    %add3A_20 = vector.broadcast %get3A_19 : vector<1x128xf32> to vector<2000x128xf32>
    %add3A_21 = arith.addf %mul3A_16, %add3A_20 : vector<2000x128xf32>
    %jit3A = arith.constant 0.00999999977 : f32
    %ge3A = arith.constant 0.000000e+00 : f32
    %ge3A_22 = vector.broadcast %ge3A : f32 to vector<2000x128xf32>
    %ge3A_23 = arith.cmpf oge, %add3A_21, %ge3A_22 : vector<2000x128xf32>
    %mul3A_24 = vector.broadcast %jit3A : f32 to vector<2000x128xf32>
    %mul3A_25 = arith.mulf %mul3A_24, %add3A_21 : vector<2000x128xf32>
    %select_n3A = arith.select %ge3A_23, %add3A_21, %mul3A_25 : vector<2000x128xi1>, vector<2000x128xf32>
    %swap3A = arith.constant 0 : index
    %swap3A_26 = arith.constant 0 : index
    %swap3A_27 = vector.load %arg6[%swap3A, %swap3A_26] : memref<2000x128xf32, #tpu.memory_space<vmem>>, vector<2000x128xf32>
    tpu.vector_store %arg6[%swap3A, %swap3A_26], %select_n3A {strides = array<i32>} : memref<2000x128xf32, #tpu.memory_space<vmem>>, vector<2000x128xf32>,
    %get3A_28 = arith.constant 0 : index
    %get3A_29 = arith.constant 0 : index
    %get3A_30 = vector.load %arg5[%get3A_28, %get3A_29] : memref<128x128xf32, #tpu.memory_space<vmem>>, vector<128x128xf32>
    %dot_general3A = arith.constant dense<0.000000e+00> : vector<2000x128xf32>
    %dot_general3A_31 = tpu.matmul %select_n3A, %get3A_30, %dot_general3A {dimension_numbers = #tpu.dot_dimension_numbers<[1], [0], [0], [1], [0, 0, 1, 1], [], []>, transpose_lhs_hint = false} : vector<2000x128xf32>, vector<128x128xf32>, vector<2000x128xf32> -> vector<2000x128xf32>
    %mul3A_32 = vector.broadcast %get3A_1 : vector<2000x1xf32> to vector<2000x128xf32>
    %mul3A_33 = arith.mulf %mul3A_32, %dot_general3A_31 : vector<2000x128xf32>
    %swap3A_34 = arith.constant 0 : index
    %swap3A_35 = arith.constant 0 : index
    %swap3A_36 = vector.load %arg7[%swap3A_34, %swap3A_35] : memref<2000x128xf32, #tpu.memory_space<vmem>>, vector<2000x128xf32>
    tpu.vector_store %arg7[%swap3A_34, %swap3A_35], %mul3A_33 {strides = array<i32>} : memref<2000x128xf32, #tpu.memory_space<vmem>>, vector<2000x128xf32>,
    return
  }
  func.func @transform_0(%arg0: i32) -> (i32, i32, i32) {
    %c0_i32 = arith.constant 0 : i32
    %c0_i32_0 = arith.constant 0 : i32
    %c0_i32_1 = arith.constant 0 : i32
    return %c0_i32, %arg0, %c0_i32_0 : i32, i32, i32
  }
  func.func @transform_1(%arg0: i32) -> (i32, i32) {
    %c0_i32 = arith.constant 0 : i32
    %c0_i32_0 = arith.constant 0 : i32
    return %arg0, %c0_i32 : i32, i32
  }
  func.func @transform_2(%arg0: i32) -> (i32, i32) {
    %c0_i32 = arith.constant 0 : i32
    %c0_i32_0 = arith.constant 0 : i32
    return %arg0, %c0_i32 : i32, i32
  }
  func.func @transform_3(%arg0: i32) -> (i32, i32) {
    %c0_i32 = arith.constant 0 : i32
    %c0_i32_0 = arith.constant 0 : i32
    %c0_i32_1 = arith.constant 0 : i32
    return %c0_i32, %c0_i32_0 : i32, i32
  }
  func.func @transform_4(%arg0: i32) -> (i32, i32) {
    %c0_i32 = arith.constant 0 : i32
    %c0_i32_0 = arith.constant 0 : i32
    %c0_i32_1 = arith.constant 0 : i32
    return %c0_i32, %c0_i32_0 : i32, i32
  }
  func.func @transform_5(%arg0: i32) -> (i32, i32) {
    %c0_i32 = arith.constant 0 : i32
    %c0_i32_0 = arith.constant 0 : i32
    return %arg0, %c0_i32 : i32, i32
  }
  func.func @transform_6(%arg0: i32) -> (i32, i32) {
    %c0_i32 = arith.constant 0 : i32
    %c0_i32_0 = arith.constant 0 : i32
    return %arg0, %c0_i32 : i32, i32
  }
}

module attributes {stable_mosaic.version = 14 : i64} {
  func.func @_head_body(%arg0: i32, %arg1: memref<2x2000x128xf32, #tpu.memory_space<vmem>>, %arg2: memref<2000x128xf32, #tpu.memory_space<vmem>>, %arg3: memref<2000x1xf32, #tpu.memory_space<vmem>>, %arg4: memref<1x128xf32, #tpu.memory_space<vmem>>, %arg5: memref<128x64xf32, #tpu.memory_space<vmem>>, %arg6: memref<1x64xf32, #tpu.memory_space<vmem>>, %arg7: memref<2000x128xf32, #tpu.memory_space<vmem>>, %arg8: memref<2000x64xf32, #tpu.memory_space<vmem>>) attributes {dimension_semantics = [#tpu.dimension_semantics<arbitrary>], iteration_bounds = array<i64: 5>, scalar_prefetch = 0 : i64, scratch_operands = 0 : i64, tpu.core_type = #tpu.core_type<tc>, window_params = [{transform_indices = @transform_0, window_bounds = array<i64: 2, 2000, 128>}, {transform_indices = @transform_1, window_bounds = array<i64: 2000, 128>}, {transform_indices = @transform_2, window_bounds = array<i64: 2000, 1>}, {pipeline_mode = #tpu.pipeline_mode<synchronous>, transform_indices = @transform_3, window_bounds = array<i64: 1, 128>}, {pipeline_mode = #tpu.pipeline_mode<synchronous>, transform_indices = @transform_4, window_bounds = array<i64: 128, 64>}, {pipeline_mode = #tpu.pipeline_mode<synchronous>, transform_indices = @transform_5, window_bounds = array<i64: 1, 64>}, {transform_indices = @transform_6, window_bounds = array<i64: 2000, 128>}, {transform_indices = @transform_7, window_bounds = array<i64: 2000, 64>}]} {
    %get3A = arith.constant 0 : index
    %get3A_0 = arith.constant 0 : index
    %get3A_1 = vector.load %arg3[%get3A, %get3A_0] : memref<2000x1xf32, #tpu.memory_space<vmem>>, vector<2000x1xf32>
    %get3A_2 = arith.constant 0 : index
    %get3A_3 = arith.constant 0 : index
    %get3A_4 = arith.constant 0 : index
    %get3A_5 = vector.load %arg1[%get3A_2, %get3A_3, %get3A_4] : memref<2x2000x128xf32, #tpu.memory_space<vmem>>, vector<1x2000x128xf32>
    %get3A_6 = vector.shape_cast %get3A_5 : vector<1x2000x128xf32> to vector<2000x128xf32>
    %get3A_7 = arith.constant 1 : index
    %get3A_8 = arith.constant 0 : index
    %get3A_9 = arith.constant 0 : index
    %get3A_10 = vector.load %arg1[%get3A_7, %get3A_8, %get3A_9] : memref<2x2000x128xf32, #tpu.memory_space<vmem>>, vector<1x2000x128xf32>
    %get3A_11 = vector.shape_cast %get3A_10 : vector<1x2000x128xf32> to vector<2000x128xf32>
    %add3A = arith.addf %get3A_6, %get3A_11 : vector<2000x128xf32>
    %get3A_12 = arith.constant 0 : index
    %get3A_13 = arith.constant 0 : index
    %get3A_14 = vector.load %arg2[%get3A_12, %get3A_13] : memref<2000x128xf32, #tpu.memory_space<vmem>>, vector<2000x128xf32>
    %add3A_15 = arith.addf %add3A, %get3A_14 : vector<2000x128xf32>
    %mul3A = vector.broadcast %get3A_1 : vector<2000x1xf32> to vector<2000x128xf32>
    %mul3A_16 = arith.mulf %mul3A, %add3A_15 : vector<2000x128xf32>
    %get3A_17 = arith.constant 0 : index
    %get3A_18 = arith.constant 0 : index
    %get3A_19 = vector.load %arg4[%get3A_17, %get3A_18] : memref<1x128xf32, #tpu.memory_space<vmem>>, vector<1x128xf32>
    %add3A_20 = vector.broadcast %get3A_19 : vector<1x128xf32> to vector<2000x128xf32>
    %add3A_21 = arith.addf %mul3A_16, %add3A_20 : vector<2000x128xf32>
    %jit3A = arith.constant 0.00999999977 : f32
    %ge3A = arith.constant 0.000000e+00 : f32
    %ge3A_22 = vector.broadcast %ge3A : f32 to vector<2000x128xf32>
    %ge3A_23 = arith.cmpf oge, %add3A_21, %ge3A_22 : vector<2000x128xf32>
    %mul3A_24 = vector.broadcast %jit3A : f32 to vector<2000x128xf32>
    %mul3A_25 = arith.mulf %mul3A_24, %add3A_21 : vector<2000x128xf32>
    %select_n3A = arith.select %ge3A_23, %add3A_21, %mul3A_25 : vector<2000x128xi1>, vector<2000x128xf32>
    %swap3A = arith.constant 0 : index
    %swap3A_26 = arith.constant 0 : index
    %swap3A_27 = vector.load %arg7[%swap3A, %swap3A_26] : memref<2000x128xf32, #tpu.memory_space<vmem>>, vector<2000x128xf32>
    tpu.vector_store %arg7[%swap3A, %swap3A_26], %select_n3A {strides = array<i32>} : memref<2000x128xf32, #tpu.memory_space<vmem>>, vector<2000x128xf32>,
    %get3A_28 = arith.constant 0 : index
    %get3A_29 = arith.constant 0 : index
    %get3A_30 = vector.load %arg5[%get3A_28, %get3A_29] : memref<128x64xf32, #tpu.memory_space<vmem>>, vector<128x64xf32>
    %dot_general3A = arith.constant dense<0.000000e+00> : vector<2000x64xf32>
    %dot_general3A_31 = tpu.matmul %select_n3A, %get3A_30, %dot_general3A {dimension_numbers = #tpu.dot_dimension_numbers<[1], [0], [0], [1], [0, 0, 1, 1], [], []>, transpose_lhs_hint = false} : vector<2000x128xf32>, vector<128x64xf32>, vector<2000x64xf32> -> vector<2000x64xf32>
    %get3A_32 = arith.constant 0 : index
    %get3A_33 = arith.constant 0 : index
    %get3A_34 = vector.load %arg6[%get3A_32, %get3A_33] : memref<1x64xf32, #tpu.memory_space<vmem>>, vector<1x64xf32>
    %add3A_35 = vector.broadcast %get3A_34 : vector<1x64xf32> to vector<2000x64xf32>
    %add3A_36 = arith.addf %dot_general3A_31, %add3A_35 : vector<2000x64xf32>
    %swap3A_37 = arith.constant 0 : index
    %swap3A_38 = arith.constant 0 : index
    %swap3A_39 = vector.load %arg8[%swap3A_37, %swap3A_38] : memref<2000x64xf32, #tpu.memory_space<vmem>>, vector<2000x64xf32>
    tpu.vector_store %arg8[%swap3A_37, %swap3A_38], %add3A_36 {strides = array<i32>} : memref<2000x64xf32, #tpu.memory_space<vmem>>, vector<2000x64xf32>,
    return
  }
  func.func @transform_0(%arg0: i32) -> (i32, i32, i32) {
    %c0_i32 = arith.constant 0 : i32
    %c0_i32_0 = arith.constant 0 : i32
    %c0_i32_1 = arith.constant 0 : i32
    return %c0_i32, %arg0, %c0_i32_0 : i32, i32, i32
  }
  func.func @transform_1(%arg0: i32) -> (i32, i32) {
    %c0_i32 = arith.constant 0 : i32
    %c0_i32_0 = arith.constant 0 : i32
    return %arg0, %c0_i32 : i32, i32
  }
  func.func @transform_2(%arg0: i32) -> (i32, i32) {
    %c0_i32 = arith.constant 0 : i32
    %c0_i32_0 = arith.constant 0 : i32
    return %arg0, %c0_i32 : i32, i32
  }
  func.func @transform_3(%arg0: i32) -> (i32, i32) {
    %c0_i32 = arith.constant 0 : i32
    %c0_i32_0 = arith.constant 0 : i32
    %c0_i32_1 = arith.constant 0 : i32
    return %c0_i32, %c0_i32_0 : i32, i32
  }
  func.func @transform_4(%arg0: i32) -> (i32, i32) {
    %c0_i32 = arith.constant 0 : i32
    %c0_i32_0 = arith.constant 0 : i32
    %c0_i32_1 = arith.constant 0 : i32
    return %c0_i32, %c0_i32_0 : i32, i32
  }
  func.func @transform_5(%arg0: i32) -> (i32, i32) {
    %c0_i32 = arith.constant 0 : i32
    %c0_i32_0 = arith.constant 0 : i32
    %c0_i32_1 = arith.constant 0 : i32
    return %c0_i32, %c0_i32_0 : i32, i32
  }
  func.func @transform_6(%arg0: i32) -> (i32, i32) {
    %c0_i32 = arith.constant 0 : i32
    %c0_i32_0 = arith.constant 0 : i32
    return %arg0, %c0_i32 : i32, i32
  }
  func.func @transform_7(%arg0: i32) -> (i32, i32) {
    %c0_i32 = arith.constant 0 : i32
    %c0_i32_0 = arith.constant 0 : i32
    return %arg0, %c0_i32 : i32, i32
  }
}

</mosaic_0001>

<sc_bundles>
// kernel: kernel.12.cloned.1.call-start
scs
__scs_entry_jumppad:
0x0: {  	(pc) =	sbr.rel $0x88, $3  }
0x1: {  	(tag) =	ssettag $0x0;
	lr =	simm.s32 $0x1  }
0x2: {  	[smem:$0x3F90] =	sst lr;
	_ =	strace $0xD0000000  }
0x3: {  	_ = 	snop  }
0x4: {  	_ = 	snop  }
0x5: {  	_ = 	snop  }
0x6: {  	_ = 	snop  }
0x7: {  	_ = 	snop  }
__scs_overlays_trampoline_lowered:
0x8: {  	[smem:$0x3F9F] =	sst s0  }
0x9: {  	[smem:$0x3FA0] =	sst s1  }
0xa: {  	[smem:$0x3FA1] =	sst s2  }
0xb: {  	[smem:$0x3FA2] =	sst s3  }
0xc: {  	[smem:$0x3FA3] =	sst s4  }
0xd: {  	[smem:$0x3FA4] =	sst s5  }
0xe: {  	[smem:$0x3FA5] =	sst s6  }
0xf: {  	[smem:$0x3FA6] =	sst s7  }
0x10: {  	[smem:$0x3FA7] =	sst s8  }
0x11: {  	[smem:$0x3FA8] =	sst s9;
	s0 =	simm.s32 @!p0 $0x0  }
0x12: {  	s1 =	sld [smem:$0x3F8E];
	s0 =	simm.s32 @p0 $0x1  }
0x13: {  	[smem:$0x3FA9] =	sst s0;
	s0 =	simm.s32 @!p1 $0x0  }
0x14: {  	s2 =	sld [smem:$0x3F8D];
	s0 =	simm.s32 @p1 $0x1  }
0x15: {  	[smem:$0x3FAA] =	sst s0;
	s0 =	simm.s32 @!p2 $0x0  }
0x16: {  	s3 =	sld [smem:$0x3FDB];
	s0 =	simm.s32 @p2 $0x1  }
0x17: {  	s4 =	simm.s32 $0x1BF5;
	[smem:$0x3FAC] =	sst s0  }
0x18: {  	s0 =	sld [smem:$0x3F8F];
	_ =	swait.ge [sflag:s4], $0x0  }
0x19: {  	s7 =	sld [smem:$0x3F90]  }
0x1a: {  	s8 =	sadd.s32 $0xFFFFE003, lr  }
0x1b: {  	s9 =	sadd.s32 $0xFFFFFEF7, lr;
	s5 =	simm.s32 $0xFFFFFFFF;
	p2 =	slt.u32 s8, $0xFFFFF086  }
0x1c: {  	p1 =	slt.u32 s9, $0xF7A;
	s5 =	simm.s32 @!p2 $0x0  }
0x1d: {  	s5 =	simm.s32 @p1 $0x1;
	p0 =	seq.s32 s7, s2  }
0x1e: {  	s7 =	smul.u32 @!p0 $0xF7A, s2;
	p2 =	seq.s32 @!p0 s5, $0x0  }
0x1f: {  	s9 =	smul.u32 $0xF7A, s1;
	s8 =	simm.s32 @!p0 $0x1BF5;
	p2 =	por !p2, p0  }
0x20: {  	[sflag:s8] =	ssyncset.s32 @!p0 $0xFFFFF086;
	s6 =	sadd.s32 @!p0 s3, s7;
	s7 =	simm.s32 @!p0 $0x108  }
0x21: {  	s3 =	sadd.s32 s3, s9;
	s6 =	sadd.s32 @!p0 $0x88, s6;
	s7 =	simm.s32 @p2 $0x1082  }
0x22: {  	[simem:s7], [sflag:s8] =	dma.local @!p0 [hbm:s6], $0xF7A  }
0x23: {  	s9 =	sor.u32 $0xD0000000, s2;
	s6 =	simm.s32 $0x108;
	_ =	swait.ge @!p0 [sflag:s8], $0x0  }
0x24: {  	s3 =	sadd.s32 $0x88, s3;
	s6 =	simm.s32 @!p1 $0x1082;
	[sflag:s4] =	ssyncset.s32 $0xFFFFF086  }
0x25: {  	[simem:s6], [sflag:s4] =	dma.local [hbm:s3], $0xF7A  }
0x26: {  	[smem:$0x3F90] =	sst s1;
	(tag) =	ssettag s2;
	_ =	strace s9  }
0x27: {  	s1 =	sld [smem:$0x3FA0]  }
0x28: {  	s2 =	sld [smem:$0x3FA1]  }
0x29: {  	s4 =	sld [smem:$0x3FA3]  }
0x2a: {  	p0 =	seq.s32 s5, $0x0;
	s5 =	sld [smem:$0x3FA4]  }
0x2b: {  	s6 =	sld [smem:$0x3FA5]  }
0x2c: {  	s7 =	sld [smem:$0x3FA6]  }
0x2d: {  	s3 =	simm.s32 $0x108;
	s8 =	sld [smem:$0x3FA7]  }
0x2e: {  	s3 =	simm.s32 @!p0 $0x1082;
	s9 =	sld [smem:$0x3FA8]  }
0x2f: {  	lr =	sadd.s32 s0, s3;
	s0 =	sld [smem:$0x3F9F]  }
0x30: {  	s3 =	sld [smem:$0x3FA2]  }
0x31: {  	[smem:$0x3FAB] =	sst s10  }
0x32: {  	s10 =	sld [smem:$0x3FA9];
	_ =	sdelay $0x3  }
0x33: {  	p0 =	seq.s32 s10, $0x1;
	s10 =	sld [smem:$0x3FAB];
	_ =	sdelay $0x3  }
0x34: {  	[smem:$0x3FAB] =	sst s10  }
0x35: {  	s10 =	sld [smem:$0x3FAA];
	_ =	sdelay $0x3  }
0x36: {  	p1 =	seq.s32 s10, $0x1;
	s10 =	sld [smem:$0x3FAB];
	_ =	sdelay $0x3  }
0x37: {  	[smem:$0x3FAB] =	sst s10  }
0x38: {  	s10 =	sld [smem:$0x3FAC]  }
0x39: {  	_ = 	snop;
	(pc) =	sbr.ind lr, $3  }
0x3a: {  	_ = 	snop  }
0x3b: {  	_ = 	snop  }
0x3c: {  	p2 =	seq.s32 s10, $0x1;
	s10 =	sld [smem:$0x3FAB]  }
0x3d: {  	_ =	shalt  }
0x3e: {  	_ =	shalt  }
0x3f: {  	_ =	shalt  }
0x40: {  	_ =	shalt  }
0x41: {  	_ =	shalt  }
0x42: {  	_ =	shalt  }
0x43: {  	_ =	shalt  }
0x44: {  	_ =	shalt  }
0x45: {  	_ =	shalt  }
0x46: {  	_ =	shalt  }
0x47: {  	_ =	shalt  }
0x48: {  	_ =	shalt  }
0x49: {  	_ =	shalt  }
0x4a: {  	_ =	shalt  }
0x4b: {  	_ =	shalt  }
0x4c: {  	_ =	shalt  }
0x4d: {  	_ =	shalt  }
0x4e: {  	_ =	shalt  }
0x4f: {  	_ =	shalt  }
0x50: {  	_ =	shalt  }
0x51: {  	_ =	shalt  }
0x52: {  	_ =	shalt  }
0x53: {  	_ =	shalt  }
0x54: {  	_ =	shalt  }
0x55: {  	_ =	shalt  }
0x56: {  	_ =	shalt  }
0x57: {  	_ =	shalt  }
0x58: {  	_ =	shalt  }
0x59: {  	_ =	shalt  }
0x5a: {  	_ =	shalt  }
0x5b: {  	_ =	shalt  }
0x5c: {  	_ =	shalt  }
0x5d: {  	_ =	shalt  }
0x5e: {  	_ =	shalt  }
0x5f: {  	_ =	shalt  }
0x60: {  	_ =	shalt  }
0x61: {  	_ =	shalt  }
0x62: {  	_ =	shalt  }
0x63: {  	_ =	shalt  }
0x64: {  	_ =	shalt  }
0x65: {  	_ =	shalt  }
0x66: {  	_ =	shalt  }
0x67: {  	_ =	shalt  }
0x68: {  	_ =	shalt  }
0x69: {  	_ =	shalt  }
0x6a: {  	_ =	shalt  }
0x6b: {  	_ =	shalt  }
0x6c: {  	_ =	shalt  }
0x6d: {  	_ =	shalt  }
0x6e: {  	_ =	shalt  }
0x6f: {  	_ =	shalt  }
0x70: {  	_ =	shalt  }
0x71: {  	_ =	shalt  }
0x72: {  	_ =	shalt  }
0x73: {  	_ =	shalt  }
0x74: {  	_ =	shalt  }
0x75: {  	_ =	shalt  }
0x76: {  	_ =	shalt  }
0x77: {  	_ =	shalt  }
0x78: {  	_ =	shalt  }
0x79: {  	_ =	shalt  }
0x7a: {  	_ =	shalt  }
0x7b: {  	_ =	shalt  }
0x7c: {  	_ =	shalt  }
0x7d: {  	_ =	shalt  }
0x7e: {  	_ =	shalt  }
0x7f: {  	_ =	shalt  }
0x80: {  	_ =	shalt  }
0x81: {  	_ =	shalt  }
0x82: {  	_ =	shalt  }
0x83: {  	_ =	shalt  }
0x84: {  	_ =	shalt  }
0x85: {  	_ =	shalt  }
0x86: {  	_ =	shalt  }
0x87: {  	_ =	shalt  }
.Lfunc_end0:
.L_simem_size_0:
called_computation.1_lowered:
.L_overlay_start_0:
0x88: {  	s2 =	sld [smem:$0x3FD9]  }
0x89: {  	s3 =	sld [smem:$0x3FFE];
	_ =	sdelay $0x1  }
0x8a: {  	s1 =	srdreg.scid  }
0x8b: {  	s0 =	sand.u32 $0x1, s1  }
0x8c: {  	s14 =	sshll.u32 s0, $0xA;
	s2 =	sadd.s32 s3, s2  }
0x8d: {  	s2 =	sadd.s32 s2, s14  }
0x8e: {  	[smem:$0x3FB7] =	sst s2  }
0x8f: {  	_ = 	snop  }
0x90: {  	s2 =	sld [smem:$0x3FD0];
	_ =	sdelay $0x2  }
0x91: {  	s15 =	simm.s32 $0xA;
	s4 =	simm.s32 $0x10  }
0x92: {  	[smem:s4], [sflag:s15] =	dma.local [hbm:s2], $0x1  }
0x93: {  	_ =	swait.eq [sflag:s15], $0x1  }
0x94: {  	[sflag:s15] =	ssyncset.done $0x0  }
0x95: {  	[sflag:s15] =	ssyncadd.s32 $0xFFFFFFFF  }
0x96: {  	s16 =	sld [smem:$0x13];
	(tm) =	ssettm $0x1  }
0x97: {  	s17 =	sld [smem:$0x3FFB];
	_ =	sdelay $0x3  }
0x98: {  	_ =	strace s17  }
0x99: {  	s3 =	sld [smem:$0x3FFC];
	_ =	sdelay $0x3  }
0x9a: {  	_ =	strace s3  }
0x9b: {  	s3 =	sld [smem:$0x3FFD];
	_ =	sdelay $0x3  }
0x9c: {  	_ =	strace s3  }
0x9d: {  	_ =	strace $0x8FFFFFFF  }
0x9e: {  	s18 =	sld [smem:$0x3FDB];
	_ =	sdelay $0x1  }
0x9f: {  	s19 =	simm.s32 $_scs_section_size  }
0xa0: {  	s5 =	simm.s32 $_size__tile_overlayer_lowered;
	s6 =	simm.s32 $_tile_overlayer_lowered  }
0xa1: {  	s22 =	simm.s32 $0x1BFF;
	s21 =	sshll.u32 s6, $0x1;
	s3 =	sadd.s32 s19, s18  }
0xa2: {  	s7 =	simm.s32 $0x0;
	s20 =	sshll.u32 s5, $0x1;
	s5 =	sadd.s32 s21, s3  }
0xa3: {  	[timem:s7], [sflag:s22] =	dma.local [hbm:s5], s20  }
0xa4: {  	_ =	swait.ge [sflag:s22], s20  }
0xa5: {  	s4 =	ssub.s32 $0x0, s20;
	[sflag:s22] =	ssyncset.done $0x0  }
0xa6: {  	[sflag:s22] =	ssyncadd.s32 s4;
	_ =	sdelay $0x1  }
0xa7: {  	s23 =	simm.s32 $0x1B8B  }
0xa8: {  	_ =	swait.ge [sflag:s23], $0x1  }
0xa9: {  	[sflag:s23] =	ssyncset.done $0x0  }
0xaa: {  	s25 =	simm.s32 $0x1B8E;
	s24 =	sld [smem:$0x3FFE];
	[sflag:s23] =	ssyncadd.s32 $0xFFFFFFFF  }
0xab: {  	s26 =	simm.s32 $execute0_lowered;
	[smem:$0x3FD2] =	sst s25  }
0xac: {  	s5 =	sshll.u32 s26, $0x1;
	_ =	strace $0x80000049;
	[dreg:$0x1] =	wrdreg $0xFFFFFFFF  }
0xad: {  	s28 =	simm.s32 $_size_execute0_lowered;
	s3 =	sadd.s32 s3, s5;
	[dreg:$0x0] =	wrdreg $0x0  }
0xae: {  	s5 =	sshll.u32 s28, $0x1;
	[dreg:$0x2] =	wrdreg s3  }
0xaf: {  	[dreg:$0x3] =	wrdreg s5  }
0xb0: {  	[dreg:$0x4] =	wrdreg $0xC0  }
0xb1: {  	_ =	task [dreg:s7], $0x5FFFF  }
0xb2: {  	[dreg:$0x1] =	wrdreg $0xFFFFFFFF  }
0xb3: {  	[dreg:$0x0] =	wrdreg $0x60  }
0xb4: {  	[dreg:$0x2] =	wrdreg s16  }
0xb5: {  	[dreg:$0x3] =	wrdreg s24  }
0xb6: {  	[dreg:$0x4] =	wrdreg $0x140000  }
0xb7: {  	[dreg:$0x5] =	wrdreg $0x9  }
0xb8: {  	_ =	task.clear_ibuf [dreg:s7], $0x6FFFF;
	_ =	strace $0x90000049  }
0xb9: {  	s29 =	simm.s32 $0x9;
	_ =	strace $0x8000004B  }
0xba: {  	_ =	swait.ge [sflag:s29], $0x1  }
0xbb: {  	[sflag:s29] =	ssyncadd.s32 $0xFFFFFFFF  }
0xbc: {  	_ =	strace $0x9000004B  }
0xbd: {  	_ =	sfence  }
0xbe: {  	s30 =	sld [smem:$0x0];
	_ =	sdelay $0x2  }
0xbf: {  	s31 =	sshll.u32 s1, $0xD;
	s1 =	sshrl.u32 s1, $0x2  }
0xc0: {  	s3 =	sand.u32 $0x4000, s31;
	s1 =	sadd.s32 s1, s30  }
0xc1: {  	s0 =	sor.u32 s3, s0;
	s1 =	sshll.u32 s1, $0x11  }
0xc2: {  	s0 =	sor.u32 s1, s0  }
0xc3: {  	s0 =	sadd.s32 $0x8F2B, s0  }
0xc4: {  	[sflag:s0] =	ssyncadd.remote.s32 $0x1  }
0xc5: {  	_ =	sfence.sel $0xFFFF  }
0xc6: {  	[dreg:$0x0] =	wrdreg $0xFFFFFFFF;
	(pc) =	sbr.abs _section_cstart, $3  }
0xc7: {  	[dreg:$0x1] =	wrdreg $0xFFFFFFFF  }
0xc8: {  	_ =	task.clear_ibuf [dreg:s7], $0x2FFFF;
	_ =	strace $0x9FFFFFFF  }
0xc9: {  	(tm) =	ssettm $0x7FFFFFFF  }
tec
execute0_lowered:
.L_overlay_start_1:
0x0: {  	(tag) =	ssettag $0x1  }
0x1: {  	s2 =	srdreg.scid;
	s1 =	rddreg [dreg:$0x0]  }
0x2: {  	s0 =	stileid.u32;
	s5 =	rddreg [dreg:$0x1];
	s25 =	simm.s32 $0x0  }
0x3: {  	s17 =	simm.s32 $0x5;
	s18 =	simm.s32 $0x5000;
	s19 =	simm.s32 $0x12000  }
0x4: {  	s20 =	simm.s32 $0x7D;
	s21 =	simm.s32 $0xA000;
	s22 =	simm.s32 $0xE000  }
0x5: {  	s23 =	simm.s32 $0x1;
	s24 =	simm.s32 $0x2;
	s28 =	simm.s32 $0x0  }
0x6: {  	s2 =	sand.u32 $0x1, s2;
	s3 =	sshll.u32 s0, $0x1;
	s8 =	smul.u32 $0x6C00, s0  }
0x7: {  	[smem:$0x7FF] =	sst s25;
	s26 =	smul.u32 $0x1B000, s0;
	s25 =	simm.s32 $0x3  }
0x8: {  	s4 =	sor.u32 s2, s3;
	s3 =	rddreg [dreg:$0x2];
	s7 =	smul.u32 $0x144000, s2  }
0x9: {  	_ =	strace $0x8000004A;
	s2 =	ssub.s32 $0x2, s2;
	s6 =	smul.u32 $0x5000, s4  }
0xa: {  	s30 =	sshrl.u32 s2, $0x1;
	s31 =	sshrl.u32 s26, $0x2;
	s26 =	simm.s32 $0x4  }
0xb: {  	s7 =	sadd.s32 s8, s7;
	s2 =	ssub.s32 s2, s30;
	s6 =	sshrl.u32 s6, $0x3  }
0xc: {  	s29 =	sshrl.u32 s7, $0x3;
	s16 =	smax.u32 s2, $0x1;
	s14 =	sadd.s32 s6, s5  }
0xd: {  	s15 =	sadd.s32 s29, s5;
	s6 =	sadd.s32 s31, s3;
	s5 =	sadd.s32 $0x5200, s14  }
0xe: {  	s7 =	sadd.s32 $0x19200, s14;
	s8 =	sadd.s32 $0x2000, s6;
	s9 =	sadd.s32 $0x4000, s6  }
0xf: {  	s10 =	sadd.s32 $0x6000, s6;
	s11 =	sadd.s32 $0x55200, s15;
	s12 =	sadd.s32 $0x2D200, s14  }
0x10: {  	v0 =	vimm.f32 $0.0e+00;
	s13 =	sadd.s32 $0x62A00, s15;
	s14 =	sadd.s32 $0x41200, s14;
	s15 =	sadd.s32 $0x70200, s15  }
.LBB2_1:
0x11: {  	s0 =	simm.s32 $0x0  }
0x12: {  	[tilespmem:s0], [sflag:$0x5] =	stream.linear.gather [hbm4b:s5+s0], $0x5000, $0x38;
	[tilespmem:$0x1AC00] =	vst v63  }
0x13: {  	_ =	swait.ge [sflag:s17], $0x5000  }
0x14: {  	[sflag:s17] =	ssyncset.done $0x0  }
0x15: {  	s29 =	simm.s32 $0x0;
	s30 =	simm.s32 $0x200;
	[sflag:s17] =	ssyncadd.s32 $0xFFFFB000  }
.LBB2_2:
0x16: {  	p0 =	sne.s32 s30, $0x7E00;
	[tilespmem:s29+$0x12070] =	vst v0  }
0x17: {  	[tilespmem:s29+$0x12000] =	vst v0  }
0x18: {  	[tilespmem:s29+$0x12010] =	vst v0  }
.Ltmp0:
0x19: {  	[tilespmem:s29+$0x12020] =	vst v0;
	(pc) =	sbr.rel @p0 .LBB2_2-.Ltmp0, $4  }
0x1a: {  	[tilespmem:s29+$0x12030] =	vst v0  }
0x1b: {  	[tilespmem:s29+$0x12040] =	vst v0  }
0x1c: {  	[tilespmem:s29+$0x12050] =	vst v0  }
0x1d: {  	[tilespmem:s29+$0x12060] =	vst v0;
	s29 =	sshra.s32 s30, $0x2;
	s30 =	sadd.s32 $0x200, s30  }
0x1e: {  	[tilespmem:s29+$0x12070] =	vst v0  }
0x1f: {  	[tilespmem:s29+$0x12000] =	vst v0  }
0x20: {  	[tilespmem:s29+$0x12010] =	vst v0  }
0x21: {  	[tilespmem:s29+$0x12020] =	vst v0  }
0x22: {  	[tilespmem:s29+$0x12030] =	vst v0  }
0x23: {  	[tilespmem:s29+$0x12040] =	vst v0  }
0x24: {  	[tilespmem:s29+$0x12050] =	vst v0  }
0x25: {  	[tilespmem:s29+$0x12060] =	vst v0;
	s2 =	simm.s32 $0x0  }
0x26: {  	[tilespmem:s18], [sflag:$0x5] =	stream.linear.gather [hbm4b:s7+s2], $0x5000, $0x38;
	[tilespmem:$0x1AC00] =	vst v63  }
0x27: {  	_ =	swait.ge [sflag:s17], $0x5000  }
0x28: {  	[sflag:s17] =	ssyncset.done $0x0  }
0x29: {  	[sflag:s17] =	ssyncadd.s32 $0xFFFFB000  }
0x2a: {  	[spmem:s6] =	stream.linear.scatter [tilespmem:s19], [sflag:$0x5], $0x2000, $0x38;
	[tilespmem:$0x1AC00] =	vst v63  }
0x2b: {  	_ =	swait.ge [sflag:s17], $0x2000  }
0x2c: {  	[sflag:s17] =	ssyncset.done $0x0  }
0x2d: {  	[sflag:s17] =	ssyncadd.s32 $0xFFFFE000  }
0x2e: {  	[spmem:s8] =	stream.linear.scatter [tilespmem:s19], [sflag:$0x5], $0x2000, $0x38;
	[tilespmem:$0x1AC00] =	vst v63  }
0x2f: {  	_ =	swait.ge [sflag:s17], $0x2000  }
0x30: {  	[sflag:s17] =	ssyncset.done $0x0  }
0x31: {  	[sflag:s17] =	ssyncadd.s32 $0xFFFFE000  }
0x32: {  	[spmem:s9] =	stream.linear.scatter [tilespmem:s19], [sflag:$0x5], $0x2000, $0x38;
	[tilespmem:$0x1AC00] =	vst v63  }
0x33: {  	_ =	swait.ge [sflag:s17], $0x2000  }
0x34: {  	[sflag:s17] =	ssyncset.done $0x0  }
0x35: {  	[sflag:s17] =	ssyncadd.s32 $0xFFFFE000  }
0x36: {  	[spmem:s10] =	stream.linear.scatter [tilespmem:s19], [sflag:$0x5], $0xC00, $0x38;
	[tilespmem:$0x1AC00] =	vst v63  }
0x37: {  	_ =	swait.ge [sflag:s17], $0xC00  }
0x38: {  	[sflag:s17] =	ssyncset.done $0x0  }
0x39: {  	[sflag:s17] =	ssyncadd.s32 $0xFFFFF400  }
0x3a: {  	s31 =	simm.s32 $0x0;
	[bflag:$0x0] =	sbarrier.arrive $0xFFFF  }
0x3b: {  	[tilespmem:s21], [sflag:$0x1] =	stream.indirect.gather [hbm4b:s1+s20], $0x80, s31, s20, $0xb8;
	[tilespmem:$0x1AC00] =	vst v63  }
0x3c: {  	s0 =	simm.s32 $0x80  }
0x3d: {  	[tilespmem:s22], [sflag:$0x2] =	stream.indirect.gather [hbm4b:s1+s20], $0x80, s0, s20, $0xb8;
	[tilespmem:$0x1AC00] =	vst v63  }
0x3e: {  	_ =	swait.ge [sflag:s23], $0x3E80  }
0x3f: {  	[sflag:s23] =	ssyncset.done $0x0  }
0x40: {  	s4 =	simm.s32 $0x5000;
	[sflag:s23] =	ssyncadd.s32 $0xFFFFC180  }
0x41: {  	[spmem:s3] =	stream.indirect.scatter.add.f32 [tilespmem:s21], [sflag:$0x3], $0x80, s4, s20, $0xb8;
	[tilespmem:$0x1AC00] =	vst v63  }
0x42: {  	_ =	swait.ge [sflag:s24], $0x3E80  }
0x43: {  	[sflag:s24] =	ssyncset.done $0x0  }
0x44: {  	s31 =	simm.s32 $0x5080;
	[sflag:s24] =	ssyncadd.s32 $0xFFFFC180  }
0x45: {  	[spmem:s3] =	stream.indirect.scatter.add.f32 [tilespmem:s22], [sflag:$0x4], $0x80, s31, s20, $0xb8;
	[tilespmem:$0x1AC00] =	vst v63  }
0x46: {  	_ =	swait.ge [sflag:s25], $0x3E80  }
0x47: {  	[sflag:s25] =	ssyncset.done $0x0  }
0x48: {  	[sflag:s25] =	ssyncadd.s32 $0xFFFFC180  }
0x49: {  	_ =	swait.ge [sflag:s26], $0x3E80  }
0x4a: {  	s29 =	simm.s32 $0x400;
	s30 =	simm.s32 $0x800;
	[sflag:s26] =	ssyncset.done $0x0  }
.LBB2_4:
0x4b: {  	s2 =	sshra.s32 s29, $0x2  }
0x4c: {  	[sflag:s26] =	ssyncadd.s32 $0xFFFFC180;
	s29 =	smov.u32 s30;
	s31 =	sadd.s32 $0x400, s30  }
0x4d: {  	[tilespmem:s21], [sflag:$0x1] =	stream.indirect.gather [hbm4b:s1+s20], $0x80, s2, s20, $0xb8;
	[tilespmem:$0x1AC00] =	vst v63  }
0x4e: {  	p0 =	sne.s32 s30, $0x13C00;
	s30 =	sadd.s32 $0x80, s2  }
0x4f: {  	[tilespmem:s22], [sflag:$0x2] =	stream.indirect.gather [hbm4b:s1+s20], $0x80, s30, s20, $0xb8;
	[tilespmem:$0x1AC00] =	vst v63  }
0x50: {  	_ =	swait.ge [sflag:s23], $0x3E80  }
0x51: {  	[sflag:s23] =	ssyncset.done $0x0  }
0x52: {  	s30 =	sadd.s32 $0x5000, s2;
	[sflag:s23] =	ssyncadd.s32 $0xFFFFC180  }
0x53: {  	[spmem:s3] =	stream.indirect.scatter.add.f32 [tilespmem:s21], [sflag:$0x3], $0x80, s30, s20, $0xb8;
	[tilespmem:$0x1AC00] =	vst v63  }
0x54: {  	_ =	swait.ge [sflag:s24], $0x3E80  }
0x55: {  	[sflag:s24] =	ssyncset.done $0x0  }
0x56: {  	s2 =	sadd.s32 $0x5080, s2;
	[sflag:s24] =	ssyncadd.s32 $0xFFFFC180  }
0x57: {  	[spmem:s3] =	stream.indirect.scatter.add.f32 [tilespmem:s22], [sflag:$0x4], $0x80, s2, s20, $0xb8;
	[tilespmem:$0x1AC00] =	vst v63  }
.Ltmp1:
0x58: {  	_ =	swait.ge [sflag:s25], $0x3E80;
	(pc) =	sbr.rel @p0 .LBB2_4-.Ltmp1, $4  }
0x59: {  	[sflag:s25] =	ssyncset.done $0x0  }
0x5a: {  	[sflag:s25] =	ssyncadd.s32 $0xFFFFC180  }
0x5b: {  	_ =	swait.ge [sflag:s26], $0x3E80  }
0x5c: {  	s30 =	smov.u32 s31;
	[sflag:s26] =	ssyncset.done $0x0  }
0x5d: {  	s2 =	sshra.s32 s29, $0x2;
	[sflag:s26] =	ssyncadd.s32 $0xFFFFC180  }
0x5e: {  	[tilespmem:s21], [sflag:$0x1] =	stream.indirect.gather [hbm4b:s1+s20], $0x80, s2, s20, $0xb8;
	[tilespmem:$0x1AC00] =	vst v63  }
0x5f: {  	s29 =	sadd.s32 $0x80, s2  }
0x60: {  	[tilespmem:s22], [sflag:$0x2] =	stream.indirect.gather [hbm4b:s1+s20], $0x80, s29, s20, $0xb8;
	[tilespmem:$0x1AC00] =	vst v63  }
0x61: {  	_ =	swait.ge [sflag:s23], $0x3E80  }
0x62: {  	[sflag:s23] =	ssyncset.done $0x0  }
0x63: {  	s29 =	sadd.s32 $0x5000, s2;
	[sflag:s23] =	ssyncadd.s32 $0xFFFFC180  }
0x64: {  	[spmem:s3] =	stream.indirect.scatter.add.f32 [tilespmem:s21], [sflag:$0x3], $0x80, s29, s20, $0xb8;
	[tilespmem:$0x1AC00] =	vst v63  }
0x65: {  	_ =	swait.ge [sflag:s24], $0x3E80  }
0x66: {  	[sflag:s24] =	ssyncset.done $0x0  }
0x67: {  	s2 =	sadd.s32 $0x5080, s2;
	[sflag:s24] =	ssyncadd.s32 $0xFFFFC180  }
0x68: {  	[spmem:s3] =	stream.indirect.scatter.add.f32 [tilespmem:s22], [sflag:$0x4], $0x80, s2, s20, $0xb8;
	[tilespmem:$0x1AC00] =	vst v63  }
0x69: {  	_ =	swait.ge [sflag:s25], $0x3E80  }
0x6a: {  	[sflag:s25] =	ssyncset.done $0x0  }
0x6b: {  	[sflag:s25] =	ssyncadd.s32 $0xFFFFC180  }
0x6c: {  	_ =	swait.ge [sflag:s26], $0x3E80  }
0x6d: {  	s0 =	stileid.u32;
	[sflag:s26] =	ssyncset.done $0x0  }
0x6e: {  	s0 =	sshll.u32 s0, $0x6;
	[sflag:s26] =	ssyncadd.s32 $0xFFFFC180  }
0x6f: {  	s30 =	sshrl.u32 s6, $0x3;
	s29 =	sor.u32 $0x1C05, s0;
	[bflag:$0x0] =	sbarrier.arrive $0xFFFF  }
0x70: {  	[hbm:s11], [sflag:s29] =	dma.local [spmem:s30], $0xD80  }
0x71: {  	_ =	swait.ge [sflag:s17], $0xD80  }
0x72: {  	[sflag:s17] =	ssyncset.done $0x0  }
0x73: {  	s4 =	simm.s32 $0x0;
	[sflag:s17] =	ssyncadd.s32 $0xFFFFF280  }
0x74: {  	[tilespmem:s18], [sflag:$0x5] =	stream.linear.gather [hbm4b:s12+s4], $0x5000, $0x38;
	[tilespmem:$0x1AC00] =	vst v63  }
0x75: {  	_ =	swait.ge [sflag:s17], $0x5000  }
0x76: {  	[sflag:s17] =	ssyncset.done $0x0  }
0x77: {  	[sflag:s17] =	ssyncadd.s32 $0xFFFFB000  }
0x78: {  	[spmem:s6] =	stream.linear.scatter [tilespmem:s19], [sflag:$0x5], $0x2000, $0x38;
	[tilespmem:$0x1AC00] =	vst v63  }
0x79: {  	_ =	swait.ge [sflag:s17], $0x2000  }
0x7a: {  	[sflag:s17] =	ssyncset.done $0x0  }
0x7b: {  	[sflag:s17] =	ssyncadd.s32 $0xFFFFE000  }
0x7c: {  	[spmem:s8] =	stream.linear.scatter [tilespmem:s19], [sflag:$0x5], $0x2000, $0x38;
	[tilespmem:$0x1AC00] =	vst v63  }
0x7d: {  	_ =	swait.ge [sflag:s17], $0x2000  }
0x7e: {  	[sflag:s17] =	ssyncset.done $0x0  }
0x7f: {  	[sflag:s17] =	ssyncadd.s32 $0xFFFFE000  }
0x80: {  	[spmem:s9] =	stream.linear.scatter [tilespmem:s19], [sflag:$0x5], $0x2000, $0x38;
	[tilespmem:$0x1AC00] =	vst v63  }
0x81: {  	_ =	swait.ge [sflag:s17], $0x2000  }
0x82: {  	[sflag:s17] =	ssyncset.done $0x0  }
0x83: {  	[sflag:s17] =	ssyncadd.s32 $0xFFFFE000  }
0x84: {  	[spmem:s10] =	stream.linear.scatter [tilespmem:s19], [sflag:$0x5], $0xC00, $0x38;
	[tilespmem:$0x1AC00] =	vst v63  }
0x85: {  	_ =	swait.ge [sflag:s17], $0xC00  }
0x86: {  	[sflag:s17] =	ssyncset.done $0x0  }
0x87: {  	[sflag:s17] =	ssyncadd.s32 $0xFFFFF400  }
0x88: {  	s0 =	simm.s32 $0x0;
	[bflag:$0x0] =	sbarrier.arrive $0xFFFF  }
0x89: {  	[tilespmem:s21], [sflag:$0x1] =	stream.indirect.gather [hbm4b:s1+s20], $0x80, s0, s20, $0xb8;
	[tilespmem:$0x1AC00] =	vst v63  }
0x8a: {  	s4 =	simm.s32 $0x80  }
0x8b: {  	[tilespmem:s22], [sflag:$0x2] =	stream.indirect.gather [hbm4b:s1+s20], $0x80, s4, s20, $0xb8;
	[tilespmem:$0x1AC00] =	vst v63  }
0x8c: {  	_ =	swait.ge [sflag:s23], $0x3E80  }
0x8d: {  	[sflag:s23] =	ssyncset.done $0x0  }
0x8e: {  	s0 =	simm.s32 $0x5000;
	[sflag:s23] =	ssyncadd.s32 $0xFFFFC180  }
0x8f: {  	[spmem:s3] =	stream.indirect.scatter.add.f32 [tilespmem:s21], [sflag:$0x3], $0x80, s0, s20, $0xb8;
	[tilespmem:$0x1AC00] =	vst v63  }
0x90: {  	_ =	swait.ge [sflag:s24], $0x3E80  }
0x91: {  	[sflag:s24] =	ssyncset.done $0x0  }
0x92: {  	s4 =	simm.s32 $0x5080;
	[sflag:s24] =	ssyncadd.s32 $0xFFFFC180  }
0x93: {  	[spmem:s3] =	stream.indirect.scatter.add.f32 [tilespmem:s22], [sflag:$0x4], $0x80, s4, s20, $0xb8;
	[tilespmem:$0x1AC00] =	vst v63  }
0x94: {  	_ =	swait.ge [sflag:s25], $0x3E80  }
0x95: {  	[sflag:s25] =	ssyncset.done $0x0  }
0x96: {  	[sflag:s25] =	ssyncadd.s32 $0xFFFFC180  }
0x97: {  	_ =	swait.ge [sflag:s26], $0x3E80  }
0x98: {  	s31 =	simm.s32 $0x400;
	s2 =	simm.s32 $0x800;
	[sflag:s26] =	ssyncset.done $0x0  }
.LBB2_6:
0x99: {  	s4 =	sshra.s32 s31, $0x2  }
0x9a: {  	[sflag:s26] =	ssyncadd.s32 $0xFFFFC180;
	s31 =	smov.u32 s2;
	s0 =	sadd.s32 $0x400, s2  }
0x9b: {  	[tilespmem:s21], [sflag:$0x1] =	stream.indirect.gather [hbm4b:s1+s20], $0x80, s4, s20, $0xb8;
	[tilespmem:$0x1AC00] =	vst v63  }
0x9c: {  	p0 =	sne.s32 s2, $0x13C00;
	s2 =	sadd.s32 $0x80, s4  }
0x9d: {  	[tilespmem:s22], [sflag:$0x2] =	stream.indirect.gather [hbm4b:s1+s20], $0x80, s2, s20, $0xb8;
	[tilespmem:$0x1AC00] =	vst v63  }
0x9e: {  	_ =	swait.ge [sflag:s23], $0x3E80  }
0x9f: {  	[sflag:s23] =	ssyncset.done $0x0  }
0xa0: {  	s2 =	sadd.s32 $0x5000, s4;
	[sflag:s23] =	ssyncadd.s32 $0xFFFFC180  }
0xa1: {  	[spmem:s3] =	stream.indirect.scatter.add.f32 [tilespmem:s21], [sflag:$0x3], $0x80, s2, s20, $0xb8;
	[tilespmem:$0x1AC00] =	vst v63  }
0xa2: {  	_ =	swait.ge [sflag:s24], $0x3E80  }
0xa3: {  	[sflag:s24] =	ssyncset.done $0x0  }
0xa4: {  	s2 =	sadd.s32 $0x5080, s4;
	[sflag:s24] =	ssyncadd.s32 $0xFFFFC180  }
0xa5: {  	[spmem:s3] =	stream.indirect.scatter.add.f32 [tilespmem:s22], [sflag:$0x4], $0x80, s2, s20, $0xb8;
	[tilespmem:$0x1AC00] =	vst v63  }
.Ltmp2:
0xa6: {  	_ =	swait.ge [sflag:s25], $0x3E80;
	(pc) =	sbr.rel @p0 .LBB2_6-.Ltmp2, $4  }
0xa7: {  	[sflag:s25] =	ssyncset.done $0x0  }
0xa8: {  	[sflag:s25] =	ssyncadd.s32 $0xFFFFC180  }
0xa9: {  	_ =	swait.ge [sflag:s26], $0x3E80  }
0xaa: {  	s2 =	smov.u32 s0;
	[sflag:s26] =	ssyncset.done $0x0  }
0xab: {  	s0 =	sshra.s32 s31, $0x2;
	[sflag:s26] =	ssyncadd.s32 $0xFFFFC180  }
0xac: {  	[tilespmem:s21], [sflag:$0x1] =	stream.indirect.gather [hbm4b:s1+s20], $0x80, s0, s20, $0xb8;
	[tilespmem:$0x1AC00] =	vst v63  }
0xad: {  	s2 =	sadd.s32 $0x80, s0  }
0xae: {  	[tilespmem:s22], [sflag:$0x2] =	stream.indirect.gather [hbm4b:s1+s20], $0x80, s2, s20, $0xb8;
	[tilespmem:$0x1AC00] =	vst v63  }
0xaf: {  	_ =	swait.ge [sflag:s23], $0x3E80  }
0xb0: {  	[sflag:s23] =	ssyncset.done $0x0  }
0xb1: {  	s4 =	sadd.s32 $0x5000, s0;
	[sflag:s23] =	ssyncadd.s32 $0xFFFFC180  }
0xb2: {  	[spmem:s3] =	stream.indirect.scatter.add.f32 [tilespmem:s21], [sflag:$0x3], $0x80, s4, s20, $0xb8;
	[tilespmem:$0x1AC00] =	vst v63  }
0xb3: {  	_ =	swait.ge [sflag:s24], $0x3E80  }
0xb4: {  	[sflag:s24] =	ssyncset.done $0x0  }
0xb5: {  	s0 =	sadd.s32 $0x5080, s0;
	[sflag:s24] =	ssyncadd.s32 $0xFFFFC180  }
0xb6: {  	[spmem:s3] =	stream.indirect.scatter.add.f32 [tilespmem:s22], [sflag:$0x4], $0x80, s0, s20, $0xb8;
	[tilespmem:$0x1AC00] =	vst v63  }
0xb7: {  	_ =	swait.ge [sflag:s25], $0x3E80  }
0xb8: {  	[sflag:s25] =	ssyncset.done $0x0  }
0xb9: {  	[sflag:s25] =	ssyncadd.s32 $0xFFFFC180  }
0xba: {  	_ =	swait.ge [sflag:s26], $0x3E80  }
0xbb: {  	[sflag:s26] =	ssyncset.done $0x0  }
0xbc: {  	[sflag:s26] =	ssyncadd.s32 $0xFFFFC180  }
0xbd: {  	[bflag:$0x0] =	sbarrier.arrive $0xFFFF  }
0xbe: {  	[hbm:s13], [sflag:s29] =	dma.local [spmem:s30], $0xD80  }
0xbf: {  	_ =	swait.ge [sflag:s17], $0xD80  }
0xc0: {  	[sflag:s17] =	ssyncset.done $0x0  }
0xc1: {  	s4 =	simm.s32 $0x0;
	[sflag:s17] =	ssyncadd.s32 $0xFFFFF280  }
0xc2: {  	[tilespmem:s18], [sflag:$0x5] =	stream.linear.gather [hbm4b:s14+s4], $0x5000, $0x38;
	[tilespmem:$0x1AC00] =	vst v63  }
0xc3: {  	_ =	swait.ge [sflag:s17], $0x5000  }
0xc4: {  	[sflag:s17] =	ssyncset.done $0x0  }
0xc5: {  	[sflag:s17] =	ssyncadd.s32 $0xFFFFB000  }
0xc6: {  	[spmem:s6] =	stream.linear.scatter [tilespmem:s19], [sflag:$0x5], $0x2000, $0x38;
	[tilespmem:$0x1AC00] =	vst v63  }
0xc7: {  	_ =	swait.ge [sflag:s17], $0x2000  }
0xc8: {  	[sflag:s17] =	ssyncset.done $0x0  }
0xc9: {  	[sflag:s17] =	ssyncadd.s32 $0xFFFFE000  }
0xca: {  	[spmem:s8] =	stream.linear.scatter [tilespmem:s19], [sflag:$0x5], $0x2000, $0x38;
	[tilespmem:$0x1AC00] =	vst v63  }
0xcb: {  	_ =	swait.ge [sflag:s17], $0x2000  }
0xcc: {  	[sflag:s17] =	ssyncset.done $0x0  }
0xcd: {  	[sflag:s17] =	ssyncadd.s32 $0xFFFFE000  }
0xce: {  	[spmem:s9] =	stream.linear.scatter [tilespmem:s19], [sflag:$0x5], $0x2000, $0x38;
	[tilespmem:$0x1AC00] =	vst v63  }
0xcf: {  	_ =	swait.ge [sflag:s17], $0x2000  }
0xd0: {  	[sflag:s17] =	ssyncset.done $0x0  }
0xd1: {  	[sflag:s17] =	ssyncadd.s32 $0xFFFFE000  }
0xd2: {  	[spmem:s10] =	stream.linear.scatter [tilespmem:s19], [sflag:$0x5], $0xC00, $0x38;
	[tilespmem:$0x1AC00] =	vst v63  }
0xd3: {  	_ =	swait.ge [sflag:s17], $0xC00  }
0xd4: {  	[sflag:s17] =	ssyncset.done $0x0  }
0xd5: {  	[sflag:s17] =	ssyncadd.s32 $0xFFFFF400  }
0xd6: {  	s2 =	simm.s32 $0x0;
	[bflag:$0x0] =	sbarrier.arrive $0xFFFF  }
0xd7: {  	[tilespmem:s21], [sflag:$0x1] =	stream.indirect.gather [hbm4b:s1+s20], $0x80, s2, s20, $0xb8;
	[tilespmem:$0x1AC00] =	vst v63  }
0xd8: {  	s4 =	simm.s32 $0x80  }
0xd9: {  	[tilespmem:s22], [sflag:$0x2] =	stream.indirect.gather [hbm4b:s1+s20], $0x80, s4, s20, $0xb8;
	[tilespmem:$0x1AC00] =	vst v63  }
0xda: {  	_ =	swait.ge [sflag:s23], $0x3E80  }
0xdb: {  	[sflag:s23] =	ssyncset.done $0x0  }
0xdc: {  	s2 =	simm.s32 $0x5000;
	[sflag:s23] =	ssyncadd.s32 $0xFFFFC180  }
0xdd: {  	[spmem:s3] =	stream.indirect.scatter.add.f32 [tilespmem:s21], [sflag:$0x3], $0x80, s2, s20, $0xb8;
	[tilespmem:$0x1AC00] =	vst v63  }
0xde: {  	_ =	swait.ge [sflag:s24], $0x3E80  }
0xdf: {  	[sflag:s24] =	ssyncset.done $0x0  }
0xe0: {  	s4 =	simm.s32 $0x5080;
	[sflag:s24] =	ssyncadd.s32 $0xFFFFC180  }
0xe1: {  	[spmem:s3] =	stream.indirect.scatter.add.f32 [tilespmem:s22], [sflag:$0x4], $0x80, s4, s20, $0xb8;
	[tilespmem:$0x1AC00] =	vst v63  }
0xe2: {  	_ =	swait.ge [sflag:s25], $0x3E80  }
0xe3: {  	[sflag:s25] =	ssyncset.done $0x0  }
0xe4: {  	[sflag:s25] =	ssyncadd.s32 $0xFFFFC180  }
0xe5: {  	_ =	swait.ge [sflag:s26], $0x3E80  }
0xe6: {  	s31 =	simm.s32 $0x400;
	s2 =	simm.s32 $0x800;
	[sflag:s26] =	ssyncset.done $0x0  }
.LBB2_8:
0xe7: {  	s0 =	sshra.s32 s31, $0x2  }
0xe8: {  	[sflag:s26] =	ssyncadd.s32 $0xFFFFC180;
	s31 =	smov.u32 s2;
	s4 =	sadd.s32 $0x400, s2  }
0xe9: {  	[tilespmem:s21], [sflag:$0x1] =	stream.indirect.gather [hbm4b:s1+s20], $0x80, s0, s20, $0xb8;
	[tilespmem:$0x1AC00] =	vst v63  }
0xea: {  	p0 =	sne.s32 s2, $0x13C00;
	s2 =	sadd.s32 $0x80, s0  }
0xeb: {  	[tilespmem:s22], [sflag:$0x2] =	stream.indirect.gather [hbm4b:s1+s20], $0x80, s2, s20, $0xb8;
	[tilespmem:$0x1AC00] =	vst v63  }
0xec: {  	_ =	swait.ge [sflag:s23], $0x3E80  }
0xed: {  	[sflag:s23] =	ssyncset.done $0x0  }
0xee: {  	s2 =	sadd.s32 $0x5000, s0;
	[sflag:s23] =	ssyncadd.s32 $0xFFFFC180  }
0xef: {  	[spmem:s3] =	stream.indirect.scatter.add.f32 [tilespmem:s21], [sflag:$0x3], $0x80, s2, s20, $0xb8;
	[tilespmem:$0x1AC00] =	vst v63  }
0xf0: {  	_ =	swait.ge [sflag:s24], $0x3E80  }
0xf1: {  	[sflag:s24] =	ssyncset.done $0x0  }
0xf2: {  	s0 =	sadd.s32 $0x5080, s0;
	[sflag:s24] =	ssyncadd.s32 $0xFFFFC180  }
0xf3: {  	[spmem:s3] =	stream.indirect.scatter.add.f32 [tilespmem:s22], [sflag:$0x4], $0x80, s0, s20, $0xb8;
	[tilespmem:$0x1AC00] =	vst v63  }
.Ltmp3:
0xf4: {  	_ =	swait.ge [sflag:s25], $0x3E80;
	(pc) =	sbr.rel @p0 .LBB2_8-.Ltmp3, $4  }
0xf5: {  	[sflag:s25] =	ssyncset.done $0x0  }
0xf6: {  	[sflag:s25] =	ssyncadd.s32 $0xFFFFC180  }
0xf7: {  	_ =	swait.ge [sflag:s26], $0x3E80  }
0xf8: {  	s2 =	smov.u32 s4;
	[sflag:s26] =	ssyncset.done $0x0  }
0xf9: {  	s0 =	sshra.s32 s31, $0x2;
	[sflag:s26] =	ssyncadd.s32 $0xFFFFC180  }
0xfa: {  	[tilespmem:s21], [sflag:$0x1] =	stream.indirect.gather [hbm4b:s1+s20], $0x80, s0, s20, $0xb8;
	[tilespmem:$0x1AC00] =	vst v63  }
0xfb: {  	s2 =	sadd.s32 $0x80, s0  }
0xfc: {  	[tilespmem:s22], [sflag:$0x2] =	stream.indirect.gather [hbm4b:s1+s20], $0x80, s2, s20, $0xb8;
	[tilespmem:$0x1AC00] =	vst v63  }
0xfd: {  	_ =	swait.ge [sflag:s23], $0x3E80  }
0xfe: {  	[sflag:s23] =	ssyncset.done $0x0  }
0xff: {  	s31 =	sadd.s32 $0x5000, s0;
	[sflag:s23] =	ssyncadd.s32 $0xFFFFC180  }
0x100: {  	[spmem:s3] =	stream.indirect.scatter.add.f32 [tilespmem:s21], [sflag:$0x3], $0x80, s31, s20, $0xb8;
	[tilespmem:$0x1AC00] =	vst v63  }
0x101: {  	_ =	swait.ge [sflag:s24], $0x3E80  }
0x102: {  	[sflag:s24] =	ssyncset.done $0x0  }
0x103: {  	s0 =	sadd.s32 $0x5080, s0;
	[sflag:s24] =	ssyncadd.s32 $0xFFFFC180  }
0x104: {  	[spmem:s3] =	stream.indirect.scatter.add.f32 [tilespmem:s22], [sflag:$0x4], $0x80, s0, s20, $0xb8;
	[tilespmem:$0x1AC00] =	vst v63  }
0x105: {  	_ =	swait.ge [sflag:s25], $0x3E80  }
0x106: {  	[sflag:s25] =	ssyncset.done $0x0  }
0x107: {  	[sflag:s25] =	ssyncadd.s32 $0xFFFFC180  }
0x108: {  	_ =	swait.ge [sflag:s26], $0x3E80  }
0x109: {  	s28 =	sadd.s32 $0x1, s28;
	[sflag:s26] =	ssyncset.done $0x0  }
0x10a: {  	p0 =	sne.s32 s28, s16;
	[sflag:s26] =	ssyncadd.s32 $0xFFFFC180  }
.Ltmp4:
0x10b: {  	[bflag:$0x0] =	sbarrier.arrive $0xFFFF;
	(pc) =	sbr.rel @p0 .LBB2_1-.Ltmp4, $4  }
0x10c: {  	[hbm:s15], [sflag:s29] =	dma.local [spmem:s30], $0xD80  }
0x10d: {  	_ =	swait.ge [sflag:s17], $0xD80  }
0x10e: {  	[sflag:s17] =	ssyncset.done $0x0  }
0x10f: {  	[sflag:s17] =	ssyncadd.s32 $0xFFFFF280  }
0x110: {  	_ =	sfence.sel $0x180000  }
0x111: {  	[bflag:$0x0] =	sbarrier.arrive $0xFFFF  }
0x112: {  	_ =	strace $0x9000004A  }
0x113: {  	s0 =	stileid.u32;
	[bflag:$0x2] =	sbarrier.arrive $0xFFFF  }
0x114: {  	p0 =	sne.s32 s0, $0x0;
	s0 =	rddreg [dreg:$0x3]  }
0x115: {  	s0 =	sadd.s32 @!p0 $0x100000, s0  }
0x116: {  	[sflag:s0] =	ssyncadd.tile.s32 @!p0 $0x1;
	_ =	shalt  }
.Lfunc_end2:
_tile_overlayer_lowered:
.L_overlay_start_2:
0x117: {  	(tag) =	ssettag $0x2  }
0x118: {  	s0 =	rddreg [dreg:$0x0];
	s2 =	stileid.u32  }
0x119: {  	s1 =	rddreg [dreg:$0x1];
	p0 =	sne.s32 s2, $0x0  }
0x11a: {  	s3 =	rddreg [dreg:$0x2];
	[bflag:$0x3] =	sbarrier.arrive $0xFFFF;
	s2 =	simm.s32 @!p0 $0x1C05  }
0x11b: {  	[timem:s3], [sflag:s2] =	dma.local @!p0 [hbm:s0], s1  }
0x11c: {  	s0 =	simm.s32 @!p0 $0x5  }
0x11d: {  	_ =	swait.ge @!p0 [sflag:s0], s1  }
0x11e: {  	s1 =	ssub.s32 @!p0 $0x0, s1;
	[sflag:s0] =	ssyncset.done @!p0 $0x0  }
0x11f: {  	[sflag:s0] =	ssyncadd.s32 @!p0 s1  }
0x120: {  	[bflag:$0x3] =	sbarrier.arrive $0xFFFF  }
0x121: {  	_ =	shalt  }

// kernel: kernel.15.cloned.1.call-start
scs
__scs_entry_jumppad:
0x0: {  	(pc) =	sbr.rel $0x88, $3  }
0x1: {  	(tag) =	ssettag $0x0;
	lr =	simm.s32 $0x1  }
0x2: {  	[smem:$0x3F90] =	sst lr;
	_ =	strace $0xD0000000  }
0x3: {  	_ = 	snop  }
0x4: {  	_ = 	snop  }
0x5: {  	_ = 	snop  }
0x6: {  	_ = 	snop  }
0x7: {  	_ = 	snop  }
__scs_overlays_trampoline_lowered:
0x8: {  	[smem:$0x3F9F] =	sst s0  }
0x9: {  	[smem:$0x3FA0] =	sst s1  }
0xa: {  	[smem:$0x3FA1] =	sst s2  }
0xb: {  	[smem:$0x3FA2] =	sst s3  }
0xc: {  	[smem:$0x3FA3] =	sst s4  }
0xd: {  	[smem:$0x3FA4] =	sst s5  }
0xe: {  	[smem:$0x3FA5] =	sst s6  }
0xf: {  	[smem:$0x3FA6] =	sst s7  }
0x10: {  	[smem:$0x3FA7] =	sst s8  }
0x11: {  	[smem:$0x3FA8] =	sst s9;
	s0 =	simm.s32 @!p0 $0x0  }
0x12: {  	s1 =	sld [smem:$0x3F8E];
	s0 =	simm.s32 @p0 $0x1  }
0x13: {  	[smem:$0x3FA9] =	sst s0;
	s0 =	simm.s32 @!p1 $0x0  }
0x14: {  	s2 =	sld [smem:$0x3F8D];
	s0 =	simm.s32 @p1 $0x1  }
0x15: {  	[smem:$0x3FAA] =	sst s0;
	s0 =	simm.s32 @!p2 $0x0  }
0x16: {  	s3 =	sld [smem:$0x3FDB];
	s0 =	simm.s32 @p2 $0x1  }
0x17: {  	s4 =	simm.s32 $0x1BF5;
	[smem:$0x3FAC] =	sst s0  }
0x18: {  	s0 =	sld [smem:$0x3F8F];
	_ =	swait.ge [sflag:s4], $0x0  }
0x19: {  	s7 =	sld [smem:$0x3F90]  }
0x1a: {  	s8 =	sadd.s32 $0xFFFFE003, lr  }
0x1b: {  	s9 =	sadd.s32 $0xFFFFFEF7, lr;
	s5 =	simm.s32 $0xFFFFFFFF;
	p2 =	slt.u32 s8, $0xFFFFF086  }
0x1c: {  	p1 =	slt.u32 s9, $0xF7A;
	s5 =	simm.s32 @!p2 $0x0  }
0x1d: {  	s5 =	simm.s32 @p1 $0x1;
	p0 =	seq.s32 s7, s2  }
0x1e: {  	s7 =	smul.u32 @!p0 $0xF7A, s2;
	p2 =	seq.s32 @!p0 s5, $0x0  }
0x1f: {  	s9 =	smul.u32 $0xF7A, s1;
	s8 =	simm.s32 @!p0 $0x1BF5;
	p2 =	por !p2, p0  }
0x20: {  	[sflag:s8] =	ssyncset.s32 @!p0 $0xFFFFF086;
	s6 =	sadd.s32 @!p0 s3, s7;
	s7 =	simm.s32 @!p0 $0x108  }
0x21: {  	s3 =	sadd.s32 s3, s9;
	s6 =	sadd.s32 @!p0 $0x88, s6;
	s7 =	simm.s32 @p2 $0x1082  }
0x22: {  	[simem:s7], [sflag:s8] =	dma.local @!p0 [hbm:s6], $0xF7A  }
0x23: {  	s9 =	sor.u32 $0xD0000000, s2;
	s6 =	simm.s32 $0x108;
	_ =	swait.ge @!p0 [sflag:s8], $0x0  }
0x24: {  	s3 =	sadd.s32 $0x88, s3;
	s6 =	simm.s32 @!p1 $0x1082;
	[sflag:s4] =	ssyncset.s32 $0xFFFFF086  }
0x25: {  	[simem:s6], [sflag:s4] =	dma.local [hbm:s3], $0xF7A  }
0x26: {  	[smem:$0x3F90] =	sst s1;
	(tag) =	ssettag s2;
	_ =	strace s9  }
0x27: {  	s1 =	sld [smem:$0x3FA0]  }
0x28: {  	s2 =	sld [smem:$0x3FA1]  }
0x29: {  	s4 =	sld [smem:$0x3FA3]  }
0x2a: {  	p0 =	seq.s32 s5, $0x0;
	s5 =	sld [smem:$0x3FA4]  }
0x2b: {  	s6 =	sld [smem:$0x3FA5]  }
0x2c: {  	s7 =	sld [smem:$0x3FA6]  }
0x2d: {  	s3 =	simm.s32 $0x108;
	s8 =	sld [smem:$0x3FA7]  }
0x2e: {  	s3 =	simm.s32 @!p0 $0x1082;
	s9 =	sld [smem:$0x3FA8]  }
0x2f: {  	lr =	sadd.s32 s0, s3;
	s0 =	sld [smem:$0x3F9F]  }
0x30: {  	s3 =	sld [smem:$0x3FA2]  }
0x31: {  	[smem:$0x3FAB] =	sst s10  }
0x32: {  	s10 =	sld [smem:$0x3FA9];
	_ =	sdelay $0x3  }
0x33: {  	p0 =	seq.s32 s10, $0x1;
	s10 =	sld [smem:$0x3FAB];
	_ =	sdelay $0x3  }
0x34: {  	[smem:$0x3FAB] =	sst s10  }
0x35: {  	s10 =	sld [smem:$0x3FAA];
	_ =	sdelay $0x3  }
0x36: {  	p1 =	seq.s32 s10, $0x1;
	s10 =	sld [smem:$0x3FAB];
	_ =	sdelay $0x3  }
0x37: {  	[smem:$0x3FAB] =	sst s10  }
0x38: {  	s10 =	sld [smem:$0x3FAC]  }
0x39: {  	_ = 	snop;
	(pc) =	sbr.ind lr, $3  }
0x3a: {  	_ = 	snop  }
0x3b: {  	_ = 	snop  }
0x3c: {  	p2 =	seq.s32 s10, $0x1;
	s10 =	sld [smem:$0x3FAB]  }
0x3d: {  	_ =	shalt  }
0x3e: {  	_ =	shalt  }
0x3f: {  	_ =	shalt  }
0x40: {  	_ =	shalt  }
0x41: {  	_ =	shalt  }
0x42: {  	_ =	shalt  }
0x43: {  	_ =	shalt  }
0x44: {  	_ =	shalt  }
0x45: {  	_ =	shalt  }
0x46: {  	_ =	shalt  }
0x47: {  	_ =	shalt  }
0x48: {  	_ =	shalt  }
0x49: {  	_ =	shalt  }
0x4a: {  	_ =	shalt  }
0x4b: {  	_ =	shalt  }
0x4c: {  	_ =	shalt  }
0x4d: {  	_ =	shalt  }
0x4e: {  	_ =	shalt  }
0x4f: {  	_ =	shalt  }
0x50: {  	_ =	shalt  }
0x51: {  	_ =	shalt  }
0x52: {  	_ =	shalt  }
0x53: {  	_ =	shalt  }
0x54: {  	_ =	shalt  }
0x55: {  	_ =	shalt  }
0x56: {  	_ =	shalt  }
0x57: {  	_ =	shalt  }
0x58: {  	_ =	shalt  }
0x59: {  	_ =	shalt  }
0x5a: {  	_ =	shalt  }
0x5b: {  	_ =	shalt  }
0x5c: {  	_ =	shalt  }
0x5d: {  	_ =	shalt  }
0x5e: {  	_ =	shalt  }
0x5f: {  	_ =	shalt  }
0x60: {  	_ =	shalt  }
0x61: {  	_ =	shalt  }
0x62: {  	_ =	shalt  }
0x63: {  	_ =	shalt  }
0x64: {  	_ =	shalt  }
0x65: {  	_ =	shalt  }
0x66: {  	_ =	shalt  }
0x67: {  	_ =	shalt  }
0x68: {  	_ =	shalt  }
0x69: {  	_ =	shalt  }
0x6a: {  	_ =	shalt  }
0x6b: {  	_ =	shalt  }
0x6c: {  	_ =	shalt  }
0x6d: {  	_ =	shalt  }
0x6e: {  	_ =	shalt  }
0x6f: {  	_ =	shalt  }
0x70: {  	_ =	shalt  }
0x71: {  	_ =	shalt  }
0x72: {  	_ =	shalt  }
0x73: {  	_ =	shalt  }
0x74: {  	_ =	shalt  }
0x75: {  	_ =	shalt  }
0x76: {  	_ =	shalt  }
0x77: {  	_ =	shalt  }
0x78: {  	_ =	shalt  }
0x79: {  	_ =	shalt  }
0x7a: {  	_ =	shalt  }
0x7b: {  	_ =	shalt  }
0x7c: {  	_ =	shalt  }
0x7d: {  	_ =	shalt  }
0x7e: {  	_ =	shalt  }
0x7f: {  	_ =	shalt  }
0x80: {  	_ =	shalt  }
0x81: {  	_ =	shalt  }
0x82: {  	_ =	shalt  }
0x83: {  	_ =	shalt  }
0x84: {  	_ =	shalt  }
0x85: {  	_ =	shalt  }
0x86: {  	_ =	shalt  }
0x87: {  	_ =	shalt  }
.Lfunc_end0:
.L_simem_size_0:
called_computation.2_lowered:
.L_overlay_start_0:
0x88: {  	s2 =	sld [smem:$0x3FD9]  }
0x89: {  	s3 =	sld [smem:$0x3FFE];
	_ =	sdelay $0x1  }
0x8a: {  	s1 =	srdreg.scid  }
0x8b: {  	s0 =	sand.u32 $0x1, s1  }
0x8c: {  	s14 =	sshll.u32 s0, $0xA;
	s2 =	sadd.s32 s3, s2  }
0x8d: {  	s2 =	sadd.s32 s2, s14  }
0x8e: {  	[smem:$0x3FB7] =	sst s2  }
0x8f: {  	_ = 	snop  }
0x90: {  	s2 =	sld [smem:$0x3FD0];
	_ =	sdelay $0x2  }
0x91: {  	s15 =	simm.s32 $0xA;
	s4 =	simm.s32 $0x10  }
0x92: {  	[smem:s4], [sflag:s15] =	dma.local [hbm:s2], $0x1  }
0x93: {  	_ =	swait.eq [sflag:s15], $0x1  }
0x94: {  	[sflag:s15] =	ssyncset.done $0x0  }
0x95: {  	[sflag:s15] =	ssyncadd.s32 $0xFFFFFFFF  }
0x96: {  	s16 =	sld [smem:$0x13];
	(tm) =	ssettm $0x1  }
0x97: {  	s17 =	sld [smem:$0x3FFB];
	_ =	sdelay $0x3  }
0x98: {  	_ =	strace s17  }
0x99: {  	s3 =	sld [smem:$0x3FFC];
	_ =	sdelay $0x3  }
0x9a: {  	_ =	strace s3  }
0x9b: {  	s3 =	sld [smem:$0x3FFD];
	_ =	sdelay $0x3  }
0x9c: {  	_ =	strace s3  }
0x9d: {  	_ =	strace $0x8FFFFFFF  }
0x9e: {  	s18 =	sld [smem:$0x3FDB];
	_ =	sdelay $0x1  }
0x9f: {  	s19 =	simm.s32 $_scs_section_size  }
0xa0: {  	s5 =	simm.s32 $_size__tile_overlayer_lowered;
	s6 =	simm.s32 $_tile_overlayer_lowered  }
0xa1: {  	s22 =	simm.s32 $0x1BFF;
	s21 =	sshll.u32 s6, $0x1;
	s3 =	sadd.s32 s19, s18  }
0xa2: {  	s7 =	simm.s32 $0x0;
	s20 =	sshll.u32 s5, $0x1;
	s5 =	sadd.s32 s21, s3  }
0xa3: {  	[timem:s7], [sflag:s22] =	dma.local [hbm:s5], s20  }
0xa4: {  	_ =	swait.ge [sflag:s22], s20  }
0xa5: {  	s4 =	ssub.s32 $0x0, s20;
	[sflag:s22] =	ssyncset.done $0x0  }
0xa6: {  	[sflag:s22] =	ssyncadd.s32 s4;
	_ =	sdelay $0x1  }
0xa7: {  	s23 =	simm.s32 $0x1B8B  }
0xa8: {  	_ =	swait.ge [sflag:s23], $0x1  }
0xa9: {  	[sflag:s23] =	ssyncset.done $0x0  }
0xaa: {  	s25 =	simm.s32 $0x1B8E;
	s24 =	sld [smem:$0x3FFE];
	[sflag:s23] =	ssyncadd.s32 $0xFFFFFFFF  }
0xab: {  	s26 =	simm.s32 $execute0_lowered;
	[smem:$0x3FD2] =	sst s25  }
0xac: {  	s5 =	sshll.u32 s26, $0x1;
	_ =	strace $0x8000004C;
	[dreg:$0x1] =	wrdreg $0xFFFFFFFF  }
0xad: {  	s28 =	simm.s32 $_size_execute0_lowered;
	s3 =	sadd.s32 s3, s5;
	[dreg:$0x0] =	wrdreg $0x0  }
0xae: {  	s5 =	sshll.u32 s28, $0x1;
	[dreg:$0x2] =	wrdreg s3  }
0xaf: {  	[dreg:$0x3] =	wrdreg s5  }
0xb0: {  	[dreg:$0x4] =	wrdreg $0xC0  }
0xb1: {  	_ =	task [dreg:s7], $0x5FFFF  }
0xb2: {  	[dreg:$0x1] =	wrdreg $0xFFFFFFFF  }
0xb3: {  	[dreg:$0x0] =	wrdreg $0x60  }
0xb4: {  	[dreg:$0x2] =	wrdreg s16  }
0xb5: {  	[dreg:$0x3] =	wrdreg s24  }
0xb6: {  	[dreg:$0x4] =	wrdreg $0x140000  }
0xb7: {  	[dreg:$0x5] =	wrdreg $0x9  }
0xb8: {  	_ =	task.clear_ibuf [dreg:s7], $0x6FFFF;
	_ =	strace $0x9000004C  }
0xb9: {  	s29 =	simm.s32 $0x9;
	_ =	strace $0x8000004E  }
0xba: {  	_ =	swait.ge [sflag:s29], $0x1  }
0xbb: {  	[sflag:s29] =	ssyncadd.s32 $0xFFFFFFFF  }
0xbc: {  	_ =	strace $0x9000004E  }
0xbd: {  	_ =	sfence  }
0xbe: {  	s30 =	sld [smem:$0x0];
	_ =	sdelay $0x2  }
0xbf: {  	s31 =	sshll.u32 s1, $0xD;
	s1 =	sshrl.u32 s1, $0x2  }
0xc0: {  	s3 =	sand.u32 $0x4000, s31;
	s1 =	sadd.s32 s1, s30  }
0xc1: {  	s0 =	sor.u32 s3, s0;
	s1 =	sshll.u32 s1, $0x11  }
0xc2: {  	s0 =	sor.u32 s1, s0  }
0xc3: {  	s0 =	sadd.s32 $0x8F2B, s0  }
0xc4: {  	[sflag:s0] =	ssyncadd.remote.s32 $0x1  }
0xc5: {  	_ =	sfence.sel $0xFFFF  }
0xc6: {  	[dreg:$0x0] =	wrdreg $0xFFFFFFFF;
	(pc) =	sbr.abs _section_cstart, $3  }
0xc7: {  	[dreg:$0x1] =	wrdreg $0xFFFFFFFF  }
0xc8: {  	_ =	task.clear_ibuf [dreg:s7], $0x2FFFF;
	_ =	strace $0x9FFFFFFF  }
0xc9: {  	(tm) =	ssettm $0x7FFFFFFF  }
tec
execute0_lowered:
.L_overlay_start_1:
0x0: {  	(tag) =	ssettag $0x1  }
0x1: {  	s2 =	srdreg.scid;
	s1 =	rddreg [dreg:$0x0]  }
0x2: {  	s0 =	stileid.u32;
	s5 =	rddreg [dreg:$0x1];
	s25 =	simm.s32 $0x0  }
0x3: {  	s17 =	simm.s32 $0x5;
	s18 =	simm.s32 $0x5000;
	s19 =	simm.s32 $0x12000  }
0x4: {  	s20 =	simm.s32 $0x7D;
	s21 =	simm.s32 $0xA000;
	s22 =	simm.s32 $0xE000  }
0x5: {  	s23 =	simm.s32 $0x1;
	s24 =	simm.s32 $0x2;
	s28 =	simm.s32 $0x0  }
0x6: {  	s2 =	sand.u32 $0x1, s2;
	s3 =	sshll.u32 s0, $0x1;
	s8 =	smul.u32 $0x6C00, s0  }
0x7: {  	[smem:$0x7FF] =	sst s25;
	s26 =	smul.u32 $0x1B000, s0;
	s25 =	simm.s32 $0x3  }
0x8: {  	s4 =	sor.u32 s2, s3;
	s3 =	rddreg [dreg:$0x2];
	s7 =	smul.u32 $0x144000, s2  }
0x9: {  	_ =	strace $0x8000004D;
	s2 =	ssub.s32 $0x2, s2;
	s6 =	smul.u32 $0x5000, s4  }
0xa: {  	s30 =	sshrl.u32 s2, $0x1;
	s31 =	sshrl.u32 s26, $0x2;
	s26 =	simm.s32 $0x4  }
0xb: {  	s7 =	sadd.s32 s8, s7;
	s2 =	ssub.s32 s2, s30;
	s6 =	sshrl.u32 s6, $0x3  }
0xc: {  	s29 =	sshrl.u32 s7, $0x3;
	s16 =	smax.u32 s2, $0x1;
	s14 =	sadd.s32 s6, s5  }
0xd: {  	s15 =	sadd.s32 s29, s5;
	s6 =	sadd.s32 s31, s3;
	s5 =	sadd.s32 $0x5200, s14  }
0xe: {  	s7 =	sadd.s32 $0x19200, s14;
	s8 =	sadd.s32 $0x2000, s6;
	s9 =	sadd.s32 $0x4000, s6  }
0xf: {  	s10 =	sadd.s32 $0x6000, s6;
	s11 =	sadd.s32 $0x55200, s15;
	s12 =	sadd.s32 $0x2D200, s14  }
0x10: {  	v0 =	vimm.f32 $0.0e+00;
	s13 =	sadd.s32 $0x62A00, s15;
	s14 =	sadd.s32 $0x41200, s14;
	s15 =	sadd.s32 $0x70200, s15  }
.LBB2_1:
0x11: {  	s0 =	simm.s32 $0x0  }
0x12: {  	[tilespmem:s0], [sflag:$0x5] =	stream.linear.gather [hbm4b:s5+s0], $0x5000, $0x38;
	[tilespmem:$0x1AC00] =	vst v63  }
0x13: {  	_ =	swait.ge [sflag:s17], $0x5000  }
0x14: {  	[sflag:s17] =	ssyncset.done $0x0  }
0x15: {  	s29 =	simm.s32 $0x0;
	s30 =	simm.s32 $0x200;
	[sflag:s17] =	ssyncadd.s32 $0xFFFFB000  }
.LBB2_2:
0x16: {  	p0 =	sne.s32 s30, $0x7E00;
	[tilespmem:s29+$0x12070] =	vst v0  }
0x17: {  	[tilespmem:s29+$0x12000] =	vst v0  }
0x18: {  	[tilespmem:s29+$0x12010] =	vst v0  }
.Ltmp0:
0x19: {  	[tilespmem:s29+$0x12020] =	vst v0;
	(pc) =	sbr.rel @p0 .LBB2_2-.Ltmp0, $4  }
0x1a: {  	[tilespmem:s29+$0x12030] =	vst v0  }
0x1b: {  	[tilespmem:s29+$0x12040] =	vst v0  }
0x1c: {  	[tilespmem:s29+$0x12050] =	vst v0  }
0x1d: {  	[tilespmem:s29+$0x12060] =	vst v0;
	s29 =	sshra.s32 s30, $0x2;
	s30 =	sadd.s32 $0x200, s30  }
0x1e: {  	[tilespmem:s29+$0x12070] =	vst v0  }
0x1f: {  	[tilespmem:s29+$0x12000] =	vst v0  }
0x20: {  	[tilespmem:s29+$0x12010] =	vst v0  }
0x21: {  	[tilespmem:s29+$0x12020] =	vst v0  }
0x22: {  	[tilespmem:s29+$0x12030] =	vst v0  }
0x23: {  	[tilespmem:s29+$0x12040] =	vst v0  }
0x24: {  	[tilespmem:s29+$0x12050] =	vst v0  }
0x25: {  	[tilespmem:s29+$0x12060] =	vst v0;
	s2 =	simm.s32 $0x0  }
0x26: {  	[tilespmem:s18], [sflag:$0x5] =	stream.linear.gather [hbm4b:s7+s2], $0x5000, $0x38;
	[tilespmem:$0x1AC00] =	vst v63  }
0x27: {  	_ =	swait.ge [sflag:s17], $0x5000  }
0x28: {  	[sflag:s17] =	ssyncset.done $0x0  }
0x29: {  	[sflag:s17] =	ssyncadd.s32 $0xFFFFB000  }
0x2a: {  	[spmem:s6] =	stream.linear.scatter [tilespmem:s19], [sflag:$0x5], $0x2000, $0x38;
	[tilespmem:$0x1AC00] =	vst v63  }
0x2b: {  	_ =	swait.ge [sflag:s17], $0x2000  }
0x2c: {  	[sflag:s17] =	ssyncset.done $0x0  }
0x2d: {  	[sflag:s17] =	ssyncadd.s32 $0xFFFFE000  }
0x2e: {  	[spmem:s8] =	stream.linear.scatter [tilespmem:s19], [sflag:$0x5], $0x2000, $0x38;
	[tilespmem:$0x1AC00] =	vst v63  }
0x2f: {  	_ =	swait.ge [sflag:s17], $0x2000  }
0x30: {  	[sflag:s17] =	ssyncset.done $0x0  }
0x31: {  	[sflag:s17] =	ssyncadd.s32 $0xFFFFE000  }
0x32: {  	[spmem:s9] =	stream.linear.scatter [tilespmem:s19], [sflag:$0x5], $0x2000, $0x38;
	[tilespmem:$0x1AC00] =	vst v63  }
0x33: {  	_ =	swait.ge [sflag:s17], $0x2000  }
0x34: {  	[sflag:s17] =	ssyncset.done $0x0  }
0x35: {  	[sflag:s17] =	ssyncadd.s32 $0xFFFFE000  }
0x36: {  	[spmem:s10] =	stream.linear.scatter [tilespmem:s19], [sflag:$0x5], $0xC00, $0x38;
	[tilespmem:$0x1AC00] =	vst v63  }
0x37: {  	_ =	swait.ge [sflag:s17], $0xC00  }
0x38: {  	[sflag:s17] =	ssyncset.done $0x0  }
0x39: {  	[sflag:s17] =	ssyncadd.s32 $0xFFFFF400  }
0x3a: {  	s31 =	simm.s32 $0x0;
	[bflag:$0x0] =	sbarrier.arrive $0xFFFF  }
0x3b: {  	[tilespmem:s21], [sflag:$0x1] =	stream.indirect.gather [hbm4b:s1+s20], $0x80, s31, s20, $0xb8;
	[tilespmem:$0x1AC00] =	vst v63  }
0x3c: {  	s0 =	simm.s32 $0x80  }
0x3d: {  	[tilespmem:s22], [sflag:$0x2] =	stream.indirect.gather [hbm4b:s1+s20], $0x80, s0, s20, $0xb8;
	[tilespmem:$0x1AC00] =	vst v63  }
0x3e: {  	_ =	swait.ge [sflag:s23], $0x3E80  }
0x3f: {  	[sflag:s23] =	ssyncset.done $0x0  }
0x40: {  	s4 =	simm.s32 $0x5000;
	[sflag:s23] =	ssyncadd.s32 $0xFFFFC180  }
0x41: {  	[spmem:s3] =	stream.indirect.scatter.add.f32 [tilespmem:s21], [sflag:$0x3], $0x80, s4, s20, $0xb8;
	[tilespmem:$0x1AC00] =	vst v63  }
0x42: {  	_ =	swait.ge [sflag:s24], $0x3E80  }
0x43: {  	[sflag:s24] =	ssyncset.done $0x0  }
0x44: {  	s31 =	simm.s32 $0x5080;
	[sflag:s24] =	ssyncadd.s32 $0xFFFFC180  }
0x45: {  	[spmem:s3] =	stream.indirect.scatter.add.f32 [tilespmem:s22], [sflag:$0x4], $0x80, s31, s20, $0xb8;
	[tilespmem:$0x1AC00] =	vst v63  }
0x46: {  	_ =	swait.ge [sflag:s25], $0x3E80  }
0x47: {  	[sflag:s25] =	ssyncset.done $0x0  }
0x48: {  	[sflag:s25] =	ssyncadd.s32 $0xFFFFC180  }
0x49: {  	_ =	swait.ge [sflag:s26], $0x3E80  }
0x4a: {  	s29 =	simm.s32 $0x400;
	s30 =	simm.s32 $0x800;
	[sflag:s26] =	ssyncset.done $0x0  }
.LBB2_4:
0x4b: {  	s2 =	sshra.s32 s29, $0x2  }
0x4c: {  	[sflag:s26] =	ssyncadd.s32 $0xFFFFC180;
	s29 =	smov.u32 s30;
	s31 =	sadd.s32 $0x400, s30  }
0x4d: {  	[tilespmem:s21], [sflag:$0x1] =	stream.indirect.gather [hbm4b:s1+s20], $0x80, s2, s20, $0xb8;
	[tilespmem:$0x1AC00] =	vst v63  }
0x4e: {  	p0 =	sne.s32 s30, $0x13C00;
	s30 =	sadd.s32 $0x80, s2  }
0x4f: {  	[tilespmem:s22], [sflag:$0x2] =	stream.indirect.gather [hbm4b:s1+s20], $0x80, s30, s20, $0xb8;
	[tilespmem:$0x1AC00] =	vst v63  }
0x50: {  	_ =	swait.ge [sflag:s23], $0x3E80  }
0x51: {  	[sflag:s23] =	ssyncset.done $0x0  }
0x52: {  	s30 =	sadd.s32 $0x5000, s2;
	[sflag:s23] =	ssyncadd.s32 $0xFFFFC180  }
0x53: {  	[spmem:s3] =	stream.indirect.scatter.add.f32 [tilespmem:s21], [sflag:$0x3], $0x80, s30, s20, $0xb8;
	[tilespmem:$0x1AC00] =	vst v63  }
0x54: {  	_ =	swait.ge [sflag:s24], $0x3E80  }
0x55: {  	[sflag:s24] =	ssyncset.done $0x0  }
0x56: {  	s2 =	sadd.s32 $0x5080, s2;
	[sflag:s24] =	ssyncadd.s32 $0xFFFFC180  }
0x57: {  	[spmem:s3] =	stream.indirect.scatter.add.f32 [tilespmem:s22], [sflag:$0x4], $0x80, s2, s20, $0xb8;
	[tilespmem:$0x1AC00] =	vst v63  }
.Ltmp1:
0x58: {  	_ =	swait.ge [sflag:s25], $0x3E80;
	(pc) =	sbr.rel @p0 .LBB2_4-.Ltmp1, $4  }
0x59: {  	[sflag:s25] =	ssyncset.done $0x0  }
0x5a: {  	[sflag:s25] =	ssyncadd.s32 $0xFFFFC180  }
0x5b: {  	_ =	swait.ge [sflag:s26], $0x3E80  }
0x5c: {  	s30 =	smov.u32 s31;
	[sflag:s26] =	ssyncset.done $0x0  }
0x5d: {  	s2 =	sshra.s32 s29, $0x2;
	[sflag:s26] =	ssyncadd.s32 $0xFFFFC180  }
0x5e: {  	[tilespmem:s21], [sflag:$0x1] =	stream.indirect.gather [hbm4b:s1+s20], $0x80, s2, s20, $0xb8;
	[tilespmem:$0x1AC00] =	vst v63  }
0x5f: {  	s29 =	sadd.s32 $0x80, s2  }
0x60: {  	[tilespmem:s22], [sflag:$0x2] =	stream.indirect.gather [hbm4b:s1+s20], $0x80, s29, s20, $0xb8;
	[tilespmem:$0x1AC00] =	vst v63  }
0x61: {  	_ =	swait.ge [sflag:s23], $0x3E80  }
0x62: {  	[sflag:s23] =	ssyncset.done $0x0  }
0x63: {  	s29 =	sadd.s32 $0x5000, s2;
	[sflag:s23] =	ssyncadd.s32 $0xFFFFC180  }
0x64: {  	[spmem:s3] =	stream.indirect.scatter.add.f32 [tilespmem:s21], [sflag:$0x3], $0x80, s29, s20, $0xb8;
	[tilespmem:$0x1AC00] =	vst v63  }
0x65: {  	_ =	swait.ge [sflag:s24], $0x3E80  }
0x66: {  	[sflag:s24] =	ssyncset.done $0x0  }
0x67: {  	s2 =	sadd.s32 $0x5080, s2;
	[sflag:s24] =	ssyncadd.s32 $0xFFFFC180  }
0x68: {  	[spmem:s3] =	stream.indirect.scatter.add.f32 [tilespmem:s22], [sflag:$0x4], $0x80, s2, s20, $0xb8;
	[tilespmem:$0x1AC00] =	vst v63  }
0x69: {  	_ =	swait.ge [sflag:s25], $0x3E80  }
0x6a: {  	[sflag:s25] =	ssyncset.done $0x0  }
0x6b: {  	[sflag:s25] =	ssyncadd.s32 $0xFFFFC180  }
0x6c: {  	_ =	swait.ge [sflag:s26], $0x3E80  }
0x6d: {  	s0 =	stileid.u32;
	[sflag:s26] =	ssyncset.done $0x0  }
0x6e: {  	s0 =	sshll.u32 s0, $0x6;
	[sflag:s26] =	ssyncadd.s32 $0xFFFFC180  }
0x6f: {  	s30 =	sshrl.u32 s6, $0x3;
	s29 =	sor.u32 $0x1C05, s0;
	[bflag:$0x0] =	sbarrier.arrive $0xFFFF  }
0x70: {  	[hbm:s11], [sflag:s29] =	dma.local [spmem:s30], $0xD80  }
0x71: {  	_ =	swait.ge [sflag:s17], $0xD80  }
0x72: {  	[sflag:s17] =	ssyncset.done $0x0  }
0x73: {  	s4 =	simm.s32 $0x0;
	[sflag:s17] =	ssyncadd.s32 $0xFFFFF280  }
0x74: {  	[tilespmem:s18], [sflag:$0x5] =	stream.linear.gather [hbm4b:s12+s4], $0x5000, $0x38;
	[tilespmem:$0x1AC00] =	vst v63  }
0x75: {  	_ =	swait.ge [sflag:s17], $0x5000  }
0x76: {  	[sflag:s17] =	ssyncset.done $0x0  }
0x77: {  	[sflag:s17] =	ssyncadd.s32 $0xFFFFB000  }
0x78: {  	[spmem:s6] =	stream.linear.scatter [tilespmem:s19], [sflag:$0x5], $0x2000, $0x38;
	[tilespmem:$0x1AC00] =	vst v63  }
0x79: {  	_ =	swait.ge [sflag:s17], $0x2000  }
0x7a: {  	[sflag:s17] =	ssyncset.done $0x0  }
0x7b: {  	[sflag:s17] =	ssyncadd.s32 $0xFFFFE000  }
0x7c: {  	[spmem:s8] =	stream.linear.scatter [tilespmem:s19], [sflag:$0x5], $0x2000, $0x38;
	[tilespmem:$0x1AC00] =	vst v63  }
0x7d: {  	_ =	swait.ge [sflag:s17], $0x2000  }
0x7e: {  	[sflag:s17] =	ssyncset.done $0x0  }
0x7f: {  	[sflag:s17] =	ssyncadd.s32 $0xFFFFE000  }
0x80: {  	[spmem:s9] =	stream.linear.scatter [tilespmem:s19], [sflag:$0x5], $0x2000, $0x38;
	[tilespmem:$0x1AC00] =	vst v63  }
0x81: {  	_ =	swait.ge [sflag:s17], $0x2000  }
0x82: {  	[sflag:s17] =	ssyncset.done $0x0  }
0x83: {  	[sflag:s17] =	ssyncadd.s32 $0xFFFFE000  }
0x84: {  	[spmem:s10] =	stream.linear.scatter [tilespmem:s19], [sflag:$0x5], $0xC00, $0x38;
	[tilespmem:$0x1AC00] =	vst v63  }
0x85: {  	_ =	swait.ge [sflag:s17], $0xC00  }
0x86: {  	[sflag:s17] =	ssyncset.done $0x0  }
0x87: {  	[sflag:s17] =	ssyncadd.s32 $0xFFFFF400  }
0x88: {  	s0 =	simm.s32 $0x0;
	[bflag:$0x0] =	sbarrier.arrive $0xFFFF  }
0x89: {  	[tilespmem:s21], [sflag:$0x1] =	stream.indirect.gather [hbm4b:s1+s20], $0x80, s0, s20, $0xb8;
	[tilespmem:$0x1AC00] =	vst v63  }
0x8a: {  	s4 =	simm.s32 $0x80  }
0x8b: {  	[tilespmem:s22], [sflag:$0x2] =	stream.indirect.gather [hbm4b:s1+s20], $0x80, s4, s20, $0xb8;
	[tilespmem:$0x1AC00] =	vst v63  }
0x8c: {  	_ =	swait.ge [sflag:s23], $0x3E80  }
0x8d: {  	[sflag:s23] =	ssyncset.done $0x0  }
0x8e: {  	s0 =	simm.s32 $0x5000;
	[sflag:s23] =	ssyncadd.s32 $0xFFFFC180  }
0x8f: {  	[spmem:s3] =	stream.indirect.scatter.add.f32 [tilespmem:s21], [sflag:$0x3], $0x80, s0, s20, $0xb8;
	[tilespmem:$0x1AC00] =	vst v63  }
0x90: {  	_ =	swait.ge [sflag:s24], $0x3E80  }
0x91: {  	[sflag:s24] =	ssyncset.done $0x0  }
0x92: {  	s4 =	simm.s32 $0x5080;
	[sflag:s24] =	ssyncadd.s32 $0xFFFFC180  }
0x93: {  	[spmem:s3] =	stream.indirect.scatter.add.f32 [tilespmem:s22], [sflag:$0x4], $0x80, s4, s20, $0xb8;
	[tilespmem:$0x1AC00] =	vst v63  }
0x94: {  	_ =	swait.ge [sflag:s25], $0x3E80  }
0x95: {  	[sflag:s25] =	ssyncset.done $0x0  }
0x96: {  	[sflag:s25] =	ssyncadd.s32 $0xFFFFC180  }
0x97: {  	_ =	swait.ge [sflag:s26], $0x3E80  }
0x98: {  	s31 =	simm.s32 $0x400;
	s2 =	simm.s32 $0x800;
	[sflag:s26] =	ssyncset.done $0x0  }
.LBB2_6:
0x99: {  	s4 =	sshra.s32 s31, $0x2  }
0x9a: {  	[sflag:s26] =	ssyncadd.s32 $0xFFFFC180;
	s31 =	smov.u32 s2;
	s0 =	sadd.s32 $0x400, s2  }
0x9b: {  	[tilespmem:s21], [sflag:$0x1] =	stream.indirect.gather [hbm4b:s1+s20], $0x80, s4, s20, $0xb8;
	[tilespmem:$0x1AC00] =	vst v63  }
0x9c: {  	p0 =	sne.s32 s2, $0x13C00;
	s2 =	sadd.s32 $0x80, s4  }
0x9d: {  	[tilespmem:s22], [sflag:$0x2] =	stream.indirect.gather [hbm4b:s1+s20], $0x80, s2, s20, $0xb8;
	[tilespmem:$0x1AC00] =	vst v63  }
0x9e: {  	_ =	swait.ge [sflag:s23], $0x3E80  }
0x9f: {  	[sflag:s23] =	ssyncset.done $0x0  }
0xa0: {  	s2 =	sadd.s32 $0x5000, s4;
	[sflag:s23] =	ssyncadd.s32 $0xFFFFC180  }
0xa1: {  	[spmem:s3] =	stream.indirect.scatter.add.f32 [tilespmem:s21], [sflag:$0x3], $0x80, s2, s20, $0xb8;
	[tilespmem:$0x1AC00] =	vst v63  }
0xa2: {  	_ =	swait.ge [sflag:s24], $0x3E80  }
0xa3: {  	[sflag:s24] =	ssyncset.done $0x0  }
0xa4: {  	s2 =	sadd.s32 $0x5080, s4;
	[sflag:s24] =	ssyncadd.s32 $0xFFFFC180  }
0xa5: {  	[spmem:s3] =	stream.indirect.scatter.add.f32 [tilespmem:s22], [sflag:$0x4], $0x80, s2, s20, $0xb8;
	[tilespmem:$0x1AC00] =	vst v63  }
.Ltmp2:
0xa6: {  	_ =	swait.ge [sflag:s25], $0x3E80;
	(pc) =	sbr.rel @p0 .LBB2_6-.Ltmp2, $4  }
0xa7: {  	[sflag:s25] =	ssyncset.done $0x0  }
0xa8: {  	[sflag:s25] =	ssyncadd.s32 $0xFFFFC180  }
0xa9: {  	_ =	swait.ge [sflag:s26], $0x3E80  }
0xaa: {  	s2 =	smov.u32 s0;
	[sflag:s26] =	ssyncset.done $0x0  }
0xab: {  	s0 =	sshra.s32 s31, $0x2;
	[sflag:s26] =	ssyncadd.s32 $0xFFFFC180  }
0xac: {  	[tilespmem:s21], [sflag:$0x1] =	stream.indirect.gather [hbm4b:s1+s20], $0x80, s0, s20, $0xb8;
	[tilespmem:$0x1AC00] =	vst v63  }
0xad: {  	s2 =	sadd.s32 $0x80, s0  }
0xae: {  	[tilespmem:s22], [sflag:$0x2] =	stream.indirect.gather [hbm4b:s1+s20], $0x80, s2, s20, $0xb8;
	[tilespmem:$0x1AC00] =	vst v63  }
0xaf: {  	_ =	swait.ge [sflag:s23], $0x3E80  }
0xb0: {  	[sflag:s23] =	ssyncset.done $0x0  }
0xb1: {  	s4 =	sadd.s32 $0x5000, s0;
	[sflag:s23] =	ssyncadd.s32 $0xFFFFC180  }
0xb2: {  	[spmem:s3] =	stream.indirect.scatter.add.f32 [tilespmem:s21], [sflag:$0x3], $0x80, s4, s20, $0xb8;
	[tilespmem:$0x1AC00] =	vst v63  }
0xb3: {  	_ =	swait.ge [sflag:s24], $0x3E80  }
0xb4: {  	[sflag:s24] =	ssyncset.done $0x0  }
0xb5: {  	s0 =	sadd.s32 $0x5080, s0;
	[sflag:s24] =	ssyncadd.s32 $0xFFFFC180  }
0xb6: {  	[spmem:s3] =	stream.indirect.scatter.add.f32 [tilespmem:s22], [sflag:$0x4], $0x80, s0, s20, $0xb8;
	[tilespmem:$0x1AC00] =	vst v63  }
0xb7: {  	_ =	swait.ge [sflag:s25], $0x3E80  }
0xb8: {  	[sflag:s25] =	ssyncset.done $0x0  }
0xb9: {  	[sflag:s25] =	ssyncadd.s32 $0xFFFFC180  }
0xba: {  	_ =	swait.ge [sflag:s26], $0x3E80  }
0xbb: {  	[sflag:s26] =	ssyncset.done $0x0  }
0xbc: {  	[sflag:s26] =	ssyncadd.s32 $0xFFFFC180  }
0xbd: {  	[bflag:$0x0] =	sbarrier.arrive $0xFFFF  }
0xbe: {  	[hbm:s13], [sflag:s29] =	dma.local [spmem:s30], $0xD80  }
0xbf: {  	_ =	swait.ge [sflag:s17], $0xD80  }
0xc0: {  	[sflag:s17] =	ssyncset.done $0x0  }
0xc1: {  	s4 =	simm.s32 $0x0;
	[sflag:s17] =	ssyncadd.s32 $0xFFFFF280  }
0xc2: {  	[tilespmem:s18], [sflag:$0x5] =	stream.linear.gather [hbm4b:s14+s4], $0x5000, $0x38;
	[tilespmem:$0x1AC00] =	vst v63  }
0xc3: {  	_ =	swait.ge [sflag:s17], $0x5000  }
0xc4: {  	[sflag:s17] =	ssyncset.done $0x0  }
0xc5: {  	[sflag:s17] =	ssyncadd.s32 $0xFFFFB000  }
0xc6: {  	[spmem:s6] =	stream.linear.scatter [tilespmem:s19], [sflag:$0x5], $0x2000, $0x38;
	[tilespmem:$0x1AC00] =	vst v63  }
0xc7: {  	_ =	swait.ge [sflag:s17], $0x2000  }
0xc8: {  	[sflag:s17] =	ssyncset.done $0x0  }
0xc9: {  	[sflag:s17] =	ssyncadd.s32 $0xFFFFE000  }
0xca: {  	[spmem:s8] =	stream.linear.scatter [tilespmem:s19], [sflag:$0x5], $0x2000, $0x38;
	[tilespmem:$0x1AC00] =	vst v63  }
0xcb: {  	_ =	swait.ge [sflag:s17], $0x2000  }
0xcc: {  	[sflag:s17] =	ssyncset.done $0x0  }
0xcd: {  	[sflag:s17] =	ssyncadd.s32 $0xFFFFE000  }
0xce: {  	[spmem:s9] =	stream.linear.scatter [tilespmem:s19], [sflag:$0x5], $0x2000, $0x38;
	[tilespmem:$0x1AC00] =	vst v63  }
0xcf: {  	_ =	swait.ge [sflag:s17], $0x2000  }
0xd0: {  	[sflag:s17] =	ssyncset.done $0x0  }
0xd1: {  	[sflag:s17] =	ssyncadd.s32 $0xFFFFE000  }
0xd2: {  	[spmem:s10] =	stream.linear.scatter [tilespmem:s19], [sflag:$0x5], $0xC00, $0x38;
	[tilespmem:$0x1AC00] =	vst v63  }
0xd3: {  	_ =	swait.ge [sflag:s17], $0xC00  }
0xd4: {  	[sflag:s17] =	ssyncset.done $0x0  }
0xd5: {  	[sflag:s17] =	ssyncadd.s32 $0xFFFFF400  }
0xd6: {  	s2 =	simm.s32 $0x0;
	[bflag:$0x0] =	sbarrier.arrive $0xFFFF  }
0xd7: {  	[tilespmem:s21], [sflag:$0x1] =	stream.indirect.gather [hbm4b:s1+s20], $0x80, s2, s20, $0xb8;
	[tilespmem:$0x1AC00] =	vst v63  }
0xd8: {  	s4 =	simm.s32 $0x80  }
0xd9: {  	[tilespmem:s22], [sflag:$0x2] =	stream.indirect.gather [hbm4b:s1+s20], $0x80, s4, s20, $0xb8;
	[tilespmem:$0x1AC00] =	vst v63  }
0xda: {  	_ =	swait.ge [sflag:s23], $0x3E80  }
0xdb: {  	[sflag:s23] =	ssyncset.done $0x0  }
0xdc: {  	s2 =	simm.s32 $0x5000;
	[sflag:s23] =	ssyncadd.s32 $0xFFFFC180  }
0xdd: {  	[spmem:s3] =	stream.indirect.scatter.add.f32 [tilespmem:s21], [sflag:$0x3], $0x80, s2, s20, $0xb8;
	[tilespmem:$0x1AC00] =	vst v63  }
0xde: {  	_ =	swait.ge [sflag:s24], $0x3E80  }
0xdf: {  	[sflag:s24] =	ssyncset.done $0x0  }
0xe0: {  	s4 =	simm.s32 $0x5080;
	[sflag:s24] =	ssyncadd.s32 $0xFFFFC180  }
0xe1: {  	[spmem:s3] =	stream.indirect.scatter.add.f32 [tilespmem:s22], [sflag:$0x4], $0x80, s4, s20, $0xb8;
	[tilespmem:$0x1AC00] =	vst v63  }
0xe2: {  	_ =	swait.ge [sflag:s25], $0x3E80  }
0xe3: {  	[sflag:s25] =	ssyncset.done $0x0  }
0xe4: {  	[sflag:s25] =	ssyncadd.s32 $0xFFFFC180  }
0xe5: {  	_ =	swait.ge [sflag:s26], $0x3E80  }
0xe6: {  	s31 =	simm.s32 $0x400;
	s2 =	simm.s32 $0x800;
	[sflag:s26] =	ssyncset.done $0x0  }
.LBB2_8:
0xe7: {  	s0 =	sshra.s32 s31, $0x2  }
0xe8: {  	[sflag:s26] =	ssyncadd.s32 $0xFFFFC180;
	s31 =	smov.u32 s2;
	s4 =	sadd.s32 $0x400, s2  }
0xe9: {  	[tilespmem:s21], [sflag:$0x1] =	stream.indirect.gather [hbm4b:s1+s20], $0x80, s0, s20, $0xb8;
	[tilespmem:$0x1AC00] =	vst v63  }
0xea: {  	p0 =	sne.s32 s2, $0x13C00;
	s2 =	sadd.s32 $0x80, s0  }
0xeb: {  	[tilespmem:s22], [sflag:$0x2] =	stream.indirect.gather [hbm4b:s1+s20], $0x80, s2, s20, $0xb8;
	[tilespmem:$0x1AC00] =	vst v63  }
0xec: {  	_ =	swait.ge [sflag:s23], $0x3E80  }
0xed: {  	[sflag:s23] =	ssyncset.done $0x0  }
0xee: {  	s2 =	sadd.s32 $0x5000, s0;
	[sflag:s23] =	ssyncadd.s32 $0xFFFFC180  }
0xef: {  	[spmem:s3] =	stream.indirect.scatter.add.f32 [tilespmem:s21], [sflag:$0x3], $0x80, s2, s20, $0xb8;
	[tilespmem:$0x1AC00] =	vst v63  }
0xf0: {  	_ =	swait.ge [sflag:s24], $0x3E80  }
0xf1: {  	[sflag:s24] =	ssyncset.done $0x0  }
0xf2: {  	s0 =	sadd.s32 $0x5080, s0;
	[sflag:s24] =	ssyncadd.s32 $0xFFFFC180  }
0xf3: {  	[spmem:s3] =	stream.indirect.scatter.add.f32 [tilespmem:s22], [sflag:$0x4], $0x80, s0, s20, $0xb8;
	[tilespmem:$0x1AC00] =	vst v63  }
.Ltmp3:
0xf4: {  	_ =	swait.ge [sflag:s25], $0x3E80;
	(pc) =	sbr.rel @p0 .LBB2_8-.Ltmp3, $4  }
0xf5: {  	[sflag:s25] =	ssyncset.done $0x0  }
0xf6: {  	[sflag:s25] =	ssyncadd.s32 $0xFFFFC180  }
0xf7: {  	_ =	swait.ge [sflag:s26], $0x3E80  }
0xf8: {  	s2 =	smov.u32 s4;
	[sflag:s26] =	ssyncset.done $0x0  }
0xf9: {  	s0 =	sshra.s32 s31, $0x2;
	[sflag:s26] =	ssyncadd.s32 $0xFFFFC180  }
0xfa: {  	[tilespmem:s21], [sflag:$0x1] =	stream.indirect.gather [hbm4b:s1+s20], $0x80, s0, s20, $0xb8;
	[tilespmem:$0x1AC00] =	vst v63  }
0xfb: {  	s2 =	sadd.s32 $0x80, s0  }
0xfc: {  	[tilespmem:s22], [sflag:$0x2] =	stream.indirect.gather [hbm4b:s1+s20], $0x80, s2, s20, $0xb8;
	[tilespmem:$0x1AC00] =	vst v63  }
0xfd: {  	_ =	swait.ge [sflag:s23], $0x3E80  }
0xfe: {  	[sflag:s23] =	ssyncset.done $0x0  }
0xff: {  	s31 =	sadd.s32 $0x5000, s0;
	[sflag:s23] =	ssyncadd.s32 $0xFFFFC180  }
0x100: {  	[spmem:s3] =	stream.indirect.scatter.add.f32 [tilespmem:s21], [sflag:$0x3], $0x80, s31, s20, $0xb8;
	[tilespmem:$0x1AC00] =	vst v63  }
0x101: {  	_ =	swait.ge [sflag:s24], $0x3E80  }
0x102: {  	[sflag:s24] =	ssyncset.done $0x0  }
0x103: {  	s0 =	sadd.s32 $0x5080, s0;
	[sflag:s24] =	ssyncadd.s32 $0xFFFFC180  }
0x104: {  	[spmem:s3] =	stream.indirect.scatter.add.f32 [tilespmem:s22], [sflag:$0x4], $0x80, s0, s20, $0xb8;
	[tilespmem:$0x1AC00] =	vst v63  }
0x105: {  	_ =	swait.ge [sflag:s25], $0x3E80  }
0x106: {  	[sflag:s25] =	ssyncset.done $0x0  }
0x107: {  	[sflag:s25] =	ssyncadd.s32 $0xFFFFC180  }
0x108: {  	_ =	swait.ge [sflag:s26], $0x3E80  }
0x109: {  	s28 =	sadd.s32 $0x1, s28;
	[sflag:s26] =	ssyncset.done $0x0  }
0x10a: {  	p0 =	sne.s32 s28, s16;
	[sflag:s26] =	ssyncadd.s32 $0xFFFFC180  }
.Ltmp4:
0x10b: {  	[bflag:$0x0] =	sbarrier.arrive $0xFFFF;
	(pc) =	sbr.rel @p0 .LBB2_1-.Ltmp4, $4  }
0x10c: {  	[hbm:s15], [sflag:s29] =	dma.local [spmem:s30], $0xD80  }
0x10d: {  	_ =	swait.ge [sflag:s17], $0xD80  }
0x10e: {  	[sflag:s17] =	ssyncset.done $0x0  }
0x10f: {  	[sflag:s17] =	ssyncadd.s32 $0xFFFFF280  }
0x110: {  	_ =	sfence.sel $0x180000  }
0x111: {  	[bflag:$0x0] =	sbarrier.arrive $0xFFFF  }
0x112: {  	_ =	strace $0x9000004D  }
0x113: {  	s0 =	stileid.u32;
	[bflag:$0x2] =	sbarrier.arrive $0xFFFF  }
0x114: {  	p0 =	sne.s32 s0, $0x0;
	s0 =	rddreg [dreg:$0x3]  }
0x115: {  	s0 =	sadd.s32 @!p0 $0x100000, s0  }
0x116: {  	[sflag:s0] =	ssyncadd.tile.s32 @!p0 $0x1;
	_ =	shalt  }
.Lfunc_end2:
_tile_overlayer_lowered:
.L_overlay_start_2:
0x117: {  	(tag) =	ssettag $0x2  }
0x118: {  	s0 =	rddreg [dreg:$0x0];
	s2 =	stileid.u32  }
0x119: {  	s1 =	rddreg [dreg:$0x1];
	p0 =	sne.s32 s2, $0x0  }
0x11a: {  	s3 =	rddreg [dreg:$0x2];
	[bflag:$0x3] =	sbarrier.arrive $0xFFFF;
	s2 =	simm.s32 @!p0 $0x1C05  }
0x11b: {  	[timem:s3], [sflag:s2] =	dma.local @!p0 [hbm:s0], s1  }
0x11c: {  	s0 =	simm.s32 @!p0 $0x5  }
0x11d: {  	_ =	swait.ge @!p0 [sflag:s0], s1  }
0x11e: {  	s1 =	ssub.s32 @!p0 $0x0, s1;
	[sflag:s0] =	ssyncset.done @!p0 $0x0  }
0x11f: {  	[sflag:s0] =	ssyncadd.s32 @!p0 s1  }
0x120: {  	[bflag:$0x3] =	sbarrier.arrive $0xFFFF  }
0x121: {  	_ =	shalt  }

// kernel: kernel.9.cloned.1.call-start
scs
__scs_entry_jumppad:
0x0: {  	(pc) =	sbr.rel $0x88, $3  }
0x1: {  	(tag) =	ssettag $0x0;
	lr =	simm.s32 $0x1  }
0x2: {  	[smem:$0x3F90] =	sst lr;
	_ =	strace $0xD0000000  }
0x3: {  	_ = 	snop  }
0x4: {  	_ = 	snop  }
0x5: {  	_ = 	snop  }
0x6: {  	_ = 	snop  }
0x7: {  	_ = 	snop  }
__scs_overlays_trampoline_lowered:
0x8: {  	[smem:$0x3F9F] =	sst s0  }
0x9: {  	[smem:$0x3FA0] =	sst s1  }
0xa: {  	[smem:$0x3FA1] =	sst s2  }
0xb: {  	[smem:$0x3FA2] =	sst s3  }
0xc: {  	[smem:$0x3FA3] =	sst s4  }
0xd: {  	[smem:$0x3FA4] =	sst s5  }
0xe: {  	[smem:$0x3FA5] =	sst s6  }
0xf: {  	[smem:$0x3FA6] =	sst s7  }
0x10: {  	[smem:$0x3FA7] =	sst s8  }
0x11: {  	[smem:$0x3FA8] =	sst s9;
	s0 =	simm.s32 @!p0 $0x0  }
0x12: {  	s1 =	sld [smem:$0x3F8E];
	s0 =	simm.s32 @p0 $0x1  }
0x13: {  	[smem:$0x3FA9] =	sst s0;
	s0 =	simm.s32 @!p1 $0x0  }
0x14: {  	s2 =	sld [smem:$0x3F8D];
	s0 =	simm.s32 @p1 $0x1  }
0x15: {  	[smem:$0x3FAA] =	sst s0;
	s0 =	simm.s32 @!p2 $0x0  }
0x16: {  	s3 =	sld [smem:$0x3FDB];
	s0 =	simm.s32 @p2 $0x1  }
0x17: {  	s4 =	simm.s32 $0x1BF5;
	[smem:$0x3FAC] =	sst s0  }
0x18: {  	s0 =	sld [smem:$0x3F8F];
	_ =	swait.ge [sflag:s4], $0x0  }
0x19: {  	s7 =	sld [smem:$0x3F90]  }
0x1a: {  	s8 =	sadd.s32 $0xFFFFE003, lr  }
0x1b: {  	s9 =	sadd.s32 $0xFFFFFEF7, lr;
	s5 =	simm.s32 $0xFFFFFFFF;
	p2 =	slt.u32 s8, $0xFFFFF086  }
0x1c: {  	p1 =	slt.u32 s9, $0xF7A;
	s5 =	simm.s32 @!p2 $0x0  }
0x1d: {  	s5 =	simm.s32 @p1 $0x1;
	p0 =	seq.s32 s7, s2  }
0x1e: {  	s7 =	smul.u32 @!p0 $0xF7A, s2;
	p2 =	seq.s32 @!p0 s5, $0x0  }
0x1f: {  	s9 =	smul.u32 $0xF7A, s1;
	s8 =	simm.s32 @!p0 $0x1BF5;
	p2 =	por !p2, p0  }
0x20: {  	[sflag:s8] =	ssyncset.s32 @!p0 $0xFFFFF086;
	s6 =	sadd.s32 @!p0 s3, s7;
	s7 =	simm.s32 @!p0 $0x108  }
0x21: {  	s3 =	sadd.s32 s3, s9;
	s6 =	sadd.s32 @!p0 $0x88, s6;
	s7 =	simm.s32 @p2 $0x1082  }
0x22: {  	[simem:s7], [sflag:s8] =	dma.local @!p0 [hbm:s6], $0xF7A  }
0x23: {  	s9 =	sor.u32 $0xD0000000, s2;
	s6 =	simm.s32 $0x108;
	_ =	swait.ge @!p0 [sflag:s8], $0x0  }
0x24: {  	s3 =	sadd.s32 $0x88, s3;
	s6 =	simm.s32 @!p1 $0x1082;
	[sflag:s4] =	ssyncset.s32 $0xFFFFF086  }
0x25: {  	[simem:s6], [sflag:s4] =	dma.local [hbm:s3], $0xF7A  }
0x26: {  	[smem:$0x3F90] =	sst s1;
	(tag) =	ssettag s2;
	_ =	strace s9  }
0x27: {  	s1 =	sld [smem:$0x3FA0]  }
0x28: {  	s2 =	sld [smem:$0x3FA1]  }
0x29: {  	s4 =	sld [smem:$0x3FA3]  }
0x2a: {  	p0 =	seq.s32 s5, $0x0;
	s5 =	sld [smem:$0x3FA4]  }
0x2b: {  	s6 =	sld [smem:$0x3FA5]  }
0x2c: {  	s7 =	sld [smem:$0x3FA6]  }
0x2d: {  	s3 =	simm.s32 $0x108;
	s8 =	sld [smem:$0x3FA7]  }
0x2e: {  	s3 =	simm.s32 @!p0 $0x1082;
	s9 =	sld [smem:$0x3FA8]  }
0x2f: {  	lr =	sadd.s32 s0, s3;
	s0 =	sld [smem:$0x3F9F]  }
0x30: {  	s3 =	sld [smem:$0x3FA2]  }
0x31: {  	[smem:$0x3FAB] =	sst s10  }
0x32: {  	s10 =	sld [smem:$0x3FA9];
	_ =	sdelay $0x3  }
0x33: {  	p0 =	seq.s32 s10, $0x1;
	s10 =	sld [smem:$0x3FAB];
	_ =	sdelay $0x3  }
0x34: {  	[smem:$0x3FAB] =	sst s10  }
0x35: {  	s10 =	sld [smem:$0x3FAA];
	_ =	sdelay $0x3  }
0x36: {  	p1 =	seq.s32 s10, $0x1;
	s10 =	sld [smem:$0x3FAB];
	_ =	sdelay $0x3  }
0x37: {  	[smem:$0x3FAB] =	sst s10  }
0x38: {  	s10 =	sld [smem:$0x3FAC]  }
0x39: {  	_ = 	snop;
	(pc) =	sbr.ind lr, $3  }
0x3a: {  	_ = 	snop  }
0x3b: {  	_ = 	snop  }
0x3c: {  	p2 =	seq.s32 s10, $0x1;
	s10 =	sld [smem:$0x3FAB]  }
0x3d: {  	_ =	shalt  }
0x3e: {  	_ =	shalt  }
0x3f: {  	_ =	shalt  }
0x40: {  	_ =	shalt  }
0x41: {  	_ =	shalt  }
0x42: {  	_ =	shalt  }
0x43: {  	_ =	shalt  }
0x44: {  	_ =	shalt  }
0x45: {  	_ =	shalt  }
0x46: {  	_ =	shalt  }
0x47: {  	_ =	shalt  }
0x48: {  	_ =	shalt  }
0x49: {  	_ =	shalt  }
0x4a: {  	_ =	shalt  }
0x4b: {  	_ =	shalt  }
0x4c: {  	_ =	shalt  }
0x4d: {  	_ =	shalt  }
0x4e: {  	_ =	shalt  }
0x4f: {  	_ =	shalt  }
0x50: {  	_ =	shalt  }
0x51: {  	_ =	shalt  }
0x52: {  	_ =	shalt  }
0x53: {  	_ =	shalt  }
0x54: {  	_ =	shalt  }
0x55: {  	_ =	shalt  }
0x56: {  	_ =	shalt  }
0x57: {  	_ =	shalt  }
0x58: {  	_ =	shalt  }
0x59: {  	_ =	shalt  }
0x5a: {  	_ =	shalt  }
0x5b: {  	_ =	shalt  }
0x5c: {  	_ =	shalt  }
0x5d: {  	_ =	shalt  }
0x5e: {  	_ =	shalt  }
0x5f: {  	_ =	shalt  }
0x60: {  	_ =	shalt  }
0x61: {  	_ =	shalt  }
0x62: {  	_ =	shalt  }
0x63: {  	_ =	shalt  }
0x64: {  	_ =	shalt  }
0x65: {  	_ =	shalt  }
0x66: {  	_ =	shalt  }
0x67: {  	_ =	shalt  }
0x68: {  	_ =	shalt  }
0x69: {  	_ =	shalt  }
0x6a: {  	_ =	shalt  }
0x6b: {  	_ =	shalt  }
0x6c: {  	_ =	shalt  }
0x6d: {  	_ =	shalt  }
0x6e: {  	_ =	shalt  }
0x6f: {  	_ =	shalt  }
0x70: {  	_ =	shalt  }
0x71: {  	_ =	shalt  }
0x72: {  	_ =	shalt  }
0x73: {  	_ =	shalt  }
0x74: {  	_ =	shalt  }
0x75: {  	_ =	shalt  }
0x76: {  	_ =	shalt  }
0x77: {  	_ =	shalt  }
0x78: {  	_ =	shalt  }
0x79: {  	_ =	shalt  }
0x7a: {  	_ =	shalt  }
0x7b: {  	_ =	shalt  }
0x7c: {  	_ =	shalt  }
0x7d: {  	_ =	shalt  }
0x7e: {  	_ =	shalt  }
0x7f: {  	_ =	shalt  }
0x80: {  	_ =	shalt  }
0x81: {  	_ =	shalt  }
0x82: {  	_ =	shalt  }
0x83: {  	_ =	shalt  }
0x84: {  	_ =	shalt  }
0x85: {  	_ =	shalt  }
0x86: {  	_ =	shalt  }
0x87: {  	_ =	shalt  }
.Lfunc_end0:
.L_simem_size_0:
called_computation_lowered:
.L_overlay_start_0:
0x88: {  	s2 =	sld [smem:$0x3FD9]  }
0x89: {  	s3 =	sld [smem:$0x3FFE];
	_ =	sdelay $0x1  }
0x8a: {  	s1 =	srdreg.scid  }
0x8b: {  	s0 =	sand.u32 $0x1, s1  }
0x8c: {  	s15 =	sshll.u32 s0, $0xA;
	s2 =	sadd.s32 s3, s2  }
0x8d: {  	s2 =	sadd.s32 s2, s15  }
0x8e: {  	[smem:$0x3FB7] =	sst s2  }
0x8f: {  	_ = 	snop  }
0x90: {  	s2 =	sld [smem:$0x3FD0];
	_ =	sdelay $0x2  }
0x91: {  	s16 =	simm.s32 $0xA;
	s4 =	simm.s32 $0x10  }
0x92: {  	[smem:s4], [sflag:s16] =	dma.local [hbm:s2], $0x1  }
0x93: {  	_ =	swait.eq [sflag:s16], $0x1  }
0x94: {  	[sflag:s16] =	ssyncset.done $0x0  }
0x95: {  	s17 =	sld [smem:$0x10];
	[sflag:s16] =	ssyncadd.s32 $0xFFFFFFFF  }
0x96: {  	s18 =	sld [smem:$0x13];
	(tm) =	ssettm $0x1  }
0x97: {  	s19 =	sld [smem:$0x3FFB];
	_ =	sdelay $0x3  }
0x98: {  	_ =	strace s19  }
0x99: {  	s4 =	sld [smem:$0x3FFC];
	_ =	sdelay $0x3  }
0x9a: {  	_ =	strace s4  }
0x9b: {  	s4 =	sld [smem:$0x3FFD];
	_ =	sdelay $0x3  }
0x9c: {  	_ =	strace s4  }
0x9d: {  	_ =	strace $0x8FFFFFFF  }
0x9e: {  	s20 =	sld [smem:$0x3FDB];
	_ =	sdelay $0x1  }
0x9f: {  	s5 =	simm.s32 $_scs_section_size  }
0xa0: {  	s6 =	simm.s32 $_size__tile_overlayer_lowered;
	s7 =	simm.s32 $_tile_overlayer_lowered  }
0xa1: {  	s23 =	simm.s32 $0x1BFF;
	s22 =	sshll.u32 s7, $0x1;
	s4 =	sadd.s32 s5, s20  }
0xa2: {  	s8 =	simm.s32 $0x0;
	s21 =	sshll.u32 s6, $0x1;
	s6 =	sadd.s32 s22, s4  }
0xa3: {  	[timem:s8], [sflag:s23] =	dma.local [hbm:s6], s21  }
0xa4: {  	_ =	swait.ge [sflag:s23], s21  }
0xa5: {  	s5 =	ssub.s32 $0x0, s21;
	[sflag:s23] =	ssyncset.done $0x0  }
0xa6: {  	[sflag:s23] =	ssyncadd.s32 s5;
	_ =	sdelay $0x1  }
0xa7: {  	s24 =	simm.s32 $0x1B8B  }
0xa8: {  	_ =	swait.ge [sflag:s24], $0x1  }
0xa9: {  	[sflag:s24] =	ssyncset.done $0x0  }
0xaa: {  	s25 =	simm.s32 $0x1B8E;
	[sflag:s24] =	ssyncadd.s32 $0xFFFFFFFF  }
0xab: {  	s26 =	simm.s32 $execute0_lowered;
	[smem:$0x3FD2] =	sst s25  }
0xac: {  	s5 =	sshll.u32 s26, $0x1;
	_ =	strace $0x80000046;
	[dreg:$0x1] =	wrdreg $0xFFFFFFFF  }
0xad: {  	s28 =	simm.s32 $_size_execute0_lowered;
	s4 =	sadd.s32 s4, s5;
	[dreg:$0x0] =	wrdreg $0x0  }
0xae: {  	s5 =	sshll.u32 s28, $0x1;
	[dreg:$0x2] =	wrdreg s4  }
0xaf: {  	[dreg:$0x3] =	wrdreg s5  }
0xb0: {  	[dreg:$0x4] =	wrdreg $0xC0  }
0xb1: {  	_ =	task [dreg:s8], $0x5FFFF  }
0xb2: {  	[dreg:$0x1] =	wrdreg $0xFFFFFFFF  }
0xb3: {  	[dreg:$0x0] =	wrdreg $0x60  }
0xb4: {  	[dreg:$0x2] =	wrdreg s17  }
0xb5: {  	[dreg:$0x3] =	wrdreg s18  }
0xb6: {  	[dreg:$0x4] =	wrdreg $0x9  }
0xb7: {  	_ =	task.clear_ibuf [dreg:s8], $0x5FFFF;
	_ =	strace $0x90000046  }
0xb8: {  	s29 =	simm.s32 $0x9;
	_ =	strace $0x80000048  }
0xb9: {  	_ =	swait.ge [sflag:s29], $0x1  }
0xba: {  	[sflag:s29] =	ssyncadd.s32 $0xFFFFFFFF  }
0xbb: {  	_ =	strace $0x90000048  }
0xbc: {  	_ =	sfence  }
0xbd: {  	s30 =	sld [smem:$0x0];
	_ =	sdelay $0x2  }
0xbe: {  	s31 =	sshll.u32 s1, $0xD;
	s1 =	sshrl.u32 s1, $0x2  }
0xbf: {  	s3 =	sand.u32 $0x4000, s31;
	s1 =	sadd.s32 s1, s30  }
0xc0: {  	s0 =	sor.u32 s3, s0;
	s1 =	sshll.u32 s1, $0x11  }
0xc1: {  	s0 =	sor.u32 s1, s0  }
0xc2: {  	s0 =	sadd.s32 $0x8F2B, s0  }
0xc3: {  	[sflag:s0] =	ssyncadd.remote.s32 $0x1  }
0xc4: {  	_ =	sfence.sel $0xFFFF  }
0xc5: {  	[dreg:$0x0] =	wrdreg $0xFFFFFFFF;
	(pc) =	sbr.abs _section_cstart, $3  }
0xc6: {  	[dreg:$0x1] =	wrdreg $0xFFFFFFFF  }
0xc7: {  	_ =	task.clear_ibuf [dreg:s8], $0x2FFFF;
	_ =	strace $0x9FFFFFFF  }
0xc8: {  	(tm) =	ssettm $0x7FFFFFFF  }
0xc9: {  	_ =	shalt  }
tec
execute0_lowered:
.L_overlay_start_1:
0x0: {  	(tag) =	ssettag $0x1  }
0x1: {  	s3 =	rddreg [dreg:$0x0]  }
0x2: {  	s4 =	rddreg [dreg:$0x1]  }
0x3: {  	s0 =	rddreg [dreg:$0x2]  }
0x4: {  	s2 =	simm.s32 $0x0;
	s5 =	srdreg.scid;
	s1 =	stileid.u32  }
0x5: {  	[smem:$0x7FF] =	sst s2;
	s5 =	sand.u32 $0x1, s5;
	s6 =	sshrl.u32 s1, $0x2  }
0x6: {  	s7 =	sshll.u32 s1, $0x8;
	s9 =	sshrl.u32 s1, $0x3;
	s8 =	smul.u32 $0x28000, s5  }
0x7: {  	s28 =	sshll.u32 s1, $0x7;
	s10 =	sshll.u32 s5, $0x7;
	s9 =	smul.u32 $0x14000, s9  }
0x8: {  	s7 =	sand.u32 $0x300, s7;
	s6 =	smul.u32 $0x27400, s6;
	_ =	strace $0x80000047  }
0x9: {  	s29 =	sand.u32 $0x380, s28;
	s5 =	ssub.s32 $0x2, s5;
	s7 =	sor.u32 s10, s7  }
0xa: {  	s31 =	sshrl.u32 s5, $0x1;
	s10 =	simm.s32 $0x0;
	s8 =	sadd.s32 s8, s9  }
0xb: {  	s6 =	sor.u32 s6, s7;
	s5 =	ssub.s32 s5, s31;
	s9 =	simm.s32 $0x4E80  }
0xc: {  	s30 =	sor.u32 s29, s8;
	s6 =	sshrl.u32 s6, $0x3;
	s5 =	smax.u32 s5, $0x1  }
0xd: {  	s8 =	simm.s32 $0x1;
	s7 =	sshrl.u32 s30, $0x3;
	s3 =	sadd.s32 s3, s6  }
0xe: {  	v0 =	vimm.f32 $0.0e+00;
	v1 =	vimm.f32 $1.000000000e+00;
	s6 =	simm.s32 $0x80;
	s4 =	sadd.s32 s4, s7;
	s7 =	simm.s32 $0x400  }
.LBB2_1:
0xf: {  	[tilespmem:s2], [sflag:$0x1] =	stream.strided.gather [hbm4b:s3+s6], $0x4E80, s7, s6, $0x38;
	[tilespmem:$0x7680] =	vst v63  }
0x10: {  	_ =	swait.ge [sflag:s8], $0x4E80  }
0x11: {  	[sflag:s8] =	ssyncset.done $0x0  }
0x12: {  	s11 =	simm.s32 $0x0;
	[sflag:s8] =	ssyncadd.s32 $0xFFFFB180  }
.LBB2_2:
0x13: {  	p0 =	sne.s32 s11, $0x9FC0  }
.Ltmp0:
0x14: {  	_ = 	snop;
	(pc) =	sbr.rel @p0 .LBB2_2-.Ltmp0, $3  }
0x15: {  	_ =	sdelay $0x1  }
0x16: {  	s12 =	sshra.s32 s11, $0x2  }
0x17: {  	s11 =	sadd.s32 $0x40, s11;
	[tilespmem:s12+$0x4E80] =	vst v0  }
0x18: {  	s12 =	simm.s32 $0x0;
	s11 =	simm.s32 $0x40  }
.LBB2_4:
0x19: {  	p0 =	sne.s32 s11, $0x13840;
	v2 =	vld [tilespmem:s12+$0x0];
	_ =	sdelay $0x3  }
.Ltmp1:
0x1a: {  	(pc) =	sbr.rel @p0 .LBB2_4-.Ltmp1, $2  }
0x1b: {  	_ =	sdelay $0x2  }
0x1c: {  	s12 =	sshra.s32 s11, $0x2;
	s11 =	sadd.s32 $0x40, s11;
	[tilespmem:v2+s9+$0x0] =	vst.idx.add.f32.msk $0xffff, v1  }
0x1d: {  	v2 =	vld [tilespmem:s12+$0x0];
	_ =	sdelay $0x5  }
0x1e: {  	s10 =	sadd.s32 $0x1, s10  }
0x1f: {  	p0 =	sne.s32 s10, s5  }
.Ltmp2:
0x20: {  	[tilespmem:v2+s9+$0x0] =	vst.idx.add.f32.msk $0xffff, v1;
	(pc) =	sbr.rel @p0 .LBB2_1-.Ltmp2, $4  }
0x21: {  	[hbm4b:s4+s6] =	stream.strided.scatter [tilespmem:s9], [sflag:$0x1], $0x2800, s7, s6, $0x38;
	[tilespmem:$0x7680] =	vst v63  }
0x22: {  	_ =	swait.ge [sflag:s8], $0x2800  }
0x23: {  	[sflag:s8] =	ssyncset.done $0x0  }
0x24: {  	[sflag:s8] =	ssyncadd.s32 $0xFFFFD800  }
0x25: {  	_ =	sfence.sel $0x180000  }
0x26: {  	[bflag:$0x0] =	sbarrier.arrive $0xFFFF  }
0x27: {  	p0 =	sne.s32 s1, $0x0;
	_ =	strace $0x90000047  }
0x28: {  	s0 =	sadd.s32 @!p0 $0x100000, s0;
	[bflag:$0x2] =	sbarrier.arrive $0xFFFF  }
0x29: {  	[sflag:s0] =	ssyncadd.tile.s32 @!p0 $0x1;
	_ =	shalt  }
.Lfunc_end2:
_tile_overlayer_lowered:
.L_overlay_start_2:
0x2a: {  	(tag) =	ssettag $0x2  }
0x2b: {  	s0 =	rddreg [dreg:$0x0];
	s2 =	stileid.u32  }
0x2c: {  	s1 =	rddreg [dreg:$0x1];
	p0 =	sne.s32 s2, $0x0  }
0x2d: {  	s3 =	rddreg [dreg:$0x2];
	[bflag:$0x3] =	sbarrier.arrive $0xFFFF;
	s2 =	simm.s32 @!p0 $0x1C01  }
0x2e: {  	[timem:s3], [sflag:s2] =	dma.local @!p0 [hbm:s0], s1  }
0x2f: {  	s0 =	simm.s32 @!p0 $0x1  }
0x30: {  	_ =	swait.ge @!p0 [sflag:s0], s1  }
0x31: {  	s1 =	ssub.s32 @!p0 $0x0, s1;
	[sflag:s0] =	ssyncset.done @!p0 $0x0  }
0x32: {  	[sflag:s0] =	ssyncadd.s32 @!p0 s1  }
0x33: {  	[bflag:$0x3] =	sbarrier.arrive $0xFFFF  }
0x34: {  	_ =	shalt  }

</sc_bundles>
